<compile_context>
chip_gen: v7x
topology: tpu7x:2x2x1
jax: 0.10.2.dev20260603
libtpu: 0.0.44.dev20260713+nightly
codegen_flags: <defaults>
</compile_context>

<pallas_src>
import functools

import jax
import jax.numpy as jnp
from jax import lax
from jax.experimental import pallas as pl
from jax.experimental.pallas import tpu as pltpu
from jax.experimental.pallas import tpu_sc as plsc

N = 10000
E = 320000
D = 128

NC = 2
NS = 16
NW = NC * NS
CHUNK = 128
CPT = 80
PH = 40
EPT = CPT * CHUNK
E_PAD = NW * EPT
N_PAD = 10240
RPT = N_PAD // NS
ZR = 40
ER = E // CHUNK
AUX = 80

_MESH = plsc.VectorSubcoreMesh(
    core_axis_name="c", subcore_axis_name="s", num_cores=NC, num_subcores=NS
)


@functools.partial(
    pl.kernel,
    out_type=jax.ShapeDtypeStruct((NC, N_PAD), jnp.float32),
    mesh=_MESH,
    scratch_types=[
        pltpu.VMEM((CPT, CHUNK), jnp.int32),
        pltpu.VMEM((CHUNK,), jnp.float32),
        pltpu.VMEM((RPT,), jnp.float32),
        pltpu.VMEM_SHARED((N_PAD,), jnp.float32),
    ],
)
def _deg_kernel(e2_hbm, aux_hbm, out_hbm, didx, ones, zrow, deg):
    c = lax.axis_index("c")
    s = lax.axis_index("s")
    wid = s * NC + c

    def fill_ones(k, _):
        ones[pl.ds(k * 16, 16)] = jnp.full((16,), 1.0, jnp.float32)
        return _

    lax.fori_loop(0, CHUNK // 16, fill_ones, None)

    def fill_zeros(k, _):
        zrow[pl.ds(k * 16, 16)] = jnp.zeros((16,), jnp.float32)
        return _

    lax.fori_loop(0, RPT // 16, fill_zeros, None)

    @pl.when(wid != NW - 1)
    def _():
        pltpu.sync_copy(e2_hbm.at[1, pl.ds(wid * CPT, CPT)], didx)

    @pl.when(wid == NW - 1)
    def _():
        pltpu.sync_copy(aux_hbm.at[1], didx)

    pltpu.sync_copy(zrow, deg.at[pl.ds(s * RPT, RPT)])
    plsc.subcore_barrier()

    def chunk(ci, _):
        pltpu.sync_copy(ones, deg.at[didx.at[ci]], add=True)
        return _

    lax.fori_loop(0, CPT, chunk, None)
    plsc.subcore_barrier()
    pltpu.sync_copy(deg.at[pl.ds(s * RPT, RPT)], out_hbm.at[c, pl.ds(s * RPT, RPT)])


@functools.partial(
    pl.kernel,
    out_type=jax.ShapeDtypeStruct((NC, N_PAD, D), jnp.float32),
    mesh=_MESH,
    scratch_types=[
        pltpu.VMEM((PH, CHUNK), jnp.int32),
        pltpu.VMEM((PH, CHUNK), jnp.int32),
        pltpu.VMEM((2, CHUNK, D), jnp.float32),
        pltpu.VMEM((ZR, D), jnp.float32),
        pltpu.VMEM_SHARED((N_PAD, D), jnp.float32),
        pltpu.SemaphoreType.DMA,
        pltpu.SemaphoreType.DMA,
    ],
)
def _hop_kernel(g_hbm, e2_hbm, aux_hbm, out_hbm, sidx, didx, rows,
                zbuf, acc, gs0, gs1):
    gsem = (gs0, gs1)
    c = lax.axis_index("c")
    s = lax.axis_index("s")
    wid = s * NC + c

    def fill_zeros(k, _):
        zbuf[k // 8, pl.ds((k % 8) * 16, 16)] = jnp.zeros((16,), jnp.float32)
        return _

    lax.fori_loop(0, ZR * (D // 16), fill_zeros, None)

    def zero_acc(k, _):
        pltpu.sync_copy(zbuf, acc.at[pl.ds(s * RPT + k * ZR, ZR)])
        return _

    lax.fori_loop(0, RPT // ZR, zero_acc, None)
    plsc.subcore_barrier()

    for p in range(CPT // PH):
        @pl.when(wid != NW - 1)
        def _():
            base = wid * CPT + p * PH
            pltpu.sync_copy(e2_hbm.at[0, pl.ds(base, PH)], sidx)
            pltpu.sync_copy(e2_hbm.at[1, pl.ds(base, PH)], didx)

        @pl.when(wid == NW - 1)
        def _():
            pltpu.sync_copy(aux_hbm.at[0, pl.ds(p * PH, PH)], sidx)
            pltpu.sync_copy(aux_hbm.at[1, pl.ds(p * PH, PH)], didx)
        pltpu.async_copy(g_hbm.at[sidx.at[0]], rows.at[0], gs0)
        pltpu.async_copy(g_hbm.at[sidx.at[1]], rows.at[1], gs1)

        def pair(j, _):
            for bb in range(2):
                k = j * 2 + bb
                pltpu.make_async_copy(
                    g_hbm.at[sidx.at[k]], rows.at[bb], gsem[bb]
                ).wait()
                pltpu.sync_copy(rows.at[bb], acc.at[didx.at[k]], add=True)
                pltpu.async_copy(g_hbm.at[sidx.at[k + 2]], rows.at[bb], gsem[bb])
            return _

        lax.fori_loop(0, PH // 2 - 1, pair, None)

        for k in (PH - 2, PH - 1):
            bb = k % 2
            pltpu.make_async_copy(
                g_hbm.at[sidx.at[k]], rows.at[bb], gsem[bb]
            ).wait()
            pltpu.sync_copy(rows.at[bb], acc.at[didx.at[k]], add=True)

    plsc.subcore_barrier()

    def flush(k, _):
        sl = pl.ds(s * RPT + k * ZR, ZR)
        pltpu.sync_copy(acc.at[sl], out_hbm.at[c, sl])
        return _

    lax.fori_loop(0, RPT // ZR, flush, None)


_ROWS = 1000
_GRID = N // _ROWS


def _scale0_body(deg_ref, x_ref, o_ref):
    dsum = deg_ref[0] + deg_ref[1] + 1.0
    o_ref[...] = lax.rsqrt(dsum) * x_ref[...]


def _scale_mid_body(deg_ref, parts_ref, g_ref, o_ref):
    dsum = deg_ref[0] + deg_ref[1] + 1.0
    o_ref[...] = (parts_ref[0] + parts_ref[1] + g_ref[...]) / dsum


def _final_body(deg_ref, parts_ref, g_ref, w_ref, o_ref):
    dsum = deg_ref[0] + deg_ref[1] + 1.0
    h = lax.rsqrt(dsum) * (parts_ref[0] + parts_ref[1] + g_ref[...])
    o_ref[...] = jnp.dot(h, w_ref[...], preferred_element_type=jnp.float32)


_deg_spec = pl.BlockSpec((NC, _ROWS, 1), lambda i: (0, i, 0))
_row_spec = pl.BlockSpec((_ROWS, D), lambda i: (i, 0))
_parts_spec = pl.BlockSpec((NC, _ROWS, D), lambda i: (0, i, 0))
_w_spec = pl.BlockSpec((D, D), lambda i: (0, 0))
_out_shape = jax.ShapeDtypeStruct((N, D), jnp.float32)

_scale0 = pl.pallas_call(
    _scale0_body, grid=(_GRID,),
    in_specs=[_deg_spec, _row_spec], out_specs=_row_spec, out_shape=_out_shape,
)
_scale_mid = pl.pallas_call(
    _scale_mid_body, grid=(_GRID,),
    in_specs=[_deg_spec, _parts_spec, _row_spec],
    out_specs=_row_spec, out_shape=_out_shape,
)
_final = pl.pallas_call(
    _final_body, grid=(_GRID,),
    in_specs=[_deg_spec, _parts_spec, _row_spec, _w_spec],
    out_specs=_row_spec, out_shape=_out_shape,
)


@jax.jit
def kernel(x, edge_index, W):
    e2 = edge_index.astype(jnp.int32).reshape(2, ER, CHUNK)
    nreal = ER - (NW - 1) * CPT
    npad = AUX - nreal
    ar = jnp.arange(npad * CHUNK, dtype=jnp.int32)
    psrc = (ar % N).reshape(1, npad, CHUNK)
    pdst = (N + 1 + ar % (N_PAD - N - 1)).reshape(1, npad, CHUNK)
    aux = jnp.concatenate(
        [e2[:, (NW - 1) * CPT:], jnp.concatenate([psrc, pdst], 0)], axis=1
    )

    deg_parts = _deg_kernel(e2, aux).reshape(NC, N_PAD, 1)
    g0 = _scale0(deg_parts, x)
    p1 = _hop_kernel(g0, e2, aux)
    g1 = _scale_mid(deg_parts, p1, g0)
    p2 = _hop_kernel(g1, e2, aux)
    return _final(deg_parts, p2, g1, W)

# --- scband reference (transcript-rebuilt; emitter-appended) ---
"""Pipeline reference for scband-sgc-39857296507017 (READ-ONLY COPY).

The authoritative reference and input builder live on the scoring server;
editing this copy changes nothing except your own understanding.
"""

import jax, jax.numpy as jnp
import numpy as np

N_NODES = 10000
N_EDGES = 320000
D_IN = 128
D_OUT = 128
K_HOPS = 2


def setup_inputs(seed: int = 0) -> dict:
    key = jax.random.key(seed)
    k1, k2, k3 = jax.random.split(key, 3)
    x = jax.random.normal(k1, (N_NODES, D_IN), dtype=jnp.float32)
    edge_index = jax.random.randint(k2, (2, N_EDGES), 0, N_NODES, dtype=jnp.int64)
    W = jax.random.normal(k3, (D_IN, D_OUT), dtype=jnp.float32) * (1.0 / np.sqrt(D_IN))
    return {"x": x, "edge_index": edge_index, "W": W}


def reference(x, edge_index, W):
    # SGConv: x' = (D^{-1/2} (A + I) D^{-1/2})^K x W   (no bias)
    N = x.shape[0]
    loop = jnp.arange(N, dtype=edge_index.dtype)
    src = jnp.concatenate([edge_index[0], loop])
    dst = jnp.concatenate([edge_index[1], loop])
    # symmetric GCN normalization (deg computed over dst, incl. self loops)
    deg = jnp.zeros((N,), dtype=x.dtype).at[dst].add(1.0)
    deg_inv_sqrt = jnp.where(deg > 0, deg ** -0.5, 0.0)
    norm = deg_inv_sqrt[src] * deg_inv_sqrt[dst]
    h = x
    for _ in range(K_HOPS):
        msgs = norm[:, None] * jnp.take(h, src, axis=0)
        h = jnp.zeros_like(h).at[dst].add(msgs)
    out = h @ W
    return out

if __name__ == "__main__":
    import jax
    _d = setup_inputs()
    print(jax.jit(kernel)(*tuple(_d.values())))

</pallas_src>

<mosaic_0001>
#map = affine_map<(d0, d1) -> (0, 0)>
#map1 = affine_map<(d0, d1) -> (0, 0, 0)>
module attributes {stable_mosaic.version = 14 : i64} {
  func.func @_hop_kernel(%arg0: i32, %arg1: i32, %arg2: memref<10000x128xf32, #tpu.memory_space<hbm>>, %arg3: memref<2x2500x128xi32, #tpu.memory_space<hbm>>, %arg4: memref<2x80x128xi32, #tpu.memory_space<hbm>>, %arg5: memref<2x10240x128xf32, #tpu.memory_space<hbm>>, %arg6: memref<40x128xi32, #tpu.memory_space<vmem>>, %arg7: memref<40x128xi32, #tpu.memory_space<vmem>>, %arg8: memref<2x128x128xf32, #tpu.memory_space<vmem>>, %arg9: memref<40x128xf32, #tpu.memory_space<vmem>>, %arg10: memref<10240x128xf32, #tpu.memory_space<vmem_shared>>, %arg11: memref<!tpu.dma_semaphore, #tpu.memory_space<semaphore_mem>>, %arg12: memref<!tpu.dma_semaphore, #tpu.memory_space<semaphore_mem>>) attributes {dimension_semantics = [#tpu.dimension_semantics<core_parallel>, #tpu.dimension_semantics<subcore_parallel>], iteration_bounds = array<i64: 2, 16>, scalar_prefetch = 0 : i64, scratch_operands = 7 : i64, tpu.core_type = #tpu.core_type<sc_vector_subcore>, window_params = [{transform_indices = #map}, {transform_indices = #map1}, {transform_indices = #map1}, {transform_indices = #map1}]} {
    %mul3A = arith.constant 2 : i32
    %mul3A_0 = arith.muli %arg1, %mul3A : i32
    %add3A = arith.addi %mul3A_0, %arg0 : i32
    %scan3A = arith.constant 0 : i32
    %scan3A_1 = arith.constant 320 : i32
    %scan3A_2 = arith.addi %scan3A, %scan3A_1 : i32
    %scan3A_3 = arith.constant 1 : i32
    scf.for %scan3A_143 = %scan3A to %scan3A_2 step %scan3A_3  : i32 {
      %broadcast_in_dim3A = arith.constant 0.000000e+00 : f32
      %broadcast_in_dim3A_144 = vector.broadcast %broadcast_in_dim3A : f32 to vector<16xf32>
      %jit3A = arith.constant 8 : i32
      %div3A = arith.divsi %scan3A_143, %jit3A : i32
      %sign3A = arith.constant 0 : i32
      %sign3A_145 = arith.cmpi sgt, %scan3A_143, %sign3A : i32
      %sign3A_146 = arith.extui %sign3A_145 : i1 to i32
      %sign3A_147 = arith.constant 0 : i32
      %sign3A_148 = arith.cmpi slt, %scan3A_143, %sign3A_147 : i32
      %sign3A_149 = arith.extui %sign3A_148 : i1 to i32
      %sign3A_150 = arith.subi %sign3A_146, %sign3A_149 : i32
      %sign3A_151 = arith.constant 0 : i32
      %sign3A_152 = arith.cmpi sgt, %jit3A, %sign3A_151 : i32
      %sign3A_153 = arith.extui %sign3A_152 : i1 to i32
      %sign3A_154 = arith.constant 0 : i32
      %sign3A_155 = arith.cmpi slt, %jit3A, %sign3A_154 : i32
      %sign3A_156 = arith.extui %sign3A_155 : i1 to i32
      %sign3A_157 = arith.subi %sign3A_153, %sign3A_156 : i32
      %ne3A_158 = arith.cmpi ne, %sign3A_150, %sign3A_157 : i32
      %rem3A = arith.remsi %scan3A_143, %jit3A : i32
      %ne3A_159 = arith.constant 0 : i32
      %ne3A_160 = arith.cmpi ne, %rem3A, %ne3A_159 : i32
      %and3A = arith.andi %ne3A_158, %ne3A_160 : i1
      %sub3A = arith.constant 1 : i32
      %sub3A_161 = arith.subi %div3A, %sub3A : i32
      %select_n3A = arith.select %and3A, %sub3A_161, %div3A : i32
      %jit3A_162 = arith.constant 8 : i32
      %eq3A_163 = arith.constant 0 : i32
      %eq3A_164 = arith.cmpi eq, %jit3A_162, %eq3A_163 : i32
      %jit3A_165 = arith.constant 1 : i32
      %select_n3A_166 = arith.select %eq3A_164, %jit3A_165, %jit3A_162 : i32
      %rem3A_167 = arith.remsi %scan3A_143, %select_n3A_166 : i32
      %ne3A_168 = arith.constant 0 : i32
      %ne3A_169 = arith.cmpi ne, %rem3A_167, %ne3A_168 : i32
      %lt3A = arith.constant 0 : i32
      %lt3A_170 = arith.cmpi slt, %rem3A_167, %lt3A : i32
      %lt3A_171 = arith.constant 0 : i32
      %lt3A_172 = arith.cmpi slt, %select_n3A_166, %lt3A_171 : i32
      %ne3A_173 = arith.xori %lt3A_170, %lt3A_172 : i1
      %and3A_174 = arith.andi %ne3A_173, %ne3A_169 : i1
      %add3A_175 = arith.addi %rem3A_167, %select_n3A_166 : i32
      %select_n3A_176 = arith.select %and3A_174, %add3A_175, %rem3A_167 : i32
      %mul3A_177 = arith.constant 16 : i32
      %mul3A_178 = arith.muli %select_n3A_176, %mul3A_177 : i32
      %swap3A = arith.index_cast %select_n3A : i32 to index
      %swap3A_179 = arith.index_cast %mul3A_178 : i32 to index
      %swap3A_180 = tpu.vector_load %arg9[%swap3A, %swap3A_179] {strides = array<i32>} : memref<40x128xf32, #tpu.memory_space<vmem>>, vector<1x16xf32>,
      %swap3A_181 = vector.shape_cast %swap3A_180 : vector<1x16xf32> to vector<16xf32>
      %swap3A_182 = vector.shape_cast %broadcast_in_dim3A_144 : vector<16xf32> to vector<1x16xf32>
      tpu.vector_store %arg9[%swap3A, %swap3A_179], %swap3A_182 {strides = array<i32>} : memref<40x128xf32, #tpu.memory_space<vmem>>, vector<1x16xf32>,
    }
    %scan3A_4 = arith.constant 320 : i32
    %scan3A_5 = arith.constant 0 : i32
    %scan3A_6 = arith.constant 16 : i32
    %scan3A_7 = arith.addi %scan3A_5, %scan3A_6 : i32
    %scan3A_8 = arith.constant 1 : i32
    scf.for %scan3A_143 = %scan3A_5 to %scan3A_7 step %scan3A_8  : i32 {
      %mul3A_144 = arith.constant 640 : i32
      %mul3A_145 = arith.muli %arg1, %mul3A_144 : i32
      %mul3A_146 = arith.constant 40 : i32
      %mul3A_147 = arith.muli %scan3A_143, %mul3A_146 : i32
      %add3A_148 = arith.addi %mul3A_145, %mul3A_147 : i32
      "tpu.region"() ({
        %run_scoped3A_149 = tpu.sem_alloc : memref<!tpu.dma_semaphore, #tpu.memory_space<semaphore_mem>>
        %dma_start3A_150 = arith.constant 0 : i32
        %dma_start3A_151 = tpu.memref_slice %arg10[%add3A_148, %dma_start3A_150] : memref<10240x128xf32, #tpu.memory_space<vmem_shared>> -> memref<40x128xf32, #tpu.memory_space<vmem_shared>>
        %dma_start3A_152 = arith.constant 0 : i32
        %dma_start3A_153 = tpu.memref_slice %arg10[%add3A_148, %dma_start3A_152] : memref<10240x128xf32, #tpu.memory_space<vmem_shared>> -> memref<40x128xf32, #tpu.memory_space<vmem_shared>>
        tpu.enqueue_dma source(%arg9 : memref<40x128xf32, #tpu.memory_space<vmem>>) target(%dma_start3A_153 : memref<40x128xf32, #tpu.memory_space<vmem_shared>>) target_semaphore(%run_scoped3A_149 : memref<!tpu.dma_semaphore, #tpu.memory_space<semaphore_mem>>)
        %dma_wait3A_154 = arith.constant 0 : i32
        %dma_wait3A_155 = tpu.memref_slice %arg10[%add3A_148, %dma_wait3A_154] : memref<10240x128xf32, #tpu.memory_space<vmem_shared>> -> memref<40x128xf32, #tpu.memory_space<vmem_shared>>
        %dma_wait3A_156 = arith.constant 0 : i32
        %dma_wait3A_157 = tpu.memref_slice %arg10[%add3A_148, %dma_wait3A_156] : memref<10240x128xf32, #tpu.memory_space<vmem_shared>> -> memref<40x128xf32, #tpu.memory_space<vmem_shared>>
        tpu.wait_dma2 semaphore(%run_scoped3A_149 : memref<!tpu.dma_semaphore, #tpu.memory_space<semaphore_mem>>) src(%arg9 : memref<40x128xf32, #tpu.memory_space<vmem>>) dst(%dma_wait3A_157 : memref<40x128xf32, #tpu.memory_space<vmem_shared>>)
        tpu.yield
      }) : () -> ()
    }
    %scan3A_9 = arith.constant 16 : i32
    %barrier3A = arith.constant 0 : index
    tpu.barrier barrier_id(%barrier3A)
    %ne3A = arith.constant 31 : i32
    %ne3A_10 = arith.cmpi ne, %add3A, %ne3A : i32
    %convert_element_type3A = arith.extui %ne3A_10 : i1 to i32
    %cond3A = arith.constant 0 : i32
    %cond3A_11 = arith.cmpi ne, %convert_element_type3A, %cond3A : i32
    scf.if %cond3A_11 {
      %mul3A_143 = arith.constant 80 : i32
      %mul3A_144 = arith.muli %add3A, %mul3A_143 : i32
      %add3A_145 = arith.constant 0 : i32
      %add3A_146 = arith.addi %mul3A_144, %add3A_145 : i32
      %run_scoped3A_147 = arith.constant 0 : i32
      "tpu.region"() ({
        %run_scoped3A_149 = tpu.sem_alloc : memref<!tpu.dma_semaphore, #tpu.memory_space<semaphore_mem>>
        %dma_start3A_150 = arith.constant 0 : i32
        %dma_start3A_151 = tpu.memref_slice %arg3[%run_scoped3A_147, %add3A_146, %dma_start3A_150] : memref<2x2500x128xi32, #tpu.memory_space<hbm>> -> memref<1x40x128xi32, #tpu.memory_space<hbm>>
        %dma_start3A_152 = tpu.memref_squeeze %dma_start3A_151 : memref<1x40x128xi32, #tpu.memory_space<hbm>> -> memref<40x128xi32, #tpu.memory_space<hbm>>
        %dma_start3A_153 = arith.constant 0 : i32
        %dma_start3A_154 = tpu.memref_slice %arg3[%run_scoped3A_147, %add3A_146, %dma_start3A_153] : memref<2x2500x128xi32, #tpu.memory_space<hbm>> -> memref<1x40x128xi32, #tpu.memory_space<hbm>>
        %dma_start3A_155 = tpu.memref_squeeze %dma_start3A_154 : memref<1x40x128xi32, #tpu.memory_space<hbm>> -> memref<40x128xi32, #tpu.memory_space<hbm>>
        tpu.enqueue_dma source(%dma_start3A_155 : memref<40x128xi32, #tpu.memory_space<hbm>>) target(%arg6 : memref<40x128xi32, #tpu.memory_space<vmem>>) target_semaphore(%run_scoped3A_149 : memref<!tpu.dma_semaphore, #tpu.memory_space<semaphore_mem>>)
        %dma_wait3A_156 = arith.constant 0 : i32
        %dma_wait3A_157 = tpu.memref_slice %arg3[%run_scoped3A_147, %add3A_146, %dma_wait3A_156] : memref<2x2500x128xi32, #tpu.memory_space<hbm>> -> memref<1x40x128xi32, #tpu.memory_space<hbm>>
        %dma_wait3A_158 = tpu.memref_squeeze %dma_wait3A_157 : memref<1x40x128xi32, #tpu.memory_space<hbm>> -> memref<40x128xi32, #tpu.memory_space<hbm>>
        %dma_wait3A_159 = arith.constant 0 : i32
        %dma_wait3A_160 = tpu.memref_slice %arg3[%run_scoped3A_147, %add3A_146, %dma_wait3A_159] : memref<2x2500x128xi32, #tpu.memory_space<hbm>> -> memref<1x40x128xi32, #tpu.memory_space<hbm>>
        %dma_wait3A_161 = tpu.memref_squeeze %dma_wait3A_160 : memref<1x40x128xi32, #tpu.memory_space<hbm>> -> memref<40x128xi32, #tpu.memory_space<hbm>>
        tpu.wait_dma2 semaphore(%run_scoped3A_149 : memref<!tpu.dma_semaphore, #tpu.memory_space<semaphore_mem>>) src(%dma_wait3A_161 : memref<40x128xi32, #tpu.memory_space<hbm>>) dst(%arg6 : memref<40x128xi32, #tpu.memory_space<vmem>>)
        tpu.yield
      }) : () -> ()
      %run_scoped3A_148 = arith.constant 1 : i32
      "tpu.region"() ({
        %run_scoped3A_149 = tpu.sem_alloc : memref<!tpu.dma_semaphore, #tpu.memory_space<semaphore_mem>>
        %dma_start3A_150 = arith.constant 0 : i32
        %dma_start3A_151 = tpu.memref_slice %arg3[%run_scoped3A_148, %add3A_146, %dma_start3A_150] : memref<2x2500x128xi32, #tpu.memory_space<hbm>> -> memref<1x40x128xi32, #tpu.memory_space<hbm>>
        %dma_start3A_152 = tpu.memref_squeeze %dma_start3A_151 : memref<1x40x128xi32, #tpu.memory_space<hbm>> -> memref<40x128xi32, #tpu.memory_space<hbm>>
        %dma_start3A_153 = arith.constant 0 : i32
        %dma_start3A_154 = tpu.memref_slice %arg3[%run_scoped3A_148, %add3A_146, %dma_start3A_153] : memref<2x2500x128xi32, #tpu.memory_space<hbm>> -> memref<1x40x128xi32, #tpu.memory_space<hbm>>
        %dma_start3A_155 = tpu.memref_squeeze %dma_start3A_154 : memref<1x40x128xi32, #tpu.memory_space<hbm>> -> memref<40x128xi32, #tpu.memory_space<hbm>>
        tpu.enqueue_dma source(%dma_start3A_155 : memref<40x128xi32, #tpu.memory_space<hbm>>) target(%arg7 : memref<40x128xi32, #tpu.memory_space<vmem>>) target_semaphore(%run_scoped3A_149 : memref<!tpu.dma_semaphore, #tpu.memory_space<semaphore_mem>>)
        %dma_wait3A_156 = arith.constant 0 : i32
        %dma_wait3A_157 = tpu.memref_slice %arg3[%run_scoped3A_148, %add3A_146, %dma_wait3A_156] : memref<2x2500x128xi32, #tpu.memory_space<hbm>> -> memref<1x40x128xi32, #tpu.memory_space<hbm>>
        %dma_wait3A_158 = tpu.memref_squeeze %dma_wait3A_157 : memref<1x40x128xi32, #tpu.memory_space<hbm>> -> memref<40x128xi32, #tpu.memory_space<hbm>>
        %dma_wait3A_159 = arith.constant 0 : i32
        %dma_wait3A_160 = tpu.memref_slice %arg3[%run_scoped3A_148, %add3A_146, %dma_wait3A_159] : memref<2x2500x128xi32, #tpu.memory_space<hbm>> -> memref<1x40x128xi32, #tpu.memory_space<hbm>>
        %dma_wait3A_161 = tpu.memref_squeeze %dma_wait3A_160 : memref<1x40x128xi32, #tpu.memory_space<hbm>> -> memref<40x128xi32, #tpu.memory_space<hbm>>
        tpu.wait_dma2 semaphore(%run_scoped3A_149 : memref<!tpu.dma_semaphore, #tpu.memory_space<semaphore_mem>>) src(%dma_wait3A_161 : memref<40x128xi32, #tpu.memory_space<hbm>>) dst(%arg7 : memref<40x128xi32, #tpu.memory_space<vmem>>)
        tpu.yield
      }) : () -> ()
    } else {
    }
    %eq3A = arith.constant 31 : i32
    %eq3A_12 = arith.cmpi eq, %add3A, %eq3A : i32
    %convert_element_type3A_13 = arith.extui %eq3A_12 : i1 to i32
    %cond3A_14 = arith.constant 0 : i32
    %cond3A_15 = arith.cmpi ne, %convert_element_type3A_13, %cond3A_14 : i32
    scf.if %cond3A_15 {
      %run_scoped3A_143 = arith.constant 0 : i32
      "tpu.region"() ({
        %run_scoped3A_145 = tpu.sem_alloc : memref<!tpu.dma_semaphore, #tpu.memory_space<semaphore_mem>>
        %dma_start3A_146 = arith.constant 0 : i32
        %dma_start3A_147 = arith.constant 0 : i32
        %dma_start3A_148 = tpu.memref_slice %arg4[%run_scoped3A_143, %dma_start3A_146, %dma_start3A_147] : memref<2x80x128xi32, #tpu.memory_space<hbm>> -> memref<1x40x128xi32, #tpu.memory_space<hbm>>
        %dma_start3A_149 = tpu.memref_squeeze %dma_start3A_148 : memref<1x40x128xi32, #tpu.memory_space<hbm>> -> memref<40x128xi32, #tpu.memory_space<hbm>>
        %dma_start3A_150 = arith.constant 0 : i32
        %dma_start3A_151 = arith.constant 0 : i32
        %dma_start3A_152 = tpu.memref_slice %arg4[%run_scoped3A_143, %dma_start3A_150, %dma_start3A_151] : memref<2x80x128xi32, #tpu.memory_space<hbm>> -> memref<1x40x128xi32, #tpu.memory_space<hbm>>
        %dma_start3A_153 = tpu.memref_squeeze %dma_start3A_152 : memref<1x40x128xi32, #tpu.memory_space<hbm>> -> memref<40x128xi32, #tpu.memory_space<hbm>>
        tpu.enqueue_dma source(%dma_start3A_153 : memref<40x128xi32, #tpu.memory_space<hbm>>) target(%arg6 : memref<40x128xi32, #tpu.memory_space<vmem>>) target_semaphore(%run_scoped3A_145 : memref<!tpu.dma_semaphore, #tpu.memory_space<semaphore_mem>>)
        %dma_wait3A_154 = arith.constant 0 : i32
        %dma_wait3A_155 = arith.constant 0 : i32
        %dma_wait3A_156 = tpu.memref_slice %arg4[%run_scoped3A_143, %dma_wait3A_154, %dma_wait3A_155] : memref<2x80x128xi32, #tpu.memory_space<hbm>> -> memref<1x40x128xi32, #tpu.memory_space<hbm>>
        %dma_wait3A_157 = tpu.memref_squeeze %dma_wait3A_156 : memref<1x40x128xi32, #tpu.memory_space<hbm>> -> memref<40x128xi32, #tpu.memory_space<hbm>>
        %dma_wait3A_158 = arith.constant 0 : i32
        %dma_wait3A_159 = arith.constant 0 : i32
        %dma_wait3A_160 = tpu.memref_slice %arg4[%run_scoped3A_143, %dma_wait3A_158, %dma_wait3A_159] : memref<2x80x128xi32, #tpu.memory_space<hbm>> -> memref<1x40x128xi32, #tpu.memory_space<hbm>>
        %dma_wait3A_161 = tpu.memref_squeeze %dma_wait3A_160 : memref<1x40x128xi32, #tpu.memory_space<hbm>> -> memref<40x128xi32, #tpu.memory_space<hbm>>
        tpu.wait_dma2 semaphore(%run_scoped3A_145 : memref<!tpu.dma_semaphore, #tpu.memory_space<semaphore_mem>>) src(%dma_wait3A_161 : memref<40x128xi32, #tpu.memory_space<hbm>>) dst(%arg6 : memref<40x128xi32, #tpu.memory_space<vmem>>)
        tpu.yield
      }) : () -> ()
      %run_scoped3A_144 = arith.constant 1 : i32
      "tpu.region"() ({
        %run_scoped3A_145 = tpu.sem_alloc : memref<!tpu.dma_semaphore, #tpu.memory_space<semaphore_mem>>
        %dma_start3A_146 = arith.constant 0 : i32
        %dma_start3A_147 = arith.constant 0 : i32
        %dma_start3A_148 = tpu.memref_slice %arg4[%run_scoped3A_144, %dma_start3A_146, %dma_start3A_147] : memref<2x80x128xi32, #tpu.memory_space<hbm>> -> memref<1x40x128xi32, #tpu.memory_space<hbm>>
        %dma_start3A_149 = tpu.memref_squeeze %dma_start3A_148 : memref<1x40x128xi32, #tpu.memory_space<hbm>> -> memref<40x128xi32, #tpu.memory_space<hbm>>
        %dma_start3A_150 = arith.constant 0 : i32
        %dma_start3A_151 = arith.constant 0 : i32
        %dma_start3A_152 = tpu.memref_slice %arg4[%run_scoped3A_144, %dma_start3A_150, %dma_start3A_151] : memref<2x80x128xi32, #tpu.memory_space<hbm>> -> memref<1x40x128xi32, #tpu.memory_space<hbm>>
        %dma_start3A_153 = tpu.memref_squeeze %dma_start3A_152 : memref<1x40x128xi32, #tpu.memory_space<hbm>> -> memref<40x128xi32, #tpu.memory_space<hbm>>
        tpu.enqueue_dma source(%dma_start3A_153 : memref<40x128xi32, #tpu.memory_space<hbm>>) target(%arg7 : memref<40x128xi32, #tpu.memory_space<vmem>>) target_semaphore(%run_scoped3A_145 : memref<!tpu.dma_semaphore, #tpu.memory_space<semaphore_mem>>)
        %dma_wait3A_154 = arith.constant 0 : i32
        %dma_wait3A_155 = arith.constant 0 : i32
        %dma_wait3A_156 = tpu.memref_slice %arg4[%run_scoped3A_144, %dma_wait3A_154, %dma_wait3A_155] : memref<2x80x128xi32, #tpu.memory_space<hbm>> -> memref<1x40x128xi32, #tpu.memory_space<hbm>>
        %dma_wait3A_157 = tpu.memref_squeeze %dma_wait3A_156 : memref<1x40x128xi32, #tpu.memory_space<hbm>> -> memref<40x128xi32, #tpu.memory_space<hbm>>
        %dma_wait3A_158 = arith.constant 0 : i32
        %dma_wait3A_159 = arith.constant 0 : i32
        %dma_wait3A_160 = tpu.memref_slice %arg4[%run_scoped3A_144, %dma_wait3A_158, %dma_wait3A_159] : memref<2x80x128xi32, #tpu.memory_space<hbm>> -> memref<1x40x128xi32, #tpu.memory_space<hbm>>
        %dma_wait3A_161 = tpu.memref_squeeze %dma_wait3A_160 : memref<1x40x128xi32, #tpu.memory_space<hbm>> -> memref<40x128xi32, #tpu.memory_space<hbm>>
        tpu.wait_dma2 semaphore(%run_scoped3A_145 : memref<!tpu.dma_semaphore, #tpu.memory_space<semaphore_mem>>) src(%dma_wait3A_161 : memref<40x128xi32, #tpu.memory_space<hbm>>) dst(%arg7 : memref<40x128xi32, #tpu.memory_space<vmem>>)
        tpu.yield
      }) : () -> ()
    } else {
    }
    %dma_start3A = arith.constant 0 : i32
    %dma_start3A_16 = arith.constant 0 : i32
    %dma_start3A_17 = arith.constant 0 : i32
    %dma_start3A_18 = arith.constant 0 : i32
    %dma_start3A_19 = tpu.memref_slice %arg8[%dma_start3A_16, %dma_start3A_17, %dma_start3A_18] : memref<2x128x128xf32, #tpu.memory_space<vmem>> -> memref<1x128x128xf32, #tpu.memory_space<vmem>>
    %dma_start3A_20 = tpu.memref_squeeze %dma_start3A_19 : memref<1x128x128xf32, #tpu.memory_space<vmem>> -> memref<128x128xf32, #tpu.memory_space<vmem>>
    %dma_start3A_21 = arith.constant 0 : i32
    %dma_start3A_22 = tpu.memref_slice %arg6[%dma_start3A, %dma_start3A_21] : memref<40x128xi32, #tpu.memory_space<vmem>> -> memref<1x128xi32, #tpu.memory_space<vmem>>
    %dma_start3A_23 = tpu.memref_squeeze %dma_start3A_22 : memref<1x128xi32, #tpu.memory_space<vmem>> -> memref<128xi32, #tpu.memory_space<vmem>>
    %dma_start3A_24 = arith.constant 0 : i32
    %dma_start3A_25 = arith.constant 0 : i32
    %dma_start3A_26 = tpu.memref_slice %arg2[%dma_start3A_24, %dma_start3A_25] : memref<10000x128xf32, #tpu.memory_space<hbm>> -> memref<10000x128xf32, #tpu.memory_space<hbm>>
    tpu.enqueue_indirect_dma source(%dma_start3A_26 : memref<10000x128xf32, #tpu.memory_space<hbm>>) target(%dma_start3A_20 : memref<128x128xf32, #tpu.memory_space<vmem>>) offsets(%dma_start3A_23 : memref<128xi32, #tpu.memory_space<vmem>>) semaphore(%arg11 : memref<!tpu.dma_semaphore, #tpu.memory_space<semaphore_mem>>)
    %dma_start3A_27 = arith.constant 1 : i32
    %dma_start3A_28 = arith.constant 1 : i32
    %dma_start3A_29 = arith.constant 0 : i32
    %dma_start3A_30 = arith.constant 0 : i32
    %dma_start3A_31 = tpu.memref_slice %arg8[%dma_start3A_28, %dma_start3A_29, %dma_start3A_30] : memref<2x128x128xf32, #tpu.memory_space<vmem>> -> memref<1x128x128xf32, #tpu.memory_space<vmem>>
    %dma_start3A_32 = tpu.memref_squeeze %dma_start3A_31 : memref<1x128x128xf32, #tpu.memory_space<vmem>> -> memref<128x128xf32, #tpu.memory_space<vmem>>
    %dma_start3A_33 = arith.constant 0 : i32
    %dma_start3A_34 = tpu.memref_slice %arg6[%dma_start3A_27, %dma_start3A_33] : memref<40x128xi32, #tpu.memory_space<vmem>> -> memref<1x128xi32, #tpu.memory_space<vmem>>
    %dma_start3A_35 = tpu.memref_squeeze %dma_start3A_34 : memref<1x128xi32, #tpu.memory_space<vmem>> -> memref<128xi32, #tpu.memory_space<vmem>>
    %dma_start3A_36 = arith.constant 0 : i32
    %dma_start3A_37 = arith.constant 0 : i32
    %dma_start3A_38 = tpu.memref_slice %arg2[%dma_start3A_36, %dma_start3A_37] : memref<10000x128xf32, #tpu.memory_space<hbm>> -> memref<10000x128xf32, #tpu.memory_space<hbm>>
    tpu.enqueue_indirect_dma source(%dma_start3A_38 : memref<10000x128xf32, #tpu.memory_space<hbm>>) target(%dma_start3A_32 : memref<128x128xf32, #tpu.memory_space<vmem>>) offsets(%dma_start3A_35 : memref<128xi32, #tpu.memory_space<vmem>>) semaphore(%arg12 : memref<!tpu.dma_semaphore, #tpu.memory_space<semaphore_mem>>)
    %scan3A_39 = arith.constant 0 : i32
    %scan3A_40 = arith.constant 19 : i32
    %scan3A_41 = arith.addi %scan3A_39, %scan3A_40 : i32
    %scan3A_42 = arith.constant 1 : i32
    scf.for %scan3A_143 = %scan3A_39 to %scan3A_41 step %scan3A_42  : i32 {
      %mul3A_144 = arith.constant 2 : i32
      %mul3A_145 = arith.muli %scan3A_143, %mul3A_144 : i32
      %add3A_146 = arith.constant 0 : i32
      %add3A_147 = arith.addi %mul3A_145, %add3A_146 : i32
      %dma_wait3A_148 = arith.constant 0 : i32
      %dma_wait3A_149 = arith.constant 0 : i32
      %dma_wait3A_150 = arith.constant 0 : i32
      %dma_wait3A_151 = tpu.memref_slice %arg8[%dma_wait3A_148, %dma_wait3A_149, %dma_wait3A_150] : memref<2x128x128xf32, #tpu.memory_space<vmem>> -> memref<1x128x128xf32, #tpu.memory_space<vmem>>
      %dma_wait3A_152 = tpu.memref_squeeze %dma_wait3A_151 : memref<1x128x128xf32, #tpu.memory_space<vmem>> -> memref<128x128xf32, #tpu.memory_space<vmem>>
      %dma_wait3A_153 = arith.constant 0 : i32
      %dma_wait3A_154 = tpu.memref_slice %arg6[%add3A_147, %dma_wait3A_153] : memref<40x128xi32, #tpu.memory_space<vmem>> -> memref<1x128xi32, #tpu.memory_space<vmem>>
      %dma_wait3A_155 = tpu.memref_squeeze %dma_wait3A_154 : memref<1x128xi32, #tpu.memory_space<vmem>> -> memref<128xi32, #tpu.memory_space<vmem>>
      %dma_wait3A_156 = arith.constant 0 : i32
      %dma_wait3A_157 = arith.constant 0 : i32
      %dma_wait3A_158 = tpu.memref_slice %arg2[%dma_wait3A_156, %dma_wait3A_157] : memref<10000x128xf32, #tpu.memory_space<hbm>> -> memref<10000x128xf32, #tpu.memory_space<hbm>>
      tpu.wait_indirect_dma semaphore(%arg11 : memref<!tpu.dma_semaphore, #tpu.memory_space<semaphore_mem>>) src(%dma_wait3A_158 : memref<10000x128xf32, #tpu.memory_space<hbm>>) dst(%dma_wait3A_152 : memref<128x128xf32, #tpu.memory_space<vmem>>)
      %run_scoped3A_159 = arith.constant 0 : i32
      "tpu.region"() ({
        %run_scoped3A_202 = tpu.sem_alloc : memref<!tpu.dma_semaphore, #tpu.memory_space<semaphore_mem>>
        %dma_start3A_203 = arith.constant 0 : i32
        %dma_start3A_204 = arith.constant 0 : i32
        %dma_start3A_205 = tpu.memref_slice %arg8[%run_scoped3A_159, %dma_start3A_203, %dma_start3A_204] : memref<2x128x128xf32, #tpu.memory_space<vmem>> -> memref<1x128x128xf32, #tpu.memory_space<vmem>>
        %dma_start3A_206 = tpu.memref_squeeze %dma_start3A_205 : memref<1x128x128xf32, #tpu.memory_space<vmem>> -> memref<128x128xf32, #tpu.memory_space<vmem>>
        %dma_start3A_207 = arith.constant 0 : i32
        %dma_start3A_208 = tpu.memref_slice %arg7[%add3A_147, %dma_start3A_207] : memref<40x128xi32, #tpu.memory_space<vmem>> -> memref<1x128xi32, #tpu.memory_space<vmem>>
        %dma_start3A_209 = tpu.memref_squeeze %dma_start3A_208 : memref<1x128xi32, #tpu.memory_space<vmem>> -> memref<128xi32, #tpu.memory_space<vmem>>
        %dma_start3A_210 = arith.constant 0 : i32
        %dma_start3A_211 = arith.constant 0 : i32
        %dma_start3A_212 = tpu.memref_slice %arg10[%dma_start3A_210, %dma_start3A_211] : memref<10240x128xf32, #tpu.memory_space<vmem_shared>> -> memref<10240x128xf32, #tpu.memory_space<vmem_shared>>
        tpu.enqueue_indirect_dma source(%dma_start3A_206 : memref<128x128xf32, #tpu.memory_space<vmem>>) target(%dma_start3A_212 : memref<10240x128xf32, #tpu.memory_space<vmem_shared>>) offsets(%dma_start3A_209 : memref<128xi32, #tpu.memory_space<vmem>>) semaphore(%run_scoped3A_202 : memref<!tpu.dma_semaphore, #tpu.memory_space<semaphore_mem>>) {add = true}
        %dma_wait3A_213 = arith.constant 0 : i32
        %dma_wait3A_214 = arith.constant 0 : i32
        %dma_wait3A_215 = tpu.memref_slice %arg8[%run_scoped3A_159, %dma_wait3A_213, %dma_wait3A_214] : memref<2x128x128xf32, #tpu.memory_space<vmem>> -> memref<1x128x128xf32, #tpu.memory_space<vmem>>
        %dma_wait3A_216 = tpu.memref_squeeze %dma_wait3A_215 : memref<1x128x128xf32, #tpu.memory_space<vmem>> -> memref<128x128xf32, #tpu.memory_space<vmem>>
        %dma_wait3A_217 = arith.constant 0 : i32
        %dma_wait3A_218 = tpu.memref_slice %arg7[%add3A_147, %dma_wait3A_217] : memref<40x128xi32, #tpu.memory_space<vmem>> -> memref<1x128xi32, #tpu.memory_space<vmem>>
        %dma_wait3A_219 = tpu.memref_squeeze %dma_wait3A_218 : memref<1x128xi32, #tpu.memory_space<vmem>> -> memref<128xi32, #tpu.memory_space<vmem>>
        %dma_wait3A_220 = arith.constant 0 : i32
        %dma_wait3A_221 = arith.constant 0 : i32
        %dma_wait3A_222 = tpu.memref_slice %arg10[%dma_wait3A_220, %dma_wait3A_221] : memref<10240x128xf32, #tpu.memory_space<vmem_shared>> -> memref<10240x128xf32, #tpu.memory_space<vmem_shared>>
        tpu.wait_indirect_dma semaphore(%run_scoped3A_202 : memref<!tpu.dma_semaphore, #tpu.memory_space<semaphore_mem>>) src(%dma_wait3A_216 : memref<128x128xf32, #tpu.memory_space<vmem>>) dst(%dma_wait3A_222 : memref<10240x128xf32, #tpu.memory_space<vmem_shared>>)
        tpu.yield
      }) : () -> ()
      %add3A_160 = arith.constant 2 : i32
      %add3A_161 = arith.addi %add3A_147, %add3A_160 : i32
      %dma_start3A_162 = arith.constant 0 : i32
      %dma_start3A_163 = arith.constant 0 : i32
      %dma_start3A_164 = arith.constant 0 : i32
      %dma_start3A_165 = tpu.memref_slice %arg8[%dma_start3A_162, %dma_start3A_163, %dma_start3A_164] : memref<2x128x128xf32, #tpu.memory_space<vmem>> -> memref<1x128x128xf32, #tpu.memory_space<vmem>>
      %dma_start3A_166 = tpu.memref_squeeze %dma_start3A_165 : memref<1x128x128xf32, #tpu.memory_space<vmem>> -> memref<128x128xf32, #tpu.memory_space<vmem>>
      %dma_start3A_167 = arith.constant 0 : i32
      %dma_start3A_168 = tpu.memref_slice %arg6[%add3A_161, %dma_start3A_167] : memref<40x128xi32, #tpu.memory_space<vmem>> -> memref<1x128xi32, #tpu.memory_space<vmem>>
      %dma_start3A_169 = tpu.memref_squeeze %dma_start3A_168 : memref<1x128xi32, #tpu.memory_space<vmem>> -> memref<128xi32, #tpu.memory_space<vmem>>
      %dma_start3A_170 = arith.constant 0 : i32
      %dma_start3A_171 = arith.constant 0 : i32
      %dma_start3A_172 = tpu.memref_slice %arg2[%dma_start3A_170, %dma_start3A_171] : memref<10000x128xf32, #tpu.memory_space<hbm>> -> memref<10000x128xf32, #tpu.memory_space<hbm>>
      tpu.enqueue_indirect_dma source(%dma_start3A_172 : memref<10000x128xf32, #tpu.memory_space<hbm>>) target(%dma_start3A_166 : memref<128x128xf32, #tpu.memory_space<vmem>>) offsets(%dma_start3A_169 : memref<128xi32, #tpu.memory_space<vmem>>) semaphore(%arg11 : memref<!tpu.dma_semaphore, #tpu.memory_space<semaphore_mem>>)
      %mul3A_173 = arith.constant 2 : i32
      %mul3A_174 = arith.muli %scan3A_143, %mul3A_173 : i32
      %add3A_175 = arith.constant 1 : i32
      %add3A_176 = arith.addi %mul3A_174, %add3A_175 : i32
      %dma_wait3A_177 = arith.constant 1 : i32
      %dma_wait3A_178 = arith.constant 0 : i32
      %dma_wait3A_179 = arith.constant 0 : i32
      %dma_wait3A_180 = tpu.memref_slice %arg8[%dma_wait3A_177, %dma_wait3A_178, %dma_wait3A_179] : memref<2x128x128xf32, #tpu.memory_space<vmem>> -> memref<1x128x128xf32, #tpu.memory_space<vmem>>
      %dma_wait3A_181 = tpu.memref_squeeze %dma_wait3A_180 : memref<1x128x128xf32, #tpu.memory_space<vmem>> -> memref<128x128xf32, #tpu.memory_space<vmem>>
      %dma_wait3A_182 = arith.constant 0 : i32
      %dma_wait3A_183 = tpu.memref_slice %arg6[%add3A_176, %dma_wait3A_182] : memref<40x128xi32, #tpu.memory_space<vmem>> -> memref<1x128xi32, #tpu.memory_space<vmem>>
      %dma_wait3A_184 = tpu.memref_squeeze %dma_wait3A_183 : memref<1x128xi32, #tpu.memory_space<vmem>> -> memref<128xi32, #tpu.memory_space<vmem>>
      %dma_wait3A_185 = arith.constant 0 : i32
      %dma_wait3A_186 = arith.constant 0 : i32
      %dma_wait3A_187 = tpu.memref_slice %arg2[%dma_wait3A_185, %dma_wait3A_186] : memref<10000x128xf32, #tpu.memory_space<hbm>> -> memref<10000x128xf32, #tpu.memory_space<hbm>>
      tpu.wait_indirect_dma semaphore(%arg12 : memref<!tpu.dma_semaphore, #tpu.memory_space<semaphore_mem>>) src(%dma_wait3A_187 : memref<10000x128xf32, #tpu.memory_space<hbm>>) dst(%dma_wait3A_181 : memref<128x128xf32, #tpu.memory_space<vmem>>)
      %run_scoped3A_188 = arith.constant 1 : i32
      "tpu.region"() ({
        %run_scoped3A_202 = tpu.sem_alloc : memref<!tpu.dma_semaphore, #tpu.memory_space<semaphore_mem>>
        %dma_start3A_203 = arith.constant 0 : i32
        %dma_start3A_204 = arith.constant 0 : i32
        %dma_start3A_205 = tpu.memref_slice %arg8[%run_scoped3A_188, %dma_start3A_203, %dma_start3A_204] : memref<2x128x128xf32, #tpu.memory_space<vmem>> -> memref<1x128x128xf32, #tpu.memory_space<vmem>>
        %dma_start3A_206 = tpu.memref_squeeze %dma_start3A_205 : memref<1x128x128xf32, #tpu.memory_space<vmem>> -> memref<128x128xf32, #tpu.memory_space<vmem>>
        %dma_start3A_207 = arith.constant 0 : i32
        %dma_start3A_208 = tpu.memref_slice %arg7[%add3A_176, %dma_start3A_207] : memref<40x128xi32, #tpu.memory_space<vmem>> -> memref<1x128xi32, #tpu.memory_space<vmem>>
        %dma_start3A_209 = tpu.memref_squeeze %dma_start3A_208 : memref<1x128xi32, #tpu.memory_space<vmem>> -> memref<128xi32, #tpu.memory_space<vmem>>
        %dma_start3A_210 = arith.constant 0 : i32
        %dma_start3A_211 = arith.constant 0 : i32
        %dma_start3A_212 = tpu.memref_slice %arg10[%dma_start3A_210, %dma_start3A_211] : memref<10240x128xf32, #tpu.memory_space<vmem_shared>> -> memref<10240x128xf32, #tpu.memory_space<vmem_shared>>
        tpu.enqueue_indirect_dma source(%dma_start3A_206 : memref<128x128xf32, #tpu.memory_space<vmem>>) target(%dma_start3A_212 : memref<10240x128xf32, #tpu.memory_space<vmem_shared>>) offsets(%dma_start3A_209 : memref<128xi32, #tpu.memory_space<vmem>>) semaphore(%run_scoped3A_202 : memref<!tpu.dma_semaphore, #tpu.memory_space<semaphore_mem>>) {add = true}
        %dma_wait3A_213 = arith.constant 0 : i32
        %dma_wait3A_214 = arith.constant 0 : i32
        %dma_wait3A_215 = tpu.memref_slice %arg8[%run_scoped3A_188, %dma_wait3A_213, %dma_wait3A_214] : memref<2x128x128xf32, #tpu.memory_space<vmem>> -> memref<1x128x128xf32, #tpu.memory_space<vmem>>
        %dma_wait3A_216 = tpu.memref_squeeze %dma_wait3A_215 : memref<1x128x128xf32, #tpu.memory_space<vmem>> -> memref<128x128xf32, #tpu.memory_space<vmem>>
        %dma_wait3A_217 = arith.constant 0 : i32
        %dma_wait3A_218 = tpu.memref_slice %arg7[%add3A_176, %dma_wait3A_217] : memref<40x128xi32, #tpu.memory_space<vmem>> -> memref<1x128xi32, #tpu.memory_space<vmem>>
        %dma_wait3A_219 = tpu.memref_squeeze %dma_wait3A_218 : memref<1x128xi32, #tpu.memory_space<vmem>> -> memref<128xi32, #tpu.memory_space<vmem>>
        %dma_wait3A_220 = arith.constant 0 : i32
        %dma_wait3A_221 = arith.constant 0 : i32
        %dma_wait3A_222 = tpu.memref_slice %arg10[%dma_wait3A_220, %dma_wait3A_221] : memref<10240x128xf32, #tpu.memory_space<vmem_shared>> -> memref<10240x128xf32, #tpu.memory_space<vmem_shared>>
        tpu.wait_indirect_dma semaphore(%run_scoped3A_202 : memref<!tpu.dma_semaphore, #tpu.memory_space<semaphore_mem>>) src(%dma_wait3A_216 : memref<128x128xf32, #tpu.memory_space<vmem>>) dst(%dma_wait3A_222 : memref<10240x128xf32, #tpu.memory_space<vmem_shared>>)
        tpu.yield
      }) : () -> ()
      %add3A_189 = arith.constant 2 : i32
      %add3A_190 = arith.addi %add3A_176, %add3A_189 : i32
      %dma_start3A_191 = arith.constant 1 : i32
      %dma_start3A_192 = arith.constant 0 : i32
      %dma_start3A_193 = arith.constant 0 : i32
      %dma_start3A_194 = tpu.memref_slice %arg8[%dma_start3A_191, %dma_start3A_192, %dma_start3A_193] : memref<2x128x128xf32, #tpu.memory_space<vmem>> -> memref<1x128x128xf32, #tpu.memory_space<vmem>>
      %dma_start3A_195 = tpu.memref_squeeze %dma_start3A_194 : memref<1x128x128xf32, #tpu.memory_space<vmem>> -> memref<128x128xf32, #tpu.memory_space<vmem>>
      %dma_start3A_196 = arith.constant 0 : i32
      %dma_start3A_197 = tpu.memref_slice %arg6[%add3A_190, %dma_start3A_196] : memref<40x128xi32, #tpu.memory_space<vmem>> -> memref<1x128xi32, #tpu.memory_space<vmem>>
      %dma_start3A_198 = tpu.memref_squeeze %dma_start3A_197 : memref<1x128xi32, #tpu.memory_space<vmem>> -> memref<128xi32, #tpu.memory_space<vmem>>
      %dma_start3A_199 = arith.constant 0 : i32
      %dma_start3A_200 = arith.constant 0 : i32
      %dma_start3A_201 = tpu.memref_slice %arg2[%dma_start3A_199, %dma_start3A_200] : memref<10000x128xf32, #tpu.memory_space<hbm>> -> memref<10000x128xf32, #tpu.memory_space<hbm>>
      tpu.enqueue_indirect_dma source(%dma_start3A_201 : memref<10000x128xf32, #tpu.memory_space<hbm>>) target(%dma_start3A_195 : memref<128x128xf32, #tpu.memory_space<vmem>>) offsets(%dma_start3A_198 : memref<128xi32, #tpu.memory_space<vmem>>) semaphore(%arg12 : memref<!tpu.dma_semaphore, #tpu.memory_space<semaphore_mem>>)
    }
    %scan3A_43 = arith.constant 19 : i32
    %dma_wait3A = arith.constant 38 : i32
    %dma_wait3A_44 = arith.constant 0 : i32
    %dma_wait3A_45 = arith.constant 0 : i32
    %dma_wait3A_46 = arith.constant 0 : i32
    %dma_wait3A_47 = tpu.memref_slice %arg8[%dma_wait3A_44, %dma_wait3A_45, %dma_wait3A_46] : memref<2x128x128xf32, #tpu.memory_space<vmem>> -> memref<1x128x128xf32, #tpu.memory_space<vmem>>
    %dma_wait3A_48 = tpu.memref_squeeze %dma_wait3A_47 : memref<1x128x128xf32, #tpu.memory_space<vmem>> -> memref<128x128xf32, #tpu.memory_space<vmem>>
    %dma_wait3A_49 = arith.constant 0 : i32
    %dma_wait3A_50 = tpu.memref_slice %arg6[%dma_wait3A, %dma_wait3A_49] : memref<40x128xi32, #tpu.memory_space<vmem>> -> memref<1x128xi32, #tpu.memory_space<vmem>>
    %dma_wait3A_51 = tpu.memref_squeeze %dma_wait3A_50 : memref<1x128xi32, #tpu.memory_space<vmem>> -> memref<128xi32, #tpu.memory_space<vmem>>
    %dma_wait3A_52 = arith.constant 0 : i32
    %dma_wait3A_53 = arith.constant 0 : i32
    %dma_wait3A_54 = tpu.memref_slice %arg2[%dma_wait3A_52, %dma_wait3A_53] : memref<10000x128xf32, #tpu.memory_space<hbm>> -> memref<10000x128xf32, #tpu.memory_space<hbm>>
    tpu.wait_indirect_dma semaphore(%arg11 : memref<!tpu.dma_semaphore, #tpu.memory_space<semaphore_mem>>) src(%dma_wait3A_54 : memref<10000x128xf32, #tpu.memory_space<hbm>>) dst(%dma_wait3A_48 : memref<128x128xf32, #tpu.memory_space<vmem>>)
    %run_scoped3A = arith.constant 0 : i32
    %run_scoped3A_55 = arith.constant 38 : i32
    "tpu.region"() ({
      %run_scoped3A_143 = tpu.sem_alloc : memref<!tpu.dma_semaphore, #tpu.memory_space<semaphore_mem>>
      %dma_start3A_144 = arith.constant 0 : i32
      %dma_start3A_145 = arith.constant 0 : i32
      %dma_start3A_146 = tpu.memref_slice %arg8[%run_scoped3A, %dma_start3A_144, %dma_start3A_145] : memref<2x128x128xf32, #tpu.memory_space<vmem>> -> memref<1x128x128xf32, #tpu.memory_space<vmem>>
      %dma_start3A_147 = tpu.memref_squeeze %dma_start3A_146 : memref<1x128x128xf32, #tpu.memory_space<vmem>> -> memref<128x128xf32, #tpu.memory_space<vmem>>
      %dma_start3A_148 = arith.constant 0 : i32
      %dma_start3A_149 = tpu.memref_slice %arg7[%run_scoped3A_55, %dma_start3A_148] : memref<40x128xi32, #tpu.memory_space<vmem>> -> memref<1x128xi32, #tpu.memory_space<vmem>>
      %dma_start3A_150 = tpu.memref_squeeze %dma_start3A_149 : memref<1x128xi32, #tpu.memory_space<vmem>> -> memref<128xi32, #tpu.memory_space<vmem>>
      %dma_start3A_151 = arith.constant 0 : i32
      %dma_start3A_152 = arith.constant 0 : i32
      %dma_start3A_153 = tpu.memref_slice %arg10[%dma_start3A_151, %dma_start3A_152] : memref<10240x128xf32, #tpu.memory_space<vmem_shared>> -> memref<10240x128xf32, #tpu.memory_space<vmem_shared>>
      tpu.enqueue_indirect_dma source(%dma_start3A_147 : memref<128x128xf32, #tpu.memory_space<vmem>>) target(%dma_start3A_153 : memref<10240x128xf32, #tpu.memory_space<vmem_shared>>) offsets(%dma_start3A_150 : memref<128xi32, #tpu.memory_space<vmem>>) semaphore(%run_scoped3A_143 : memref<!tpu.dma_semaphore, #tpu.memory_space<semaphore_mem>>) {add = true}
      %dma_wait3A_154 = arith.constant 0 : i32
      %dma_wait3A_155 = arith.constant 0 : i32
      %dma_wait3A_156 = tpu.memref_slice %arg8[%run_scoped3A, %dma_wait3A_154, %dma_wait3A_155] : memref<2x128x128xf32, #tpu.memory_space<vmem>> -> memref<1x128x128xf32, #tpu.memory_space<vmem>>
      %dma_wait3A_157 = tpu.memref_squeeze %dma_wait3A_156 : memref<1x128x128xf32, #tpu.memory_space<vmem>> -> memref<128x128xf32, #tpu.memory_space<vmem>>
      %dma_wait3A_158 = arith.constant 0 : i32
      %dma_wait3A_159 = tpu.memref_slice %arg7[%run_scoped3A_55, %dma_wait3A_158] : memref<40x128xi32, #tpu.memory_space<vmem>> -> memref<1x128xi32, #tpu.memory_space<vmem>>
      %dma_wait3A_160 = tpu.memref_squeeze %dma_wait3A_159 : memref<1x128xi32, #tpu.memory_space<vmem>> -> memref<128xi32, #tpu.memory_space<vmem>>
      %dma_wait3A_161 = arith.constant 0 : i32
      %dma_wait3A_162 = arith.constant 0 : i32
      %dma_wait3A_163 = tpu.memref_slice %arg10[%dma_wait3A_161, %dma_wait3A_162] : memref<10240x128xf32, #tpu.memory_space<vmem_shared>> -> memref<10240x128xf32, #tpu.memory_space<vmem_shared>>
      tpu.wait_indirect_dma semaphore(%run_scoped3A_143 : memref<!tpu.dma_semaphore, #tpu.memory_space<semaphore_mem>>) src(%dma_wait3A_157 : memref<128x128xf32, #tpu.memory_space<vmem>>) dst(%dma_wait3A_163 : memref<10240x128xf32, #tpu.memory_space<vmem_shared>>)
      tpu.yield
    }) : () -> ()
    %dma_wait3A_56 = arith.constant 39 : i32
    %dma_wait3A_57 = arith.constant 1 : i32
    %dma_wait3A_58 = arith.constant 0 : i32
    %dma_wait3A_59 = arith.constant 0 : i32
    %dma_wait3A_60 = tpu.memref_slice %arg8[%dma_wait3A_57, %dma_wait3A_58, %dma_wait3A_59] : memref<2x128x128xf32, #tpu.memory_space<vmem>> -> memref<1x128x128xf32, #tpu.memory_space<vmem>>
    %dma_wait3A_61 = tpu.memref_squeeze %dma_wait3A_60 : memref<1x128x128xf32, #tpu.memory_space<vmem>> -> memref<128x128xf32, #tpu.memory_space<vmem>>
    %dma_wait3A_62 = arith.constant 0 : i32
    %dma_wait3A_63 = tpu.memref_slice %arg6[%dma_wait3A_56, %dma_wait3A_62] : memref<40x128xi32, #tpu.memory_space<vmem>> -> memref<1x128xi32, #tpu.memory_space<vmem>>
    %dma_wait3A_64 = tpu.memref_squeeze %dma_wait3A_63 : memref<1x128xi32, #tpu.memory_space<vmem>> -> memref<128xi32, #tpu.memory_space<vmem>>
    %dma_wait3A_65 = arith.constant 0 : i32
    %dma_wait3A_66 = arith.constant 0 : i32
    %dma_wait3A_67 = tpu.memref_slice %arg2[%dma_wait3A_65, %dma_wait3A_66] : memref<10000x128xf32, #tpu.memory_space<hbm>> -> memref<10000x128xf32, #tpu.memory_space<hbm>>
    tpu.wait_indirect_dma semaphore(%arg12 : memref<!tpu.dma_semaphore, #tpu.memory_space<semaphore_mem>>) src(%dma_wait3A_67 : memref<10000x128xf32, #tpu.memory_space<hbm>>) dst(%dma_wait3A_61 : memref<128x128xf32, #tpu.memory_space<vmem>>)
    %run_scoped3A_68 = arith.constant 1 : i32
    %run_scoped3A_69 = arith.constant 39 : i32
    "tpu.region"() ({
      %run_scoped3A_143 = tpu.sem_alloc : memref<!tpu.dma_semaphore, #tpu.memory_space<semaphore_mem>>
      %dma_start3A_144 = arith.constant 0 : i32
      %dma_start3A_145 = arith.constant 0 : i32
      %dma_start3A_146 = tpu.memref_slice %arg8[%run_scoped3A_68, %dma_start3A_144, %dma_start3A_145] : memref<2x128x128xf32, #tpu.memory_space<vmem>> -> memref<1x128x128xf32, #tpu.memory_space<vmem>>
      %dma_start3A_147 = tpu.memref_squeeze %dma_start3A_146 : memref<1x128x128xf32, #tpu.memory_space<vmem>> -> memref<128x128xf32, #tpu.memory_space<vmem>>
      %dma_start3A_148 = arith.constant 0 : i32
      %dma_start3A_149 = tpu.memref_slice %arg7[%run_scoped3A_69, %dma_start3A_148] : memref<40x128xi32, #tpu.memory_space<vmem>> -> memref<1x128xi32, #tpu.memory_space<vmem>>
      %dma_start3A_150 = tpu.memref_squeeze %dma_start3A_149 : memref<1x128xi32, #tpu.memory_space<vmem>> -> memref<128xi32, #tpu.memory_space<vmem>>
      %dma_start3A_151 = arith.constant 0 : i32
      %dma_start3A_152 = arith.constant 0 : i32
      %dma_start3A_153 = tpu.memref_slice %arg10[%dma_start3A_151, %dma_start3A_152] : memref<10240x128xf32, #tpu.memory_space<vmem_shared>> -> memref<10240x128xf32, #tpu.memory_space<vmem_shared>>
      tpu.enqueue_indirect_dma source(%dma_start3A_147 : memref<128x128xf32, #tpu.memory_space<vmem>>) target(%dma_start3A_153 : memref<10240x128xf32, #tpu.memory_space<vmem_shared>>) offsets(%dma_start3A_150 : memref<128xi32, #tpu.memory_space<vmem>>) semaphore(%run_scoped3A_143 : memref<!tpu.dma_semaphore, #tpu.memory_space<semaphore_mem>>) {add = true}
      %dma_wait3A_154 = arith.constant 0 : i32
      %dma_wait3A_155 = arith.constant 0 : i32
      %dma_wait3A_156 = tpu.memref_slice %arg8[%run_scoped3A_68, %dma_wait3A_154, %dma_wait3A_155] : memref<2x128x128xf32, #tpu.memory_space<vmem>> -> memref<1x128x128xf32, #tpu.memory_space<vmem>>
      %dma_wait3A_157 = tpu.memref_squeeze %dma_wait3A_156 : memref<1x128x128xf32, #tpu.memory_space<vmem>> -> memref<128x128xf32, #tpu.memory_space<vmem>>
      %dma_wait3A_158 = arith.constant 0 : i32
      %dma_wait3A_159 = tpu.memref_slice %arg7[%run_scoped3A_69, %dma_wait3A_158] : memref<40x128xi32, #tpu.memory_space<vmem>> -> memref<1x128xi32, #tpu.memory_space<vmem>>
      %dma_wait3A_160 = tpu.memref_squeeze %dma_wait3A_159 : memref<1x128xi32, #tpu.memory_space<vmem>> -> memref<128xi32, #tpu.memory_space<vmem>>
      %dma_wait3A_161 = arith.constant 0 : i32
      %dma_wait3A_162 = arith.constant 0 : i32
      %dma_wait3A_163 = tpu.memref_slice %arg10[%dma_wait3A_161, %dma_wait3A_162] : memref<10240x128xf32, #tpu.memory_space<vmem_shared>> -> memref<10240x128xf32, #tpu.memory_space<vmem_shared>>
      tpu.wait_indirect_dma semaphore(%run_scoped3A_143 : memref<!tpu.dma_semaphore, #tpu.memory_space<semaphore_mem>>) src(%dma_wait3A_157 : memref<128x128xf32, #tpu.memory_space<vmem>>) dst(%dma_wait3A_163 : memref<10240x128xf32, #tpu.memory_space<vmem_shared>>)
      tpu.yield
    }) : () -> ()
    %ne3A_70 = arith.constant 31 : i32
    %ne3A_71 = arith.cmpi ne, %add3A, %ne3A_70 : i32
    %convert_element_type3A_72 = arith.extui %ne3A_71 : i1 to i32
    %cond3A_73 = arith.constant 0 : i32
    %cond3A_74 = arith.cmpi ne, %convert_element_type3A_72, %cond3A_73 : i32
    scf.if %cond3A_74 {
      %mul3A_143 = arith.constant 80 : i32
      %mul3A_144 = arith.muli %add3A, %mul3A_143 : i32
      %add3A_145 = arith.constant 40 : i32
      %add3A_146 = arith.addi %mul3A_144, %add3A_145 : i32
      %run_scoped3A_147 = arith.constant 0 : i32
      "tpu.region"() ({
        %run_scoped3A_149 = tpu.sem_alloc : memref<!tpu.dma_semaphore, #tpu.memory_space<semaphore_mem>>
        %dma_start3A_150 = arith.constant 0 : i32
        %dma_start3A_151 = tpu.memref_slice %arg3[%run_scoped3A_147, %add3A_146, %dma_start3A_150] : memref<2x2500x128xi32, #tpu.memory_space<hbm>> -> memref<1x40x128xi32, #tpu.memory_space<hbm>>
        %dma_start3A_152 = tpu.memref_squeeze %dma_start3A_151 : memref<1x40x128xi32, #tpu.memory_space<hbm>> -> memref<40x128xi32, #tpu.memory_space<hbm>>
        %dma_start3A_153 = arith.constant 0 : i32
        %dma_start3A_154 = tpu.memref_slice %arg3[%run_scoped3A_147, %add3A_146, %dma_start3A_153] : memref<2x2500x128xi32, #tpu.memory_space<hbm>> -> memref<1x40x128xi32, #tpu.memory_space<hbm>>
        %dma_start3A_155 = tpu.memref_squeeze %dma_start3A_154 : memref<1x40x128xi32, #tpu.memory_space<hbm>> -> memref<40x128xi32, #tpu.memory_space<hbm>>
        tpu.enqueue_dma source(%dma_start3A_155 : memref<40x128xi32, #tpu.memory_space<hbm>>) target(%arg6 : memref<40x128xi32, #tpu.memory_space<vmem>>) target_semaphore(%run_scoped3A_149 : memref<!tpu.dma_semaphore, #tpu.memory_space<semaphore_mem>>)
        %dma_wait3A_156 = arith.constant 0 : i32
        %dma_wait3A_157 = tpu.memref_slice %arg3[%run_scoped3A_147, %add3A_146, %dma_wait3A_156] : memref<2x2500x128xi32, #tpu.memory_space<hbm>> -> memref<1x40x128xi32, #tpu.memory_space<hbm>>
        %dma_wait3A_158 = tpu.memref_squeeze %dma_wait3A_157 : memref<1x40x128xi32, #tpu.memory_space<hbm>> -> memref<40x128xi32, #tpu.memory_space<hbm>>
        %dma_wait3A_159 = arith.constant 0 : i32
        %dma_wait3A_160 = tpu.memref_slice %arg3[%run_scoped3A_147, %add3A_146, %dma_wait3A_159] : memref<2x2500x128xi32, #tpu.memory_space<hbm>> -> memref<1x40x128xi32, #tpu.memory_space<hbm>>
        %dma_wait3A_161 = tpu.memref_squeeze %dma_wait3A_160 : memref<1x40x128xi32, #tpu.memory_space<hbm>> -> memref<40x128xi32, #tpu.memory_space<hbm>>
        tpu.wait_dma2 semaphore(%run_scoped3A_149 : memref<!tpu.dma_semaphore, #tpu.memory_space<semaphore_mem>>) src(%dma_wait3A_161 : memref<40x128xi32, #tpu.memory_space<hbm>>) dst(%arg6 : memref<40x128xi32, #tpu.memory_space<vmem>>)
        tpu.yield
      }) : () -> ()
      %run_scoped3A_148 = arith.constant 1 : i32
      "tpu.region"() ({
        %run_scoped3A_149 = tpu.sem_alloc : memref<!tpu.dma_semaphore, #tpu.memory_space<semaphore_mem>>
        %dma_start3A_150 = arith.constant 0 : i32
        %dma_start3A_151 = tpu.memref_slice %arg3[%run_scoped3A_148, %add3A_146, %dma_start3A_150] : memref<2x2500x128xi32, #tpu.memory_space<hbm>> -> memref<1x40x128xi32, #tpu.memory_space<hbm>>
        %dma_start3A_152 = tpu.memref_squeeze %dma_start3A_151 : memref<1x40x128xi32, #tpu.memory_space<hbm>> -> memref<40x128xi32, #tpu.memory_space<hbm>>
        %dma_start3A_153 = arith.constant 0 : i32
        %dma_start3A_154 = tpu.memref_slice %arg3[%run_scoped3A_148, %add3A_146, %dma_start3A_153] : memref<2x2500x128xi32, #tpu.memory_space<hbm>> -> memref<1x40x128xi32, #tpu.memory_space<hbm>>
        %dma_start3A_155 = tpu.memref_squeeze %dma_start3A_154 : memref<1x40x128xi32, #tpu.memory_space<hbm>> -> memref<40x128xi32, #tpu.memory_space<hbm>>
        tpu.enqueue_dma source(%dma_start3A_155 : memref<40x128xi32, #tpu.memory_space<hbm>>) target(%arg7 : memref<40x128xi32, #tpu.memory_space<vmem>>) target_semaphore(%run_scoped3A_149 : memref<!tpu.dma_semaphore, #tpu.memory_space<semaphore_mem>>)
        %dma_wait3A_156 = arith.constant 0 : i32
        %dma_wait3A_157 = tpu.memref_slice %arg3[%run_scoped3A_148, %add3A_146, %dma_wait3A_156] : memref<2x2500x128xi32, #tpu.memory_space<hbm>> -> memref<1x40x128xi32, #tpu.memory_space<hbm>>
        %dma_wait3A_158 = tpu.memref_squeeze %dma_wait3A_157 : memref<1x40x128xi32, #tpu.memory_space<hbm>> -> memref<40x128xi32, #tpu.memory_space<hbm>>
        %dma_wait3A_159 = arith.constant 0 : i32
        %dma_wait3A_160 = tpu.memref_slice %arg3[%run_scoped3A_148, %add3A_146, %dma_wait3A_159] : memref<2x2500x128xi32, #tpu.memory_space<hbm>> -> memref<1x40x128xi32, #tpu.memory_space<hbm>>
        %dma_wait3A_161 = tpu.memref_squeeze %dma_wait3A_160 : memref<1x40x128xi32, #tpu.memory_space<hbm>> -> memref<40x128xi32, #tpu.memory_space<hbm>>
        tpu.wait_dma2 semaphore(%run_scoped3A_149 : memref<!tpu.dma_semaphore, #tpu.memory_space<semaphore_mem>>) src(%dma_wait3A_161 : memref<40x128xi32, #tpu.memory_space<hbm>>) dst(%arg7 : memref<40x128xi32, #tpu.memory_space<vmem>>)
        tpu.yield
      }) : () -> ()
    } else {
    }
    %eq3A_75 = arith.constant 31 : i32
    %eq3A_76 = arith.cmpi eq, %add3A, %eq3A_75 : i32
    %convert_element_type3A_77 = arith.extui %eq3A_76 : i1 to i32
    %cond3A_78 = arith.constant 0 : i32
    %cond3A_79 = arith.cmpi ne, %convert_element_type3A_77, %cond3A_78 : i32
    scf.if %cond3A_79 {
      %run_scoped3A_143 = arith.constant 0 : i32
      "tpu.region"() ({
        %run_scoped3A_145 = tpu.sem_alloc : memref<!tpu.dma_semaphore, #tpu.memory_space<semaphore_mem>>
        %dma_start3A_146 = arith.constant 40 : i32
        %dma_start3A_147 = arith.constant 0 : i32
        %dma_start3A_148 = tpu.memref_slice %arg4[%run_scoped3A_143, %dma_start3A_146, %dma_start3A_147] : memref<2x80x128xi32, #tpu.memory_space<hbm>> -> memref<1x40x128xi32, #tpu.memory_space<hbm>>
        %dma_start3A_149 = tpu.memref_squeeze %dma_start3A_148 : memref<1x40x128xi32, #tpu.memory_space<hbm>> -> memref<40x128xi32, #tpu.memory_space<hbm>>
        %dma_start3A_150 = arith.constant 40 : i32
        %dma_start3A_151 = arith.constant 0 : i32
        %dma_start3A_152 = tpu.memref_slice %arg4[%run_scoped3A_143, %dma_start3A_150, %dma_start3A_151] : memref<2x80x128xi32, #tpu.memory_space<hbm>> -> memref<1x40x128xi32, #tpu.memory_space<hbm>>
        %dma_start3A_153 = tpu.memref_squeeze %dma_start3A_152 : memref<1x40x128xi32, #tpu.memory_space<hbm>> -> memref<40x128xi32, #tpu.memory_space<hbm>>
        tpu.enqueue_dma source(%dma_start3A_153 : memref<40x128xi32, #tpu.memory_space<hbm>>) target(%arg6 : memref<40x128xi32, #tpu.memory_space<vmem>>) target_semaphore(%run_scoped3A_145 : memref<!tpu.dma_semaphore, #tpu.memory_space<semaphore_mem>>)
        %dma_wait3A_154 = arith.constant 40 : i32
        %dma_wait3A_155 = arith.constant 0 : i32
        %dma_wait3A_156 = tpu.memref_slice %arg4[%run_scoped3A_143, %dma_wait3A_154, %dma_wait3A_155] : memref<2x80x128xi32, #tpu.memory_space<hbm>> -> memref<1x40x128xi32, #tpu.memory_space<hbm>>
        %dma_wait3A_157 = tpu.memref_squeeze %dma_wait3A_156 : memref<1x40x128xi32, #tpu.memory_space<hbm>> -> memref<40x128xi32, #tpu.memory_space<hbm>>
        %dma_wait3A_158 = arith.constant 40 : i32
        %dma_wait3A_159 = arith.constant 0 : i32
        %dma_wait3A_160 = tpu.memref_slice %arg4[%run_scoped3A_143, %dma_wait3A_158, %dma_wait3A_159] : memref<2x80x128xi32, #tpu.memory_space<hbm>> -> memref<1x40x128xi32, #tpu.memory_space<hbm>>
        %dma_wait3A_161 = tpu.memref_squeeze %dma_wait3A_160 : memref<1x40x128xi32, #tpu.memory_space<hbm>> -> memref<40x128xi32, #tpu.memory_space<hbm>>
        tpu.wait_dma2 semaphore(%run_scoped3A_145 : memref<!tpu.dma_semaphore, #tpu.memory_space<semaphore_mem>>) src(%dma_wait3A_161 : memref<40x128xi32, #tpu.memory_space<hbm>>) dst(%arg6 : memref<40x128xi32, #tpu.memory_space<vmem>>)
        tpu.yield
      }) : () -> ()
      %run_scoped3A_144 = arith.constant 1 : i32
      "tpu.region"() ({
        %run_scoped3A_145 = tpu.sem_alloc : memref<!tpu.dma_semaphore, #tpu.memory_space<semaphore_mem>>
        %dma_start3A_146 = arith.constant 40 : i32
        %dma_start3A_147 = arith.constant 0 : i32
        %dma_start3A_148 = tpu.memref_slice %arg4[%run_scoped3A_144, %dma_start3A_146, %dma_start3A_147] : memref<2x80x128xi32, #tpu.memory_space<hbm>> -> memref<1x40x128xi32, #tpu.memory_space<hbm>>
        %dma_start3A_149 = tpu.memref_squeeze %dma_start3A_148 : memref<1x40x128xi32, #tpu.memory_space<hbm>> -> memref<40x128xi32, #tpu.memory_space<hbm>>
        %dma_start3A_150 = arith.constant 40 : i32
        %dma_start3A_151 = arith.constant 0 : i32
        %dma_start3A_152 = tpu.memref_slice %arg4[%run_scoped3A_144, %dma_start3A_150, %dma_start3A_151] : memref<2x80x128xi32, #tpu.memory_space<hbm>> -> memref<1x40x128xi32, #tpu.memory_space<hbm>>
        %dma_start3A_153 = tpu.memref_squeeze %dma_start3A_152 : memref<1x40x128xi32, #tpu.memory_space<hbm>> -> memref<40x128xi32, #tpu.memory_space<hbm>>
        tpu.enqueue_dma source(%dma_start3A_153 : memref<40x128xi32, #tpu.memory_space<hbm>>) target(%arg7 : memref<40x128xi32, #tpu.memory_space<vmem>>) target_semaphore(%run_scoped3A_145 : memref<!tpu.dma_semaphore, #tpu.memory_space<semaphore_mem>>)
        %dma_wait3A_154 = arith.constant 40 : i32
        %dma_wait3A_155 = arith.constant 0 : i32
        %dma_wait3A_156 = tpu.memref_slice %arg4[%run_scoped3A_144, %dma_wait3A_154, %dma_wait3A_155] : memref<2x80x128xi32, #tpu.memory_space<hbm>> -> memref<1x40x128xi32, #tpu.memory_space<hbm>>
        %dma_wait3A_157 = tpu.memref_squeeze %dma_wait3A_156 : memref<1x40x128xi32, #tpu.memory_space<hbm>> -> memref<40x128xi32, #tpu.memory_space<hbm>>
        %dma_wait3A_158 = arith.constant 40 : i32
        %dma_wait3A_159 = arith.constant 0 : i32
        %dma_wait3A_160 = tpu.memref_slice %arg4[%run_scoped3A_144, %dma_wait3A_158, %dma_wait3A_159] : memref<2x80x128xi32, #tpu.memory_space<hbm>> -> memref<1x40x128xi32, #tpu.memory_space<hbm>>
        %dma_wait3A_161 = tpu.memref_squeeze %dma_wait3A_160 : memref<1x40x128xi32, #tpu.memory_space<hbm>> -> memref<40x128xi32, #tpu.memory_space<hbm>>
        tpu.wait_dma2 semaphore(%run_scoped3A_145 : memref<!tpu.dma_semaphore, #tpu.memory_space<semaphore_mem>>) src(%dma_wait3A_161 : memref<40x128xi32, #tpu.memory_space<hbm>>) dst(%arg7 : memref<40x128xi32, #tpu.memory_space<vmem>>)
        tpu.yield
      }) : () -> ()
    } else {
    }
    %dma_start3A_80 = arith.constant 0 : i32
    %dma_start3A_81 = arith.constant 0 : i32
    %dma_start3A_82 = arith.constant 0 : i32
    %dma_start3A_83 = arith.constant 0 : i32
    %dma_start3A_84 = tpu.memref_slice %arg8[%dma_start3A_81, %dma_start3A_82, %dma_start3A_83] : memref<2x128x128xf32, #tpu.memory_space<vmem>> -> memref<1x128x128xf32, #tpu.memory_space<vmem>>
    %dma_start3A_85 = tpu.memref_squeeze %dma_start3A_84 : memref<1x128x128xf32, #tpu.memory_space<vmem>> -> memref<128x128xf32, #tpu.memory_space<vmem>>
    %dma_start3A_86 = arith.constant 0 : i32
    %dma_start3A_87 = tpu.memref_slice %arg6[%dma_start3A_80, %dma_start3A_86] : memref<40x128xi32, #tpu.memory_space<vmem>> -> memref<1x128xi32, #tpu.memory_space<vmem>>
    %dma_start3A_88 = tpu.memref_squeeze %dma_start3A_87 : memref<1x128xi32, #tpu.memory_space<vmem>> -> memref<128xi32, #tpu.memory_space<vmem>>
    %dma_start3A_89 = arith.constant 0 : i32
    %dma_start3A_90 = arith.constant 0 : i32
    %dma_start3A_91 = tpu.memref_slice %arg2[%dma_start3A_89, %dma_start3A_90] : memref<10000x128xf32, #tpu.memory_space<hbm>> -> memref<10000x128xf32, #tpu.memory_space<hbm>>
    tpu.enqueue_indirect_dma source(%dma_start3A_91 : memref<10000x128xf32, #tpu.memory_space<hbm>>) target(%dma_start3A_85 : memref<128x128xf32, #tpu.memory_space<vmem>>) offsets(%dma_start3A_88 : memref<128xi32, #tpu.memory_space<vmem>>) semaphore(%arg11 : memref<!tpu.dma_semaphore, #tpu.memory_space<semaphore_mem>>)
    %dma_start3A_92 = arith.constant 1 : i32
    %dma_start3A_93 = arith.constant 1 : i32
    %dma_start3A_94 = arith.constant 0 : i32
    %dma_start3A_95 = arith.constant 0 : i32
    %dma_start3A_96 = tpu.memref_slice %arg8[%dma_start3A_93, %dma_start3A_94, %dma_start3A_95] : memref<2x128x128xf32, #tpu.memory_space<vmem>> -> memref<1x128x128xf32, #tpu.memory_space<vmem>>
    %dma_start3A_97 = tpu.memref_squeeze %dma_start3A_96 : memref<1x128x128xf32, #tpu.memory_space<vmem>> -> memref<128x128xf32, #tpu.memory_space<vmem>>
    %dma_start3A_98 = arith.constant 0 : i32
    %dma_start3A_99 = tpu.memref_slice %arg6[%dma_start3A_92, %dma_start3A_98] : memref<40x128xi32, #tpu.memory_space<vmem>> -> memref<1x128xi32, #tpu.memory_space<vmem>>
    %dma_start3A_100 = tpu.memref_squeeze %dma_start3A_99 : memref<1x128xi32, #tpu.memory_space<vmem>> -> memref<128xi32, #tpu.memory_space<vmem>>
    %dma_start3A_101 = arith.constant 0 : i32
    %dma_start3A_102 = arith.constant 0 : i32
    %dma_start3A_103 = tpu.memref_slice %arg2[%dma_start3A_101, %dma_start3A_102] : memref<10000x128xf32, #tpu.memory_space<hbm>> -> memref<10000x128xf32, #tpu.memory_space<hbm>>
    tpu.enqueue_indirect_dma source(%dma_start3A_103 : memref<10000x128xf32, #tpu.memory_space<hbm>>) target(%dma_start3A_97 : memref<128x128xf32, #tpu.memory_space<vmem>>) offsets(%dma_start3A_100 : memref<128xi32, #tpu.memory_space<vmem>>) semaphore(%arg12 : memref<!tpu.dma_semaphore, #tpu.memory_space<semaphore_mem>>)
    %scan3A_104 = arith.constant 0 : i32
    %scan3A_105 = arith.constant 19 : i32
    %scan3A_106 = arith.addi %scan3A_104, %scan3A_105 : i32
    %scan3A_107 = arith.constant 1 : i32
    scf.for %scan3A_143 = %scan3A_104 to %scan3A_106 step %scan3A_107  : i32 {
      %mul3A_144 = arith.constant 2 : i32
      %mul3A_145 = arith.muli %scan3A_143, %mul3A_144 : i32
      %add3A_146 = arith.constant 0 : i32
      %add3A_147 = arith.addi %mul3A_145, %add3A_146 : i32
      %dma_wait3A_148 = arith.constant 0 : i32
      %dma_wait3A_149 = arith.constant 0 : i32
      %dma_wait3A_150 = arith.constant 0 : i32
      %dma_wait3A_151 = tpu.memref_slice %arg8[%dma_wait3A_148, %dma_wait3A_149, %dma_wait3A_150] : memref<2x128x128xf32, #tpu.memory_space<vmem>> -> memref<1x128x128xf32, #tpu.memory_space<vmem>>
      %dma_wait3A_152 = tpu.memref_squeeze %dma_wait3A_151 : memref<1x128x128xf32, #tpu.memory_space<vmem>> -> memref<128x128xf32, #tpu.memory_space<vmem>>
      %dma_wait3A_153 = arith.constant 0 : i32
      %dma_wait3A_154 = tpu.memref_slice %arg6[%add3A_147, %dma_wait3A_153] : memref<40x128xi32, #tpu.memory_space<vmem>> -> memref<1x128xi32, #tpu.memory_space<vmem>>
      %dma_wait3A_155 = tpu.memref_squeeze %dma_wait3A_154 : memref<1x128xi32, #tpu.memory_space<vmem>> -> memref<128xi32, #tpu.memory_space<vmem>>
      %dma_wait3A_156 = arith.constant 0 : i32
      %dma_wait3A_157 = arith.constant 0 : i32
      %dma_wait3A_158 = tpu.memref_slice %arg2[%dma_wait3A_156, %dma_wait3A_157] : memref<10000x128xf32, #tpu.memory_space<hbm>> -> memref<10000x128xf32, #tpu.memory_space<hbm>>
      tpu.wait_indirect_dma semaphore(%arg11 : memref<!tpu.dma_semaphore, #tpu.memory_space<semaphore_mem>>) src(%dma_wait3A_158 : memref<10000x128xf32, #tpu.memory_space<hbm>>) dst(%dma_wait3A_152 : memref<128x128xf32, #tpu.memory_space<vmem>>)
      %run_scoped3A_159 = arith.constant 0 : i32
      "tpu.region"() ({
        %run_scoped3A_202 = tpu.sem_alloc : memref<!tpu.dma_semaphore, #tpu.memory_space<semaphore_mem>>
        %dma_start3A_203 = arith.constant 0 : i32
        %dma_start3A_204 = arith.constant 0 : i32
        %dma_start3A_205 = tpu.memref_slice %arg8[%run_scoped3A_159, %dma_start3A_203, %dma_start3A_204] : memref<2x128x128xf32, #tpu.memory_space<vmem>> -> memref<1x128x128xf32, #tpu.memory_space<vmem>>
        %dma_start3A_206 = tpu.memref_squeeze %dma_start3A_205 : memref<1x128x128xf32, #tpu.memory_space<vmem>> -> memref<128x128xf32, #tpu.memory_space<vmem>>
        %dma_start3A_207 = arith.constant 0 : i32
        %dma_start3A_208 = tpu.memref_slice %arg7[%add3A_147, %dma_start3A_207] : memref<40x128xi32, #tpu.memory_space<vmem>> -> memref<1x128xi32, #tpu.memory_space<vmem>>
        %dma_start3A_209 = tpu.memref_squeeze %dma_start3A_208 : memref<1x128xi32, #tpu.memory_space<vmem>> -> memref<128xi32, #tpu.memory_space<vmem>>
        %dma_start3A_210 = arith.constant 0 : i32
        %dma_start3A_211 = arith.constant 0 : i32
        %dma_start3A_212 = tpu.memref_slice %arg10[%dma_start3A_210, %dma_start3A_211] : memref<10240x128xf32, #tpu.memory_space<vmem_shared>> -> memref<10240x128xf32, #tpu.memory_space<vmem_shared>>
        tpu.enqueue_indirect_dma source(%dma_start3A_206 : memref<128x128xf32, #tpu.memory_space<vmem>>) target(%dma_start3A_212 : memref<10240x128xf32, #tpu.memory_space<vmem_shared>>) offsets(%dma_start3A_209 : memref<128xi32, #tpu.memory_space<vmem>>) semaphore(%run_scoped3A_202 : memref<!tpu.dma_semaphore, #tpu.memory_space<semaphore_mem>>) {add = true}
        %dma_wait3A_213 = arith.constant 0 : i32
        %dma_wait3A_214 = arith.constant 0 : i32
        %dma_wait3A_215 = tpu.memref_slice %arg8[%run_scoped3A_159, %dma_wait3A_213, %dma_wait3A_214] : memref<2x128x128xf32, #tpu.memory_space<vmem>> -> memref<1x128x128xf32, #tpu.memory_space<vmem>>
        %dma_wait3A_216 = tpu.memref_squeeze %dma_wait3A_215 : memref<1x128x128xf32, #tpu.memory_space<vmem>> -> memref<128x128xf32, #tpu.memory_space<vmem>>
        %dma_wait3A_217 = arith.constant 0 : i32
        %dma_wait3A_218 = tpu.memref_slice %arg7[%add3A_147, %dma_wait3A_217] : memref<40x128xi32, #tpu.memory_space<vmem>> -> memref<1x128xi32, #tpu.memory_space<vmem>>
        %dma_wait3A_219 = tpu.memref_squeeze %dma_wait3A_218 : memref<1x128xi32, #tpu.memory_space<vmem>> -> memref<128xi32, #tpu.memory_space<vmem>>
        %dma_wait3A_220 = arith.constant 0 : i32
        %dma_wait3A_221 = arith.constant 0 : i32
        %dma_wait3A_222 = tpu.memref_slice %arg10[%dma_wait3A_220, %dma_wait3A_221] : memref<10240x128xf32, #tpu.memory_space<vmem_shared>> -> memref<10240x128xf32, #tpu.memory_space<vmem_shared>>
        tpu.wait_indirect_dma semaphore(%run_scoped3A_202 : memref<!tpu.dma_semaphore, #tpu.memory_space<semaphore_mem>>) src(%dma_wait3A_216 : memref<128x128xf32, #tpu.memory_space<vmem>>) dst(%dma_wait3A_222 : memref<10240x128xf32, #tpu.memory_space<vmem_shared>>)
        tpu.yield
      }) : () -> ()
      %add3A_160 = arith.constant 2 : i32
      %add3A_161 = arith.addi %add3A_147, %add3A_160 : i32
      %dma_start3A_162 = arith.constant 0 : i32
      %dma_start3A_163 = arith.constant 0 : i32
      %dma_start3A_164 = arith.constant 0 : i32
      %dma_start3A_165 = tpu.memref_slice %arg8[%dma_start3A_162, %dma_start3A_163, %dma_start3A_164] : memref<2x128x128xf32, #tpu.memory_space<vmem>> -> memref<1x128x128xf32, #tpu.memory_space<vmem>>
      %dma_start3A_166 = tpu.memref_squeeze %dma_start3A_165 : memref<1x128x128xf32, #tpu.memory_space<vmem>> -> memref<128x128xf32, #tpu.memory_space<vmem>>
      %dma_start3A_167 = arith.constant 0 : i32
      %dma_start3A_168 = tpu.memref_slice %arg6[%add3A_161, %dma_start3A_167] : memref<40x128xi32, #tpu.memory_space<vmem>> -> memref<1x128xi32, #tpu.memory_space<vmem>>
      %dma_start3A_169 = tpu.memref_squeeze %dma_start3A_168 : memref<1x128xi32, #tpu.memory_space<vmem>> -> memref<128xi32, #tpu.memory_space<vmem>>
      %dma_start3A_170 = arith.constant 0 : i32
      %dma_start3A_171 = arith.constant 0 : i32
      %dma_start3A_172 = tpu.memref_slice %arg2[%dma_start3A_170, %dma_start3A_171] : memref<10000x128xf32, #tpu.memory_space<hbm>> -> memref<10000x128xf32, #tpu.memory_space<hbm>>
      tpu.enqueue_indirect_dma source(%dma_start3A_172 : memref<10000x128xf32, #tpu.memory_space<hbm>>) target(%dma_start3A_166 : memref<128x128xf32, #tpu.memory_space<vmem>>) offsets(%dma_start3A_169 : memref<128xi32, #tpu.memory_space<vmem>>) semaphore(%arg11 : memref<!tpu.dma_semaphore, #tpu.memory_space<semaphore_mem>>)
      %mul3A_173 = arith.constant 2 : i32
      %mul3A_174 = arith.muli %scan3A_143, %mul3A_173 : i32
      %add3A_175 = arith.constant 1 : i32
      %add3A_176 = arith.addi %mul3A_174, %add3A_175 : i32
      %dma_wait3A_177 = arith.constant 1 : i32
      %dma_wait3A_178 = arith.constant 0 : i32
      %dma_wait3A_179 = arith.constant 0 : i32
      %dma_wait3A_180 = tpu.memref_slice %arg8[%dma_wait3A_177, %dma_wait3A_178, %dma_wait3A_179] : memref<2x128x128xf32, #tpu.memory_space<vmem>> -> memref<1x128x128xf32, #tpu.memory_space<vmem>>
      %dma_wait3A_181 = tpu.memref_squeeze %dma_wait3A_180 : memref<1x128x128xf32, #tpu.memory_space<vmem>> -> memref<128x128xf32, #tpu.memory_space<vmem>>
      %dma_wait3A_182 = arith.constant 0 : i32
      %dma_wait3A_183 = tpu.memref_slice %arg6[%add3A_176, %dma_wait3A_182] : memref<40x128xi32, #tpu.memory_space<vmem>> -> memref<1x128xi32, #tpu.memory_space<vmem>>
      %dma_wait3A_184 = tpu.memref_squeeze %dma_wait3A_183 : memref<1x128xi32, #tpu.memory_space<vmem>> -> memref<128xi32, #tpu.memory_space<vmem>>
      %dma_wait3A_185 = arith.constant 0 : i32
      %dma_wait3A_186 = arith.constant 0 : i32
      %dma_wait3A_187 = tpu.memref_slice %arg2[%dma_wait3A_185, %dma_wait3A_186] : memref<10000x128xf32, #tpu.memory_space<hbm>> -> memref<10000x128xf32, #tpu.memory_space<hbm>>
      tpu.wait_indirect_dma semaphore(%arg12 : memref<!tpu.dma_semaphore, #tpu.memory_space<semaphore_mem>>) src(%dma_wait3A_187 : memref<10000x128xf32, #tpu.memory_space<hbm>>) dst(%dma_wait3A_181 : memref<128x128xf32, #tpu.memory_space<vmem>>)
      %run_scoped3A_188 = arith.constant 1 : i32
      "tpu.region"() ({
        %run_scoped3A_202 = tpu.sem_alloc : memref<!tpu.dma_semaphore, #tpu.memory_space<semaphore_mem>>
        %dma_start3A_203 = arith.constant 0 : i32
        %dma_start3A_204 = arith.constant 0 : i32
        %dma_start3A_205 = tpu.memref_slice %arg8[%run_scoped3A_188, %dma_start3A_203, %dma_start3A_204] : memref<2x128x128xf32, #tpu.memory_space<vmem>> -> memref<1x128x128xf32, #tpu.memory_space<vmem>>
        %dma_start3A_206 = tpu.memref_squeeze %dma_start3A_205 : memref<1x128x128xf32, #tpu.memory_space<vmem>> -> memref<128x128xf32, #tpu.memory_space<vmem>>
        %dma_start3A_207 = arith.constant 0 : i32
        %dma_start3A_208 = tpu.memref_slice %arg7[%add3A_176, %dma_start3A_207] : memref<40x128xi32, #tpu.memory_space<vmem>> -> memref<1x128xi32, #tpu.memory_space<vmem>>
        %dma_start3A_209 = tpu.memref_squeeze %dma_start3A_208 : memref<1x128xi32, #tpu.memory_space<vmem>> -> memref<128xi32, #tpu.memory_space<vmem>>
        %dma_start3A_210 = arith.constant 0 : i32
        %dma_start3A_211 = arith.constant 0 : i32
        %dma_start3A_212 = tpu.memref_slice %arg10[%dma_start3A_210, %dma_start3A_211] : memref<10240x128xf32, #tpu.memory_space<vmem_shared>> -> memref<10240x128xf32, #tpu.memory_space<vmem_shared>>
        tpu.enqueue_indirect_dma source(%dma_start3A_206 : memref<128x128xf32, #tpu.memory_space<vmem>>) target(%dma_start3A_212 : memref<10240x128xf32, #tpu.memory_space<vmem_shared>>) offsets(%dma_start3A_209 : memref<128xi32, #tpu.memory_space<vmem>>) semaphore(%run_scoped3A_202 : memref<!tpu.dma_semaphore, #tpu.memory_space<semaphore_mem>>) {add = true}
        %dma_wait3A_213 = arith.constant 0 : i32
        %dma_wait3A_214 = arith.constant 0 : i32
        %dma_wait3A_215 = tpu.memref_slice %arg8[%run_scoped3A_188, %dma_wait3A_213, %dma_wait3A_214] : memref<2x128x128xf32, #tpu.memory_space<vmem>> -> memref<1x128x128xf32, #tpu.memory_space<vmem>>
        %dma_wait3A_216 = tpu.memref_squeeze %dma_wait3A_215 : memref<1x128x128xf32, #tpu.memory_space<vmem>> -> memref<128x128xf32, #tpu.memory_space<vmem>>
        %dma_wait3A_217 = arith.constant 0 : i32
        %dma_wait3A_218 = tpu.memref_slice %arg7[%add3A_176, %dma_wait3A_217] : memref<40x128xi32, #tpu.memory_space<vmem>> -> memref<1x128xi32, #tpu.memory_space<vmem>>
        %dma_wait3A_219 = tpu.memref_squeeze %dma_wait3A_218 : memref<1x128xi32, #tpu.memory_space<vmem>> -> memref<128xi32, #tpu.memory_space<vmem>>
        %dma_wait3A_220 = arith.constant 0 : i32
        %dma_wait3A_221 = arith.constant 0 : i32
        %dma_wait3A_222 = tpu.memref_slice %arg10[%dma_wait3A_220, %dma_wait3A_221] : memref<10240x128xf32, #tpu.memory_space<vmem_shared>> -> memref<10240x128xf32, #tpu.memory_space<vmem_shared>>
        tpu.wait_indirect_dma semaphore(%run_scoped3A_202 : memref<!tpu.dma_semaphore, #tpu.memory_space<semaphore_mem>>) src(%dma_wait3A_216 : memref<128x128xf32, #tpu.memory_space<vmem>>) dst(%dma_wait3A_222 : memref<10240x128xf32, #tpu.memory_space<vmem_shared>>)
        tpu.yield
      }) : () -> ()
      %add3A_189 = arith.constant 2 : i32
      %add3A_190 = arith.addi %add3A_176, %add3A_189 : i32
      %dma_start3A_191 = arith.constant 1 : i32
      %dma_start3A_192 = arith.constant 0 : i32
      %dma_start3A_193 = arith.constant 0 : i32
      %dma_start3A_194 = tpu.memref_slice %arg8[%dma_start3A_191, %dma_start3A_192, %dma_start3A_193] : memref<2x128x128xf32, #tpu.memory_space<vmem>> -> memref<1x128x128xf32, #tpu.memory_space<vmem>>
      %dma_start3A_195 = tpu.memref_squeeze %dma_start3A_194 : memref<1x128x128xf32, #tpu.memory_space<vmem>> -> memref<128x128xf32, #tpu.memory_space<vmem>>
      %dma_start3A_196 = arith.constant 0 : i32
      %dma_start3A_197 = tpu.memref_slice %arg6[%add3A_190, %dma_start3A_196] : memref<40x128xi32, #tpu.memory_space<vmem>> -> memref<1x128xi32, #tpu.memory_space<vmem>>
      %dma_start3A_198 = tpu.memref_squeeze %dma_start3A_197 : memref<1x128xi32, #tpu.memory_space<vmem>> -> memref<128xi32, #tpu.memory_space<vmem>>
      %dma_start3A_199 = arith.constant 0 : i32
      %dma_start3A_200 = arith.constant 0 : i32
      %dma_start3A_201 = tpu.memref_slice %arg2[%dma_start3A_199, %dma_start3A_200] : memref<10000x128xf32, #tpu.memory_space<hbm>> -> memref<10000x128xf32, #tpu.memory_space<hbm>>
      tpu.enqueue_indirect_dma source(%dma_start3A_201 : memref<10000x128xf32, #tpu.memory_space<hbm>>) target(%dma_start3A_195 : memref<128x128xf32, #tpu.memory_space<vmem>>) offsets(%dma_start3A_198 : memref<128xi32, #tpu.memory_space<vmem>>) semaphore(%arg12 : memref<!tpu.dma_semaphore, #tpu.memory_space<semaphore_mem>>)
    }
    %scan3A_108 = arith.constant 19 : i32
    %dma_wait3A_109 = arith.constant 38 : i32
    %dma_wait3A_110 = arith.constant 0 : i32
    %dma_wait3A_111 = arith.constant 0 : i32
    %dma_wait3A_112 = arith.constant 0 : i32
    %dma_wait3A_113 = tpu.memref_slice %arg8[%dma_wait3A_110, %dma_wait3A_111, %dma_wait3A_112] : memref<2x128x128xf32, #tpu.memory_space<vmem>> -> memref<1x128x128xf32, #tpu.memory_space<vmem>>
    %dma_wait3A_114 = tpu.memref_squeeze %dma_wait3A_113 : memref<1x128x128xf32, #tpu.memory_space<vmem>> -> memref<128x128xf32, #tpu.memory_space<vmem>>
    %dma_wait3A_115 = arith.constant 0 : i32
    %dma_wait3A_116 = tpu.memref_slice %arg6[%dma_wait3A_109, %dma_wait3A_115] : memref<40x128xi32, #tpu.memory_space<vmem>> -> memref<1x128xi32, #tpu.memory_space<vmem>>
    %dma_wait3A_117 = tpu.memref_squeeze %dma_wait3A_116 : memref<1x128xi32, #tpu.memory_space<vmem>> -> memref<128xi32, #tpu.memory_space<vmem>>
    %dma_wait3A_118 = arith.constant 0 : i32
    %dma_wait3A_119 = arith.constant 0 : i32
    %dma_wait3A_120 = tpu.memref_slice %arg2[%dma_wait3A_118, %dma_wait3A_119] : memref<10000x128xf32, #tpu.memory_space<hbm>> -> memref<10000x128xf32, #tpu.memory_space<hbm>>
    tpu.wait_indirect_dma semaphore(%arg11 : memref<!tpu.dma_semaphore, #tpu.memory_space<semaphore_mem>>) src(%dma_wait3A_120 : memref<10000x128xf32, #tpu.memory_space<hbm>>) dst(%dma_wait3A_114 : memref<128x128xf32, #tpu.memory_space<vmem>>)
    %run_scoped3A_121 = arith.constant 0 : i32
    %run_scoped3A_122 = arith.constant 38 : i32
    "tpu.region"() ({
      %run_scoped3A_143 = tpu.sem_alloc : memref<!tpu.dma_semaphore, #tpu.memory_space<semaphore_mem>>
      %dma_start3A_144 = arith.constant 0 : i32
      %dma_start3A_145 = arith.constant 0 : i32
      %dma_start3A_146 = tpu.memref_slice %arg8[%run_scoped3A_121, %dma_start3A_144, %dma_start3A_145] : memref<2x128x128xf32, #tpu.memory_space<vmem>> -> memref<1x128x128xf32, #tpu.memory_space<vmem>>
      %dma_start3A_147 = tpu.memref_squeeze %dma_start3A_146 : memref<1x128x128xf32, #tpu.memory_space<vmem>> -> memref<128x128xf32, #tpu.memory_space<vmem>>
      %dma_start3A_148 = arith.constant 0 : i32
      %dma_start3A_149 = tpu.memref_slice %arg7[%run_scoped3A_122, %dma_start3A_148] : memref<40x128xi32, #tpu.memory_space<vmem>> -> memref<1x128xi32, #tpu.memory_space<vmem>>
      %dma_start3A_150 = tpu.memref_squeeze %dma_start3A_149 : memref<1x128xi32, #tpu.memory_space<vmem>> -> memref<128xi32, #tpu.memory_space<vmem>>
      %dma_start3A_151 = arith.constant 0 : i32
      %dma_start3A_152 = arith.constant 0 : i32
      %dma_start3A_153 = tpu.memref_slice %arg10[%dma_start3A_151, %dma_start3A_152] : memref<10240x128xf32, #tpu.memory_space<vmem_shared>> -> memref<10240x128xf32, #tpu.memory_space<vmem_shared>>
      tpu.enqueue_indirect_dma source(%dma_start3A_147 : memref<128x128xf32, #tpu.memory_space<vmem>>) target(%dma_start3A_153 : memref<10240x128xf32, #tpu.memory_space<vmem_shared>>) offsets(%dma_start3A_150 : memref<128xi32, #tpu.memory_space<vmem>>) semaphore(%run_scoped3A_143 : memref<!tpu.dma_semaphore, #tpu.memory_space<semaphore_mem>>) {add = true}
      %dma_wait3A_154 = arith.constant 0 : i32
      %dma_wait3A_155 = arith.constant 0 : i32
      %dma_wait3A_156 = tpu.memref_slice %arg8[%run_scoped3A_121, %dma_wait3A_154, %dma_wait3A_155] : memref<2x128x128xf32, #tpu.memory_space<vmem>> -> memref<1x128x128xf32, #tpu.memory_space<vmem>>
      %dma_wait3A_157 = tpu.memref_squeeze %dma_wait3A_156 : memref<1x128x128xf32, #tpu.memory_space<vmem>> -> memref<128x128xf32, #tpu.memory_space<vmem>>
      %dma_wait3A_158 = arith.constant 0 : i32
      %dma_wait3A_159 = tpu.memref_slice %arg7[%run_scoped3A_122, %dma_wait3A_158] : memref<40x128xi32, #tpu.memory_space<vmem>> -> memref<1x128xi32, #tpu.memory_space<vmem>>
      %dma_wait3A_160 = tpu.memref_squeeze %dma_wait3A_159 : memref<1x128xi32, #tpu.memory_space<vmem>> -> memref<128xi32, #tpu.memory_space<vmem>>
      %dma_wait3A_161 = arith.constant 0 : i32
      %dma_wait3A_162 = arith.constant 0 : i32
      %dma_wait3A_163 = tpu.memref_slice %arg10[%dma_wait3A_161, %dma_wait3A_162] : memref<10240x128xf32, #tpu.memory_space<vmem_shared>> -> memref<10240x128xf32, #tpu.memory_space<vmem_shared>>
      tpu.wait_indirect_dma semaphore(%run_scoped3A_143 : memref<!tpu.dma_semaphore, #tpu.memory_space<semaphore_mem>>) src(%dma_wait3A_157 : memref<128x128xf32, #tpu.memory_space<vmem>>) dst(%dma_wait3A_163 : memref<10240x128xf32, #tpu.memory_space<vmem_shared>>)
      tpu.yield
    }) : () -> ()
    %dma_wait3A_123 = arith.constant 39 : i32
    %dma_wait3A_124 = arith.constant 1 : i32
    %dma_wait3A_125 = arith.constant 0 : i32
    %dma_wait3A_126 = arith.constant 0 : i32
    %dma_wait3A_127 = tpu.memref_slice %arg8[%dma_wait3A_124, %dma_wait3A_125, %dma_wait3A_126] : memref<2x128x128xf32, #tpu.memory_space<vmem>> -> memref<1x128x128xf32, #tpu.memory_space<vmem>>
    %dma_wait3A_128 = tpu.memref_squeeze %dma_wait3A_127 : memref<1x128x128xf32, #tpu.memory_space<vmem>> -> memref<128x128xf32, #tpu.memory_space<vmem>>
    %dma_wait3A_129 = arith.constant 0 : i32
    %dma_wait3A_130 = tpu.memref_slice %arg6[%dma_wait3A_123, %dma_wait3A_129] : memref<40x128xi32, #tpu.memory_space<vmem>> -> memref<1x128xi32, #tpu.memory_space<vmem>>
    %dma_wait3A_131 = tpu.memref_squeeze %dma_wait3A_130 : memref<1x128xi32, #tpu.memory_space<vmem>> -> memref<128xi32, #tpu.memory_space<vmem>>
    %dma_wait3A_132 = arith.constant 0 : i32
    %dma_wait3A_133 = arith.constant 0 : i32
    %dma_wait3A_134 = tpu.memref_slice %arg2[%dma_wait3A_132, %dma_wait3A_133] : memref<10000x128xf32, #tpu.memory_space<hbm>> -> memref<10000x128xf32, #tpu.memory_space<hbm>>
    tpu.wait_indirect_dma semaphore(%arg12 : memref<!tpu.dma_semaphore, #tpu.memory_space<semaphore_mem>>) src(%dma_wait3A_134 : memref<10000x128xf32, #tpu.memory_space<hbm>>) dst(%dma_wait3A_128 : memref<128x128xf32, #tpu.memory_space<vmem>>)
    %run_scoped3A_135 = arith.constant 1 : i32
    %run_scoped3A_136 = arith.constant 39 : i32
    "tpu.region"() ({
      %run_scoped3A_143 = tpu.sem_alloc : memref<!tpu.dma_semaphore, #tpu.memory_space<semaphore_mem>>
      %dma_start3A_144 = arith.constant 0 : i32
      %dma_start3A_145 = arith.constant 0 : i32
      %dma_start3A_146 = tpu.memref_slice %arg8[%run_scoped3A_135, %dma_start3A_144, %dma_start3A_145] : memref<2x128x128xf32, #tpu.memory_space<vmem>> -> memref<1x128x128xf32, #tpu.memory_space<vmem>>
      %dma_start3A_147 = tpu.memref_squeeze %dma_start3A_146 : memref<1x128x128xf32, #tpu.memory_space<vmem>> -> memref<128x128xf32, #tpu.memory_space<vmem>>
      %dma_start3A_148 = arith.constant 0 : i32
      %dma_start3A_149 = tpu.memref_slice %arg7[%run_scoped3A_136, %dma_start3A_148] : memref<40x128xi32, #tpu.memory_space<vmem>> -> memref<1x128xi32, #tpu.memory_space<vmem>>
      %dma_start3A_150 = tpu.memref_squeeze %dma_start3A_149 : memref<1x128xi32, #tpu.memory_space<vmem>> -> memref<128xi32, #tpu.memory_space<vmem>>
      %dma_start3A_151 = arith.constant 0 : i32
      %dma_start3A_152 = arith.constant 0 : i32
      %dma_start3A_153 = tpu.memref_slice %arg10[%dma_start3A_151, %dma_start3A_152] : memref<10240x128xf32, #tpu.memory_space<vmem_shared>> -> memref<10240x128xf32, #tpu.memory_space<vmem_shared>>
      tpu.enqueue_indirect_dma source(%dma_start3A_147 : memref<128x128xf32, #tpu.memory_space<vmem>>) target(%dma_start3A_153 : memref<10240x128xf32, #tpu.memory_space<vmem_shared>>) offsets(%dma_start3A_150 : memref<128xi32, #tpu.memory_space<vmem>>) semaphore(%run_scoped3A_143 : memref<!tpu.dma_semaphore, #tpu.memory_space<semaphore_mem>>) {add = true}
      %dma_wait3A_154 = arith.constant 0 : i32
      %dma_wait3A_155 = arith.constant 0 : i32
      %dma_wait3A_156 = tpu.memref_slice %arg8[%run_scoped3A_135, %dma_wait3A_154, %dma_wait3A_155] : memref<2x128x128xf32, #tpu.memory_space<vmem>> -> memref<1x128x128xf32, #tpu.memory_space<vmem>>
      %dma_wait3A_157 = tpu.memref_squeeze %dma_wait3A_156 : memref<1x128x128xf32, #tpu.memory_space<vmem>> -> memref<128x128xf32, #tpu.memory_space<vmem>>
      %dma_wait3A_158 = arith.constant 0 : i32
      %dma_wait3A_159 = tpu.memref_slice %arg7[%run_scoped3A_136, %dma_wait3A_158] : memref<40x128xi32, #tpu.memory_space<vmem>> -> memref<1x128xi32, #tpu.memory_space<vmem>>
      %dma_wait3A_160 = tpu.memref_squeeze %dma_wait3A_159 : memref<1x128xi32, #tpu.memory_space<vmem>> -> memref<128xi32, #tpu.memory_space<vmem>>
      %dma_wait3A_161 = arith.constant 0 : i32
      %dma_wait3A_162 = arith.constant 0 : i32
      %dma_wait3A_163 = tpu.memref_slice %arg10[%dma_wait3A_161, %dma_wait3A_162] : memref<10240x128xf32, #tpu.memory_space<vmem_shared>> -> memref<10240x128xf32, #tpu.memory_space<vmem_shared>>
      tpu.wait_indirect_dma semaphore(%run_scoped3A_143 : memref<!tpu.dma_semaphore, #tpu.memory_space<semaphore_mem>>) src(%dma_wait3A_157 : memref<128x128xf32, #tpu.memory_space<vmem>>) dst(%dma_wait3A_163 : memref<10240x128xf32, #tpu.memory_space<vmem_shared>>)
      tpu.yield
    }) : () -> ()
    %barrier3A_137 = arith.constant 0 : index
    tpu.barrier barrier_id(%barrier3A_137)
    %scan3A_138 = arith.constant 0 : i32
    %scan3A_139 = arith.constant 16 : i32
    %scan3A_140 = arith.addi %scan3A_138, %scan3A_139 : i32
    %scan3A_141 = arith.constant 1 : i32
    scf.for %scan3A_143 = %scan3A_138 to %scan3A_140 step %scan3A_141  : i32 {
      %mul3A_144 = arith.constant 640 : i32
      %mul3A_145 = arith.muli %arg1, %mul3A_144 : i32
      %mul3A_146 = arith.constant 40 : i32
      %mul3A_147 = arith.muli %scan3A_143, %mul3A_146 : i32
      %add3A_148 = arith.addi %mul3A_145, %mul3A_147 : i32
      "tpu.region"() ({
        %run_scoped3A_149 = tpu.sem_alloc : memref<!tpu.dma_semaphore, #tpu.memory_space<semaphore_mem>>
        %dma_start3A_150 = arith.constant 0 : i32
        %dma_start3A_151 = tpu.memref_slice %arg5[%arg0, %add3A_148, %dma_start3A_150] : memref<2x10240x128xf32, #tpu.memory_space<hbm>> -> memref<1x40x128xf32, #tpu.memory_space<hbm>>
        %dma_start3A_152 = tpu.memref_squeeze %dma_start3A_151 : memref<1x40x128xf32, #tpu.memory_space<hbm>> -> memref<40x128xf32, #tpu.memory_space<hbm>>
        %dma_start3A_153 = arith.constant 0 : i32
        %dma_start3A_154 = tpu.memref_slice %arg10[%add3A_148, %dma_start3A_153] : memref<10240x128xf32, #tpu.memory_space<vmem_shared>> -> memref<40x128xf32, #tpu.memory_space<vmem_shared>>
        tpu.enqueue_dma source(%dma_start3A_154 : memref<40x128xf32, #tpu.memory_space<vmem_shared>>) target(%dma_start3A_152 : memref<40x128xf32, #tpu.memory_space<hbm>>) target_semaphore(%run_scoped3A_149 : memref<!tpu.dma_semaphore, #tpu.memory_space<semaphore_mem>>)
        %dma_wait3A_155 = arith.constant 0 : i32
        %dma_wait3A_156 = tpu.memref_slice %arg5[%arg0, %add3A_148, %dma_wait3A_155] : memref<2x10240x128xf32, #tpu.memory_space<hbm>> -> memref<1x40x128xf32, #tpu.memory_space<hbm>>
        %dma_wait3A_157 = tpu.memref_squeeze %dma_wait3A_156 : memref<1x40x128xf32, #tpu.memory_space<hbm>> -> memref<40x128xf32, #tpu.memory_space<hbm>>
        %dma_wait3A_158 = arith.constant 0 : i32
        %dma_wait3A_159 = tpu.memref_slice %arg10[%add3A_148, %dma_wait3A_158] : memref<10240x128xf32, #tpu.memory_space<vmem_shared>> -> memref<40x128xf32, #tpu.memory_space<vmem_shared>>
        tpu.wait_dma2 semaphore(%run_scoped3A_149 : memref<!tpu.dma_semaphore, #tpu.memory_space<semaphore_mem>>) src(%dma_wait3A_159 : memref<40x128xf32, #tpu.memory_space<vmem_shared>>) dst(%dma_wait3A_157 : memref<40x128xf32, #tpu.memory_space<hbm>>)
        tpu.yield
      }) : () -> ()
    }
    %scan3A_142 = arith.constant 16 : i32
    return
  }
}

#map = affine_map<(d0, d1) -> (0, 0, 0)>
#map1 = affine_map<(d0, d1) -> (0, 0)>
module attributes {stable_mosaic.version = 14 : i64} {
  func.func @_deg_kernel(%arg0: i32, %arg1: i32, %arg2: memref<2x2500x128xi32, #tpu.memory_space<hbm>>, %arg3: memref<2x80x128xi32, #tpu.memory_space<hbm>>, %arg4: memref<2x10240xf32, #tpu.memory_space<hbm>>, %arg5: memref<80x128xi32, #tpu.memory_space<vmem>>, %arg6: memref<128xf32, #tpu.memory_space<vmem>>, %arg7: memref<640xf32, #tpu.memory_space<vmem>>, %arg8: memref<10240xf32, #tpu.memory_space<vmem_shared>>) attributes {dimension_semantics = [#tpu.dimension_semantics<core_parallel>, #tpu.dimension_semantics<subcore_parallel>], iteration_bounds = array<i64: 2, 16>, scalar_prefetch = 0 : i64, scratch_operands = 4 : i64, tpu.core_type = #tpu.core_type<sc_vector_subcore>, window_params = [{transform_indices = #map}, {transform_indices = #map}, {transform_indices = #map1}]} {
    %mul3A = arith.constant 2 : i32
    %mul3A_0 = arith.muli %arg1, %mul3A : i32
    %add3A = arith.addi %mul3A_0, %arg0 : i32
    %scan3A = arith.constant 0 : i32
    %scan3A_1 = arith.constant 8 : i32
    %scan3A_2 = arith.addi %scan3A, %scan3A_1 : i32
    %scan3A_3 = arith.constant 1 : i32
    scf.for %scan3A_28 = %scan3A to %scan3A_2 step %scan3A_3  : i32 {
      %broadcast_in_dim3A = arith.constant 1.000000e+00 : f32
      %broadcast_in_dim3A_29 = vector.broadcast %broadcast_in_dim3A : f32 to vector<16xf32>
      %mul3A_30 = arith.constant 16 : i32
      %mul3A_31 = arith.muli %scan3A_28, %mul3A_30 : i32
      %swap3A = arith.index_cast %mul3A_31 : i32 to index
      %swap3A_32 = tpu.vector_load %arg6[%swap3A] {strides = array<i32>} : memref<128xf32, #tpu.memory_space<vmem>>, vector<16xf32>,
      %swap3A_33 = vector.shape_cast %swap3A_32 : vector<16xf32> to vector<16xf32>
      %swap3A_34 = vector.shape_cast %broadcast_in_dim3A_29 : vector<16xf32> to vector<16xf32>
      tpu.vector_store %arg6[%swap3A], %swap3A_34 {strides = array<i32>} : memref<128xf32, #tpu.memory_space<vmem>>, vector<16xf32>,
    }
    %scan3A_4 = arith.constant 8 : i32
    %scan3A_5 = arith.constant 0 : i32
    %scan3A_6 = arith.constant 40 : i32
    %scan3A_7 = arith.addi %scan3A_5, %scan3A_6 : i32
    %scan3A_8 = arith.constant 1 : i32
    scf.for %scan3A_28 = %scan3A_5 to %scan3A_7 step %scan3A_8  : i32 {
      %broadcast_in_dim3A = arith.constant 0.000000e+00 : f32
      %broadcast_in_dim3A_29 = vector.broadcast %broadcast_in_dim3A : f32 to vector<16xf32>
      %mul3A_30 = arith.constant 16 : i32
      %mul3A_31 = arith.muli %scan3A_28, %mul3A_30 : i32
      %swap3A = arith.index_cast %mul3A_31 : i32 to index
      %swap3A_32 = tpu.vector_load %arg7[%swap3A] {strides = array<i32>} : memref<640xf32, #tpu.memory_space<vmem>>, vector<16xf32>,
      %swap3A_33 = vector.shape_cast %swap3A_32 : vector<16xf32> to vector<16xf32>
      %swap3A_34 = vector.shape_cast %broadcast_in_dim3A_29 : vector<16xf32> to vector<16xf32>
      tpu.vector_store %arg7[%swap3A], %swap3A_34 {strides = array<i32>} : memref<640xf32, #tpu.memory_space<vmem>>, vector<16xf32>,
    }
    %scan3A_9 = arith.constant 40 : i32
    %ne3A = arith.constant 31 : i32
    %ne3A_10 = arith.cmpi ne, %add3A, %ne3A : i32
    %convert_element_type3A = arith.extui %ne3A_10 : i1 to i32
    %cond3A = arith.constant 0 : i32
    %cond3A_11 = arith.cmpi ne, %convert_element_type3A, %cond3A : i32
    scf.if %cond3A_11 {
      %mul3A_28 = arith.constant 80 : i32
      %mul3A_29 = arith.muli %add3A, %mul3A_28 : i32
      %run_scoped3A = arith.constant 1 : i32
      "tpu.region"() ({
        %run_scoped3A_30 = tpu.sem_alloc : memref<!tpu.dma_semaphore, #tpu.memory_space<semaphore_mem>>
        %dma_start3A = arith.constant 0 : i32
        %dma_start3A_31 = tpu.memref_slice %arg2[%run_scoped3A, %mul3A_29, %dma_start3A] : memref<2x2500x128xi32, #tpu.memory_space<hbm>> -> memref<1x80x128xi32, #tpu.memory_space<hbm>>
        %dma_start3A_32 = tpu.memref_squeeze %dma_start3A_31 : memref<1x80x128xi32, #tpu.memory_space<hbm>> -> memref<80x128xi32, #tpu.memory_space<hbm>>
        %dma_start3A_33 = arith.constant 0 : i32
        %dma_start3A_34 = tpu.memref_slice %arg2[%run_scoped3A, %mul3A_29, %dma_start3A_33] : memref<2x2500x128xi32, #tpu.memory_space<hbm>> -> memref<1x80x128xi32, #tpu.memory_space<hbm>>
        %dma_start3A_35 = tpu.memref_squeeze %dma_start3A_34 : memref<1x80x128xi32, #tpu.memory_space<hbm>> -> memref<80x128xi32, #tpu.memory_space<hbm>>
        tpu.enqueue_dma source(%dma_start3A_35 : memref<80x128xi32, #tpu.memory_space<hbm>>) target(%arg5 : memref<80x128xi32, #tpu.memory_space<vmem>>) target_semaphore(%run_scoped3A_30 : memref<!tpu.dma_semaphore, #tpu.memory_space<semaphore_mem>>)
        %dma_wait3A = arith.constant 0 : i32
        %dma_wait3A_36 = tpu.memref_slice %arg2[%run_scoped3A, %mul3A_29, %dma_wait3A] : memref<2x2500x128xi32, #tpu.memory_space<hbm>> -> memref<1x80x128xi32, #tpu.memory_space<hbm>>
        %dma_wait3A_37 = tpu.memref_squeeze %dma_wait3A_36 : memref<1x80x128xi32, #tpu.memory_space<hbm>> -> memref<80x128xi32, #tpu.memory_space<hbm>>
        %dma_wait3A_38 = arith.constant 0 : i32
        %dma_wait3A_39 = tpu.memref_slice %arg2[%run_scoped3A, %mul3A_29, %dma_wait3A_38] : memref<2x2500x128xi32, #tpu.memory_space<hbm>> -> memref<1x80x128xi32, #tpu.memory_space<hbm>>
        %dma_wait3A_40 = tpu.memref_squeeze %dma_wait3A_39 : memref<1x80x128xi32, #tpu.memory_space<hbm>> -> memref<80x128xi32, #tpu.memory_space<hbm>>
        tpu.wait_dma2 semaphore(%run_scoped3A_30 : memref<!tpu.dma_semaphore, #tpu.memory_space<semaphore_mem>>) src(%dma_wait3A_40 : memref<80x128xi32, #tpu.memory_space<hbm>>) dst(%arg5 : memref<80x128xi32, #tpu.memory_space<vmem>>)
        tpu.yield
      }) : () -> ()
    } else {
    }
    %eq3A = arith.constant 31 : i32
    %eq3A_12 = arith.cmpi eq, %add3A, %eq3A : i32
    %convert_element_type3A_13 = arith.extui %eq3A_12 : i1 to i32
    %cond3A_14 = arith.constant 0 : i32
    %cond3A_15 = arith.cmpi ne, %convert_element_type3A_13, %cond3A_14 : i32
    scf.if %cond3A_15 {
      %run_scoped3A = arith.constant 1 : i32
      "tpu.region"() ({
        %run_scoped3A_28 = tpu.sem_alloc : memref<!tpu.dma_semaphore, #tpu.memory_space<semaphore_mem>>
        %dma_start3A = arith.constant 0 : i32
        %dma_start3A_29 = arith.constant 0 : i32
        %dma_start3A_30 = tpu.memref_slice %arg3[%run_scoped3A, %dma_start3A, %dma_start3A_29] : memref<2x80x128xi32, #tpu.memory_space<hbm>> -> memref<1x80x128xi32, #tpu.memory_space<hbm>>
        %dma_start3A_31 = tpu.memref_squeeze %dma_start3A_30 : memref<1x80x128xi32, #tpu.memory_space<hbm>> -> memref<80x128xi32, #tpu.memory_space<hbm>>
        %dma_start3A_32 = arith.constant 0 : i32
        %dma_start3A_33 = arith.constant 0 : i32
        %dma_start3A_34 = tpu.memref_slice %arg3[%run_scoped3A, %dma_start3A_32, %dma_start3A_33] : memref<2x80x128xi32, #tpu.memory_space<hbm>> -> memref<1x80x128xi32, #tpu.memory_space<hbm>>
        %dma_start3A_35 = tpu.memref_squeeze %dma_start3A_34 : memref<1x80x128xi32, #tpu.memory_space<hbm>> -> memref<80x128xi32, #tpu.memory_space<hbm>>
        tpu.enqueue_dma source(%dma_start3A_35 : memref<80x128xi32, #tpu.memory_space<hbm>>) target(%arg5 : memref<80x128xi32, #tpu.memory_space<vmem>>) target_semaphore(%run_scoped3A_28 : memref<!tpu.dma_semaphore, #tpu.memory_space<semaphore_mem>>)
        %dma_wait3A = arith.constant 0 : i32
        %dma_wait3A_36 = arith.constant 0 : i32
        %dma_wait3A_37 = tpu.memref_slice %arg3[%run_scoped3A, %dma_wait3A, %dma_wait3A_36] : memref<2x80x128xi32, #tpu.memory_space<hbm>> -> memref<1x80x128xi32, #tpu.memory_space<hbm>>
        %dma_wait3A_38 = tpu.memref_squeeze %dma_wait3A_37 : memref<1x80x128xi32, #tpu.memory_space<hbm>> -> memref<80x128xi32, #tpu.memory_space<hbm>>
        %dma_wait3A_39 = arith.constant 0 : i32
        %dma_wait3A_40 = arith.constant 0 : i32
        %dma_wait3A_41 = tpu.memref_slice %arg3[%run_scoped3A, %dma_wait3A_39, %dma_wait3A_40] : memref<2x80x128xi32, #tpu.memory_space<hbm>> -> memref<1x80x128xi32, #tpu.memory_space<hbm>>
        %dma_wait3A_42 = tpu.memref_squeeze %dma_wait3A_41 : memref<1x80x128xi32, #tpu.memory_space<hbm>> -> memref<80x128xi32, #tpu.memory_space<hbm>>
        tpu.wait_dma2 semaphore(%run_scoped3A_28 : memref<!tpu.dma_semaphore, #tpu.memory_space<semaphore_mem>>) src(%dma_wait3A_42 : memref<80x128xi32, #tpu.memory_space<hbm>>) dst(%arg5 : memref<80x128xi32, #tpu.memory_space<vmem>>)
        tpu.yield
      }) : () -> ()
    } else {
    }
    %mul3A_16 = arith.constant 640 : i32
    %mul3A_17 = arith.muli %arg1, %mul3A_16 : i32
    "tpu.region"() ({
      %run_scoped3A = tpu.sem_alloc : memref<!tpu.dma_semaphore, #tpu.memory_space<semaphore_mem>>
      %dma_start3A = tpu.memref_slice %arg8[%mul3A_17] : memref<10240xf32, #tpu.memory_space<vmem_shared>> -> memref<640xf32, #tpu.memory_space<vmem_shared>>
      %dma_start3A_28 = tpu.memref_slice %arg8[%mul3A_17] : memref<10240xf32, #tpu.memory_space<vmem_shared>> -> memref<640xf32, #tpu.memory_space<vmem_shared>>
      tpu.enqueue_dma source(%arg7 : memref<640xf32, #tpu.memory_space<vmem>>) target(%dma_start3A_28 : memref<640xf32, #tpu.memory_space<vmem_shared>>) target_semaphore(%run_scoped3A : memref<!tpu.dma_semaphore, #tpu.memory_space<semaphore_mem>>)
      %dma_wait3A = tpu.memref_slice %arg8[%mul3A_17] : memref<10240xf32, #tpu.memory_space<vmem_shared>> -> memref<640xf32, #tpu.memory_space<vmem_shared>>
      %dma_wait3A_29 = tpu.memref_slice %arg8[%mul3A_17] : memref<10240xf32, #tpu.memory_space<vmem_shared>> -> memref<640xf32, #tpu.memory_space<vmem_shared>>
      tpu.wait_dma2 semaphore(%run_scoped3A : memref<!tpu.dma_semaphore, #tpu.memory_space<semaphore_mem>>) src(%arg7 : memref<640xf32, #tpu.memory_space<vmem>>) dst(%dma_wait3A_29 : memref<640xf32, #tpu.memory_space<vmem_shared>>)
      tpu.yield
    }) : () -> ()
    %barrier3A = arith.constant 0 : index
    tpu.barrier barrier_id(%barrier3A)
    %scan3A_18 = arith.constant 0 : i32
    %scan3A_19 = arith.constant 80 : i32
    %scan3A_20 = arith.addi %scan3A_18, %scan3A_19 : i32
    %scan3A_21 = arith.constant 1 : i32
    scf.for %scan3A_28 = %scan3A_18 to %scan3A_20 step %scan3A_21  : i32 {
      "tpu.region"() ({
        %run_scoped3A = tpu.sem_alloc : memref<!tpu.dma_semaphore, #tpu.memory_space<semaphore_mem>>
        %dma_start3A = arith.constant 0 : i32
        %dma_start3A_29 = tpu.memref_slice %arg5[%scan3A_28, %dma_start3A] : memref<80x128xi32, #tpu.memory_space<vmem>> -> memref<1x128xi32, #tpu.memory_space<vmem>>
        %dma_start3A_30 = tpu.memref_squeeze %dma_start3A_29 : memref<1x128xi32, #tpu.memory_space<vmem>> -> memref<128xi32, #tpu.memory_space<vmem>>
        %dma_start3A_31 = arith.constant 0 : i32
        %dma_start3A_32 = tpu.memref_slice %arg8[%dma_start3A_31] : memref<10240xf32, #tpu.memory_space<vmem_shared>> -> memref<10240xf32, #tpu.memory_space<vmem_shared>>
        tpu.enqueue_indirect_dma source(%arg6 : memref<128xf32, #tpu.memory_space<vmem>>) target(%dma_start3A_32 : memref<10240xf32, #tpu.memory_space<vmem_shared>>) offsets(%dma_start3A_30 : memref<128xi32, #tpu.memory_space<vmem>>) semaphore(%run_scoped3A : memref<!tpu.dma_semaphore, #tpu.memory_space<semaphore_mem>>) {add = true}
        %dma_wait3A = arith.constant 0 : i32
        %dma_wait3A_33 = tpu.memref_slice %arg5[%scan3A_28, %dma_wait3A] : memref<80x128xi32, #tpu.memory_space<vmem>> -> memref<1x128xi32, #tpu.memory_space<vmem>>
        %dma_wait3A_34 = tpu.memref_squeeze %dma_wait3A_33 : memref<1x128xi32, #tpu.memory_space<vmem>> -> memref<128xi32, #tpu.memory_space<vmem>>
        %dma_wait3A_35 = arith.constant 0 : i32
        %dma_wait3A_36 = tpu.memref_slice %arg8[%dma_wait3A_35] : memref<10240xf32, #tpu.memory_space<vmem_shared>> -> memref<10240xf32, #tpu.memory_space<vmem_shared>>
        tpu.wait_indirect_dma semaphore(%run_scoped3A : memref<!tpu.dma_semaphore, #tpu.memory_space<semaphore_mem>>) src(%arg6 : memref<128xf32, #tpu.memory_space<vmem>>) dst(%dma_wait3A_36 : memref<10240xf32, #tpu.memory_space<vmem_shared>>)
        tpu.yield
      }) : () -> ()
    }
    %scan3A_22 = arith.constant 80 : i32
    %barrier3A_23 = arith.constant 0 : index
    tpu.barrier barrier_id(%barrier3A_23)
    %mul3A_24 = arith.constant 640 : i32
    %mul3A_25 = arith.muli %arg1, %mul3A_24 : i32
    %mul3A_26 = arith.constant 640 : i32
    %mul3A_27 = arith.muli %arg1, %mul3A_26 : i32
    "tpu.region"() ({
      %run_scoped3A = tpu.sem_alloc : memref<!tpu.dma_semaphore, #tpu.memory_space<semaphore_mem>>
      %dma_start3A = tpu.memref_slice %arg4[%arg0, %mul3A_27] : memref<2x10240xf32, #tpu.memory_space<hbm>> -> memref<1x640xf32, #tpu.memory_space<hbm>>
      %dma_start3A_28 = tpu.memref_squeeze %dma_start3A : memref<1x640xf32, #tpu.memory_space<hbm>> -> memref<640xf32, #tpu.memory_space<hbm>>
      %dma_start3A_29 = tpu.memref_slice %arg8[%mul3A_25] : memref<10240xf32, #tpu.memory_space<vmem_shared>> -> memref<640xf32, #tpu.memory_space<vmem_shared>>
      tpu.enqueue_dma source(%dma_start3A_29 : memref<640xf32, #tpu.memory_space<vmem_shared>>) target(%dma_start3A_28 : memref<640xf32, #tpu.memory_space<hbm>>) target_semaphore(%run_scoped3A : memref<!tpu.dma_semaphore, #tpu.memory_space<semaphore_mem>>)
      %dma_wait3A = tpu.memref_slice %arg4[%arg0, %mul3A_27] : memref<2x10240xf32, #tpu.memory_space<hbm>> -> memref<1x640xf32, #tpu.memory_space<hbm>>
      %dma_wait3A_30 = tpu.memref_squeeze %dma_wait3A : memref<1x640xf32, #tpu.memory_space<hbm>> -> memref<640xf32, #tpu.memory_space<hbm>>
      %dma_wait3A_31 = tpu.memref_slice %arg8[%mul3A_25] : memref<10240xf32, #tpu.memory_space<vmem_shared>> -> memref<640xf32, #tpu.memory_space<vmem_shared>>
      tpu.wait_dma2 semaphore(%run_scoped3A : memref<!tpu.dma_semaphore, #tpu.memory_space<semaphore_mem>>) src(%dma_wait3A_31 : memref<640xf32, #tpu.memory_space<vmem_shared>>) dst(%dma_wait3A_30 : memref<640xf32, #tpu.memory_space<hbm>>)
      tpu.yield
    }) : () -> ()
    return
  }
}

#map = affine_map<(d0, d1) -> (0, 0)>
#map1 = affine_map<(d0, d1) -> (0, 0, 0)>
module attributes {stable_mosaic.version = 14 : i64} {
  func.func @_hop_kernel(%arg0: i32, %arg1: i32, %arg2: memref<10000x128xf32, #tpu.memory_space<hbm>>, %arg3: memref<2x2500x128xi32, #tpu.memory_space<hbm>>, %arg4: memref<2x80x128xi32, #tpu.memory_space<hbm>>, %arg5: memref<2x10240x128xf32, #tpu.memory_space<hbm>>, %arg6: memref<40x128xi32, #tpu.memory_space<vmem>>, %arg7: memref<40x128xi32, #tpu.memory_space<vmem>>, %arg8: memref<2x128x128xf32, #tpu.memory_space<vmem>>, %arg9: memref<40x128xf32, #tpu.memory_space<vmem>>, %arg10: memref<10240x128xf32, #tpu.memory_space<vmem_shared>>, %arg11: memref<!tpu.dma_semaphore, #tpu.memory_space<semaphore_mem>>, %arg12: memref<!tpu.dma_semaphore, #tpu.memory_space<semaphore_mem>>) attributes {dimension_semantics = [#tpu.dimension_semantics<core_parallel>, #tpu.dimension_semantics<subcore_parallel>], iteration_bounds = array<i64: 2, 16>, scalar_prefetch = 0 : i64, scratch_operands = 7 : i64, tpu.core_type = #tpu.core_type<sc_vector_subcore>, window_params = [{transform_indices = #map}, {transform_indices = #map1}, {transform_indices = #map1}, {transform_indices = #map1}]} {
    %mul3A = arith.constant 2 : i32
    %mul3A_0 = arith.muli %arg1, %mul3A : i32
    %add3A = arith.addi %mul3A_0, %arg0 : i32
    %scan3A = arith.constant 0 : i32
    %scan3A_1 = arith.constant 320 : i32
    %scan3A_2 = arith.addi %scan3A, %scan3A_1 : i32
    %scan3A_3 = arith.constant 1 : i32
    scf.for %scan3A_143 = %scan3A to %scan3A_2 step %scan3A_3  : i32 {
      %broadcast_in_dim3A = arith.constant 0.000000e+00 : f32
      %broadcast_in_dim3A_144 = vector.broadcast %broadcast_in_dim3A : f32 to vector<16xf32>
      %jit3A = arith.constant 8 : i32
      %div3A = arith.divsi %scan3A_143, %jit3A : i32
      %sign3A = arith.constant 0 : i32
      %sign3A_145 = arith.cmpi sgt, %scan3A_143, %sign3A : i32
      %sign3A_146 = arith.extui %sign3A_145 : i1 to i32
      %sign3A_147 = arith.constant 0 : i32
      %sign3A_148 = arith.cmpi slt, %scan3A_143, %sign3A_147 : i32
      %sign3A_149 = arith.extui %sign3A_148 : i1 to i32
      %sign3A_150 = arith.subi %sign3A_146, %sign3A_149 : i32
      %sign3A_151 = arith.constant 0 : i32
      %sign3A_152 = arith.cmpi sgt, %jit3A, %sign3A_151 : i32
      %sign3A_153 = arith.extui %sign3A_152 : i1 to i32
      %sign3A_154 = arith.constant 0 : i32
      %sign3A_155 = arith.cmpi slt, %jit3A, %sign3A_154 : i32
      %sign3A_156 = arith.extui %sign3A_155 : i1 to i32
      %sign3A_157 = arith.subi %sign3A_153, %sign3A_156 : i32
      %ne3A_158 = arith.cmpi ne, %sign3A_150, %sign3A_157 : i32
      %rem3A = arith.remsi %scan3A_143, %jit3A : i32
      %ne3A_159 = arith.constant 0 : i32
      %ne3A_160 = arith.cmpi ne, %rem3A, %ne3A_159 : i32
      %and3A = arith.andi %ne3A_158, %ne3A_160 : i1
      %sub3A = arith.constant 1 : i32
      %sub3A_161 = arith.subi %div3A, %sub3A : i32
      %select_n3A = arith.select %and3A, %sub3A_161, %div3A : i32
      %jit3A_162 = arith.constant 8 : i32
      %eq3A_163 = arith.constant 0 : i32
      %eq3A_164 = arith.cmpi eq, %jit3A_162, %eq3A_163 : i32
      %jit3A_165 = arith.constant 1 : i32
      %select_n3A_166 = arith.select %eq3A_164, %jit3A_165, %jit3A_162 : i32
      %rem3A_167 = arith.remsi %scan3A_143, %select_n3A_166 : i32
      %ne3A_168 = arith.constant 0 : i32
      %ne3A_169 = arith.cmpi ne, %rem3A_167, %ne3A_168 : i32
      %lt3A = arith.constant 0 : i32
      %lt3A_170 = arith.cmpi slt, %rem3A_167, %lt3A : i32
      %lt3A_171 = arith.constant 0 : i32
      %lt3A_172 = arith.cmpi slt, %select_n3A_166, %lt3A_171 : i32
      %ne3A_173 = arith.xori %lt3A_170, %lt3A_172 : i1
      %and3A_174 = arith.andi %ne3A_173, %ne3A_169 : i1
      %add3A_175 = arith.addi %rem3A_167, %select_n3A_166 : i32
      %select_n3A_176 = arith.select %and3A_174, %add3A_175, %rem3A_167 : i32
      %mul3A_177 = arith.constant 16 : i32
      %mul3A_178 = arith.muli %select_n3A_176, %mul3A_177 : i32
      %swap3A = arith.index_cast %select_n3A : i32 to index
      %swap3A_179 = arith.index_cast %mul3A_178 : i32 to index
      %swap3A_180 = tpu.vector_load %arg9[%swap3A, %swap3A_179] {strides = array<i32>} : memref<40x128xf32, #tpu.memory_space<vmem>>, vector<1x16xf32>,
      %swap3A_181 = vector.shape_cast %swap3A_180 : vector<1x16xf32> to vector<16xf32>
      %swap3A_182 = vector.shape_cast %broadcast_in_dim3A_144 : vector<16xf32> to vector<1x16xf32>
      tpu.vector_store %arg9[%swap3A, %swap3A_179], %swap3A_182 {strides = array<i32>} : memref<40x128xf32, #tpu.memory_space<vmem>>, vector<1x16xf32>,
    }
    %scan3A_4 = arith.constant 320 : i32
    %scan3A_5 = arith.constant 0 : i32
    %scan3A_6 = arith.constant 16 : i32
    %scan3A_7 = arith.addi %scan3A_5, %scan3A_6 : i32
    %scan3A_8 = arith.constant 1 : i32
    scf.for %scan3A_143 = %scan3A_5 to %scan3A_7 step %scan3A_8  : i32 {
      %mul3A_144 = arith.constant 640 : i32
      %mul3A_145 = arith.muli %arg1, %mul3A_144 : i32
      %mul3A_146 = arith.constant 40 : i32
      %mul3A_147 = arith.muli %scan3A_143, %mul3A_146 : i32
      %add3A_148 = arith.addi %mul3A_145, %mul3A_147 : i32
      "tpu.region"() ({
        %run_scoped3A_149 = tpu.sem_alloc : memref<!tpu.dma_semaphore, #tpu.memory_space<semaphore_mem>>
        %dma_start3A_150 = arith.constant 0 : i32
        %dma_start3A_151 = tpu.memref_slice %arg10[%add3A_148, %dma_start3A_150] : memref<10240x128xf32, #tpu.memory_space<vmem_shared>> -> memref<40x128xf32, #tpu.memory_space<vmem_shared>>
        %dma_start3A_152 = arith.constant 0 : i32
        %dma_start3A_153 = tpu.memref_slice %arg10[%add3A_148, %dma_start3A_152] : memref<10240x128xf32, #tpu.memory_space<vmem_shared>> -> memref<40x128xf32, #tpu.memory_space<vmem_shared>>
        tpu.enqueue_dma source(%arg9 : memref<40x128xf32, #tpu.memory_space<vmem>>) target(%dma_start3A_153 : memref<40x128xf32, #tpu.memory_space<vmem_shared>>) target_semaphore(%run_scoped3A_149 : memref<!tpu.dma_semaphore, #tpu.memory_space<semaphore_mem>>)
        %dma_wait3A_154 = arith.constant 0 : i32
        %dma_wait3A_155 = tpu.memref_slice %arg10[%add3A_148, %dma_wait3A_154] : memref<10240x128xf32, #tpu.memory_space<vmem_shared>> -> memref<40x128xf32, #tpu.memory_space<vmem_shared>>
        %dma_wait3A_156 = arith.constant 0 : i32
        %dma_wait3A_157 = tpu.memref_slice %arg10[%add3A_148, %dma_wait3A_156] : memref<10240x128xf32, #tpu.memory_space<vmem_shared>> -> memref<40x128xf32, #tpu.memory_space<vmem_shared>>
        tpu.wait_dma2 semaphore(%run_scoped3A_149 : memref<!tpu.dma_semaphore, #tpu.memory_space<semaphore_mem>>) src(%arg9 : memref<40x128xf32, #tpu.memory_space<vmem>>) dst(%dma_wait3A_157 : memref<40x128xf32, #tpu.memory_space<vmem_shared>>)
        tpu.yield
      }) : () -> ()
    }
    %scan3A_9 = arith.constant 16 : i32
    %barrier3A = arith.constant 0 : index
    tpu.barrier barrier_id(%barrier3A)
    %ne3A = arith.constant 31 : i32
    %ne3A_10 = arith.cmpi ne, %add3A, %ne3A : i32
    %convert_element_type3A = arith.extui %ne3A_10 : i1 to i32
    %cond3A = arith.constant 0 : i32
    %cond3A_11 = arith.cmpi ne, %convert_element_type3A, %cond3A : i32
    scf.if %cond3A_11 {
      %mul3A_143 = arith.constant 80 : i32
      %mul3A_144 = arith.muli %add3A, %mul3A_143 : i32
      %add3A_145 = arith.constant 0 : i32
      %add3A_146 = arith.addi %mul3A_144, %add3A_145 : i32
      %run_scoped3A_147 = arith.constant 0 : i32
      "tpu.region"() ({
        %run_scoped3A_149 = tpu.sem_alloc : memref<!tpu.dma_semaphore, #tpu.memory_space<semaphore_mem>>
        %dma_start3A_150 = arith.constant 0 : i32
        %dma_start3A_151 = tpu.memref_slice %arg3[%run_scoped3A_147, %add3A_146, %dma_start3A_150] : memref<2x2500x128xi32, #tpu.memory_space<hbm>> -> memref<1x40x128xi32, #tpu.memory_space<hbm>>
        %dma_start3A_152 = tpu.memref_squeeze %dma_start3A_151 : memref<1x40x128xi32, #tpu.memory_space<hbm>> -> memref<40x128xi32, #tpu.memory_space<hbm>>
        %dma_start3A_153 = arith.constant 0 : i32
        %dma_start3A_154 = tpu.memref_slice %arg3[%run_scoped3A_147, %add3A_146, %dma_start3A_153] : memref<2x2500x128xi32, #tpu.memory_space<hbm>> -> memref<1x40x128xi32, #tpu.memory_space<hbm>>
        %dma_start3A_155 = tpu.memref_squeeze %dma_start3A_154 : memref<1x40x128xi32, #tpu.memory_space<hbm>> -> memref<40x128xi32, #tpu.memory_space<hbm>>
        tpu.enqueue_dma source(%dma_start3A_155 : memref<40x128xi32, #tpu.memory_space<hbm>>) target(%arg6 : memref<40x128xi32, #tpu.memory_space<vmem>>) target_semaphore(%run_scoped3A_149 : memref<!tpu.dma_semaphore, #tpu.memory_space<semaphore_mem>>)
        %dma_wait3A_156 = arith.constant 0 : i32
        %dma_wait3A_157 = tpu.memref_slice %arg3[%run_scoped3A_147, %add3A_146, %dma_wait3A_156] : memref<2x2500x128xi32, #tpu.memory_space<hbm>> -> memref<1x40x128xi32, #tpu.memory_space<hbm>>
        %dma_wait3A_158 = tpu.memref_squeeze %dma_wait3A_157 : memref<1x40x128xi32, #tpu.memory_space<hbm>> -> memref<40x128xi32, #tpu.memory_space<hbm>>
        %dma_wait3A_159 = arith.constant 0 : i32
        %dma_wait3A_160 = tpu.memref_slice %arg3[%run_scoped3A_147, %add3A_146, %dma_wait3A_159] : memref<2x2500x128xi32, #tpu.memory_space<hbm>> -> memref<1x40x128xi32, #tpu.memory_space<hbm>>
        %dma_wait3A_161 = tpu.memref_squeeze %dma_wait3A_160 : memref<1x40x128xi32, #tpu.memory_space<hbm>> -> memref<40x128xi32, #tpu.memory_space<hbm>>
        tpu.wait_dma2 semaphore(%run_scoped3A_149 : memref<!tpu.dma_semaphore, #tpu.memory_space<semaphore_mem>>) src(%dma_wait3A_161 : memref<40x128xi32, #tpu.memory_space<hbm>>) dst(%arg6 : memref<40x128xi32, #tpu.memory_space<vmem>>)
        tpu.yield
      }) : () -> ()
      %run_scoped3A_148 = arith.constant 1 : i32
      "tpu.region"() ({
        %run_scoped3A_149 = tpu.sem_alloc : memref<!tpu.dma_semaphore, #tpu.memory_space<semaphore_mem>>
        %dma_start3A_150 = arith.constant 0 : i32
        %dma_start3A_151 = tpu.memref_slice %arg3[%run_scoped3A_148, %add3A_146, %dma_start3A_150] : memref<2x2500x128xi32, #tpu.memory_space<hbm>> -> memref<1x40x128xi32, #tpu.memory_space<hbm>>
        %dma_start3A_152 = tpu.memref_squeeze %dma_start3A_151 : memref<1x40x128xi32, #tpu.memory_space<hbm>> -> memref<40x128xi32, #tpu.memory_space<hbm>>
        %dma_start3A_153 = arith.constant 0 : i32
        %dma_start3A_154 = tpu.memref_slice %arg3[%run_scoped3A_148, %add3A_146, %dma_start3A_153] : memref<2x2500x128xi32, #tpu.memory_space<hbm>> -> memref<1x40x128xi32, #tpu.memory_space<hbm>>
        %dma_start3A_155 = tpu.memref_squeeze %dma_start3A_154 : memref<1x40x128xi32, #tpu.memory_space<hbm>> -> memref<40x128xi32, #tpu.memory_space<hbm>>
        tpu.enqueue_dma source(%dma_start3A_155 : memref<40x128xi32, #tpu.memory_space<hbm>>) target(%arg7 : memref<40x128xi32, #tpu.memory_space<vmem>>) target_semaphore(%run_scoped3A_149 : memref<!tpu.dma_semaphore, #tpu.memory_space<semaphore_mem>>)
        %dma_wait3A_156 = arith.constant 0 : i32
        %dma_wait3A_157 = tpu.memref_slice %arg3[%run_scoped3A_148, %add3A_146, %dma_wait3A_156] : memref<2x2500x128xi32, #tpu.memory_space<hbm>> -> memref<1x40x128xi32, #tpu.memory_space<hbm>>
        %dma_wait3A_158 = tpu.memref_squeeze %dma_wait3A_157 : memref<1x40x128xi32, #tpu.memory_space<hbm>> -> memref<40x128xi32, #tpu.memory_space<hbm>>
        %dma_wait3A_159 = arith.constant 0 : i32
        %dma_wait3A_160 = tpu.memref_slice %arg3[%run_scoped3A_148, %add3A_146, %dma_wait3A_159] : memref<2x2500x128xi32, #tpu.memory_space<hbm>> -> memref<1x40x128xi32, #tpu.memory_space<hbm>>
        %dma_wait3A_161 = tpu.memref_squeeze %dma_wait3A_160 : memref<1x40x128xi32, #tpu.memory_space<hbm>> -> memref<40x128xi32, #tpu.memory_space<hbm>>
        tpu.wait_dma2 semaphore(%run_scoped3A_149 : memref<!tpu.dma_semaphore, #tpu.memory_space<semaphore_mem>>) src(%dma_wait3A_161 : memref<40x128xi32, #tpu.memory_space<hbm>>) dst(%arg7 : memref<40x128xi32, #tpu.memory_space<vmem>>)
        tpu.yield
      }) : () -> ()
    } else {
    }
    %eq3A = arith.constant 31 : i32
    %eq3A_12 = arith.cmpi eq, %add3A, %eq3A : i32
    %convert_element_type3A_13 = arith.extui %eq3A_12 : i1 to i32
    %cond3A_14 = arith.constant 0 : i32
    %cond3A_15 = arith.cmpi ne, %convert_element_type3A_13, %cond3A_14 : i32
    scf.if %cond3A_15 {
      %run_scoped3A_143 = arith.constant 0 : i32
      "tpu.region"() ({
        %run_scoped3A_145 = tpu.sem_alloc : memref<!tpu.dma_semaphore, #tpu.memory_space<semaphore_mem>>
        %dma_start3A_146 = arith.constant 0 : i32
        %dma_start3A_147 = arith.constant 0 : i32
        %dma_start3A_148 = tpu.memref_slice %arg4[%run_scoped3A_143, %dma_start3A_146, %dma_start3A_147] : memref<2x80x128xi32, #tpu.memory_space<hbm>> -> memref<1x40x128xi32, #tpu.memory_space<hbm>>
        %dma_start3A_149 = tpu.memref_squeeze %dma_start3A_148 : memref<1x40x128xi32, #tpu.memory_space<hbm>> -> memref<40x128xi32, #tpu.memory_space<hbm>>
        %dma_start3A_150 = arith.constant 0 : i32
        %dma_start3A_151 = arith.constant 0 : i32
        %dma_start3A_152 = tpu.memref_slice %arg4[%run_scoped3A_143, %dma_start3A_150, %dma_start3A_151] : memref<2x80x128xi32, #tpu.memory_space<hbm>> -> memref<1x40x128xi32, #tpu.memory_space<hbm>>
        %dma_start3A_153 = tpu.memref_squeeze %dma_start3A_152 : memref<1x40x128xi32, #tpu.memory_space<hbm>> -> memref<40x128xi32, #tpu.memory_space<hbm>>
        tpu.enqueue_dma source(%dma_start3A_153 : memref<40x128xi32, #tpu.memory_space<hbm>>) target(%arg6 : memref<40x128xi32, #tpu.memory_space<vmem>>) target_semaphore(%run_scoped3A_145 : memref<!tpu.dma_semaphore, #tpu.memory_space<semaphore_mem>>)
        %dma_wait3A_154 = arith.constant 0 : i32
        %dma_wait3A_155 = arith.constant 0 : i32
        %dma_wait3A_156 = tpu.memref_slice %arg4[%run_scoped3A_143, %dma_wait3A_154, %dma_wait3A_155] : memref<2x80x128xi32, #tpu.memory_space<hbm>> -> memref<1x40x128xi32, #tpu.memory_space<hbm>>
        %dma_wait3A_157 = tpu.memref_squeeze %dma_wait3A_156 : memref<1x40x128xi32, #tpu.memory_space<hbm>> -> memref<40x128xi32, #tpu.memory_space<hbm>>
        %dma_wait3A_158 = arith.constant 0 : i32
        %dma_wait3A_159 = arith.constant 0 : i32
        %dma_wait3A_160 = tpu.memref_slice %arg4[%run_scoped3A_143, %dma_wait3A_158, %dma_wait3A_159] : memref<2x80x128xi32, #tpu.memory_space<hbm>> -> memref<1x40x128xi32, #tpu.memory_space<hbm>>
        %dma_wait3A_161 = tpu.memref_squeeze %dma_wait3A_160 : memref<1x40x128xi32, #tpu.memory_space<hbm>> -> memref<40x128xi32, #tpu.memory_space<hbm>>
        tpu.wait_dma2 semaphore(%run_scoped3A_145 : memref<!tpu.dma_semaphore, #tpu.memory_space<semaphore_mem>>) src(%dma_wait3A_161 : memref<40x128xi32, #tpu.memory_space<hbm>>) dst(%arg6 : memref<40x128xi32, #tpu.memory_space<vmem>>)
        tpu.yield
      }) : () -> ()
      %run_scoped3A_144 = arith.constant 1 : i32
      "tpu.region"() ({
        %run_scoped3A_145 = tpu.sem_alloc : memref<!tpu.dma_semaphore, #tpu.memory_space<semaphore_mem>>
        %dma_start3A_146 = arith.constant 0 : i32
        %dma_start3A_147 = arith.constant 0 : i32
        %dma_start3A_148 = tpu.memref_slice %arg4[%run_scoped3A_144, %dma_start3A_146, %dma_start3A_147] : memref<2x80x128xi32, #tpu.memory_space<hbm>> -> memref<1x40x128xi32, #tpu.memory_space<hbm>>
        %dma_start3A_149 = tpu.memref_squeeze %dma_start3A_148 : memref<1x40x128xi32, #tpu.memory_space<hbm>> -> memref<40x128xi32, #tpu.memory_space<hbm>>
        %dma_start3A_150 = arith.constant 0 : i32
        %dma_start3A_151 = arith.constant 0 : i32
        %dma_start3A_152 = tpu.memref_slice %arg4[%run_scoped3A_144, %dma_start3A_150, %dma_start3A_151] : memref<2x80x128xi32, #tpu.memory_space<hbm>> -> memref<1x40x128xi32, #tpu.memory_space<hbm>>
        %dma_start3A_153 = tpu.memref_squeeze %dma_start3A_152 : memref<1x40x128xi32, #tpu.memory_space<hbm>> -> memref<40x128xi32, #tpu.memory_space<hbm>>
        tpu.enqueue_dma source(%dma_start3A_153 : memref<40x128xi32, #tpu.memory_space<hbm>>) target(%arg7 : memref<40x128xi32, #tpu.memory_space<vmem>>) target_semaphore(%run_scoped3A_145 : memref<!tpu.dma_semaphore, #tpu.memory_space<semaphore_mem>>)
        %dma_wait3A_154 = arith.constant 0 : i32
        %dma_wait3A_155 = arith.constant 0 : i32
        %dma_wait3A_156 = tpu.memref_slice %arg4[%run_scoped3A_144, %dma_wait3A_154, %dma_wait3A_155] : memref<2x80x128xi32, #tpu.memory_space<hbm>> -> memref<1x40x128xi32, #tpu.memory_space<hbm>>
        %dma_wait3A_157 = tpu.memref_squeeze %dma_wait3A_156 : memref<1x40x128xi32, #tpu.memory_space<hbm>> -> memref<40x128xi32, #tpu.memory_space<hbm>>
        %dma_wait3A_158 = arith.constant 0 : i32
        %dma_wait3A_159 = arith.constant 0 : i32
        %dma_wait3A_160 = tpu.memref_slice %arg4[%run_scoped3A_144, %dma_wait3A_158, %dma_wait3A_159] : memref<2x80x128xi32, #tpu.memory_space<hbm>> -> memref<1x40x128xi32, #tpu.memory_space<hbm>>
        %dma_wait3A_161 = tpu.memref_squeeze %dma_wait3A_160 : memref<1x40x128xi32, #tpu.memory_space<hbm>> -> memref<40x128xi32, #tpu.memory_space<hbm>>
        tpu.wait_dma2 semaphore(%run_scoped3A_145 : memref<!tpu.dma_semaphore, #tpu.memory_space<semaphore_mem>>) src(%dma_wait3A_161 : memref<40x128xi32, #tpu.memory_space<hbm>>) dst(%arg7 : memref<40x128xi32, #tpu.memory_space<vmem>>)
        tpu.yield
      }) : () -> ()
    } else {
    }
    %dma_start3A = arith.constant 0 : i32
    %dma_start3A_16 = arith.constant 0 : i32
    %dma_start3A_17 = arith.constant 0 : i32
    %dma_start3A_18 = arith.constant 0 : i32
    %dma_start3A_19 = tpu.memref_slice %arg8[%dma_start3A_16, %dma_start3A_17, %dma_start3A_18] : memref<2x128x128xf32, #tpu.memory_space<vmem>> -> memref<1x128x128xf32, #tpu.memory_space<vmem>>
    %dma_start3A_20 = tpu.memref_squeeze %dma_start3A_19 : memref<1x128x128xf32, #tpu.memory_space<vmem>> -> memref<128x128xf32, #tpu.memory_space<vmem>>
    %dma_start3A_21 = arith.constant 0 : i32
    %dma_start3A_22 = tpu.memref_slice %arg6[%dma_start3A, %dma_start3A_21] : memref<40x128xi32, #tpu.memory_space<vmem>> -> memref<1x128xi32, #tpu.memory_space<vmem>>
    %dma_start3A_23 = tpu.memref_squeeze %dma_start3A_22 : memref<1x128xi32, #tpu.memory_space<vmem>> -> memref<128xi32, #tpu.memory_space<vmem>>
    %dma_start3A_24 = arith.constant 0 : i32
    %dma_start3A_25 = arith.constant 0 : i32
    %dma_start3A_26 = tpu.memref_slice %arg2[%dma_start3A_24, %dma_start3A_25] : memref<10000x128xf32, #tpu.memory_space<hbm>> -> memref<10000x128xf32, #tpu.memory_space<hbm>>
    tpu.enqueue_indirect_dma source(%dma_start3A_26 : memref<10000x128xf32, #tpu.memory_space<hbm>>) target(%dma_start3A_20 : memref<128x128xf32, #tpu.memory_space<vmem>>) offsets(%dma_start3A_23 : memref<128xi32, #tpu.memory_space<vmem>>) semaphore(%arg11 : memref<!tpu.dma_semaphore, #tpu.memory_space<semaphore_mem>>)
    %dma_start3A_27 = arith.constant 1 : i32
    %dma_start3A_28 = arith.constant 1 : i32
    %dma_start3A_29 = arith.constant 0 : i32
    %dma_start3A_30 = arith.constant 0 : i32
    %dma_start3A_31 = tpu.memref_slice %arg8[%dma_start3A_28, %dma_start3A_29, %dma_start3A_30] : memref<2x128x128xf32, #tpu.memory_space<vmem>> -> memref<1x128x128xf32, #tpu.memory_space<vmem>>
    %dma_start3A_32 = tpu.memref_squeeze %dma_start3A_31 : memref<1x128x128xf32, #tpu.memory_space<vmem>> -> memref<128x128xf32, #tpu.memory_space<vmem>>
    %dma_start3A_33 = arith.constant 0 : i32
    %dma_start3A_34 = tpu.memref_slice %arg6[%dma_start3A_27, %dma_start3A_33] : memref<40x128xi32, #tpu.memory_space<vmem>> -> memref<1x128xi32, #tpu.memory_space<vmem>>
    %dma_start3A_35 = tpu.memref_squeeze %dma_start3A_34 : memref<1x128xi32, #tpu.memory_space<vmem>> -> memref<128xi32, #tpu.memory_space<vmem>>
    %dma_start3A_36 = arith.constant 0 : i32
    %dma_start3A_37 = arith.constant 0 : i32
    %dma_start3A_38 = tpu.memref_slice %arg2[%dma_start3A_36, %dma_start3A_37] : memref<10000x128xf32, #tpu.memory_space<hbm>> -> memref<10000x128xf32, #tpu.memory_space<hbm>>
    tpu.enqueue_indirect_dma source(%dma_start3A_38 : memref<10000x128xf32, #tpu.memory_space<hbm>>) target(%dma_start3A_32 : memref<128x128xf32, #tpu.memory_space<vmem>>) offsets(%dma_start3A_35 : memref<128xi32, #tpu.memory_space<vmem>>) semaphore(%arg12 : memref<!tpu.dma_semaphore, #tpu.memory_space<semaphore_mem>>)
    %scan3A_39 = arith.constant 0 : i32
    %scan3A_40 = arith.constant 19 : i32
    %scan3A_41 = arith.addi %scan3A_39, %scan3A_40 : i32
    %scan3A_42 = arith.constant 1 : i32
    scf.for %scan3A_143 = %scan3A_39 to %scan3A_41 step %scan3A_42  : i32 {
      %mul3A_144 = arith.constant 2 : i32
      %mul3A_145 = arith.muli %scan3A_143, %mul3A_144 : i32
      %add3A_146 = arith.constant 0 : i32
      %add3A_147 = arith.addi %mul3A_145, %add3A_146 : i32
      %dma_wait3A_148 = arith.constant 0 : i32
      %dma_wait3A_149 = arith.constant 0 : i32
      %dma_wait3A_150 = arith.constant 0 : i32
      %dma_wait3A_151 = tpu.memref_slice %arg8[%dma_wait3A_148, %dma_wait3A_149, %dma_wait3A_150] : memref<2x128x128xf32, #tpu.memory_space<vmem>> -> memref<1x128x128xf32, #tpu.memory_space<vmem>>
      %dma_wait3A_152 = tpu.memref_squeeze %dma_wait3A_151 : memref<1x128x128xf32, #tpu.memory_space<vmem>> -> memref<128x128xf32, #tpu.memory_space<vmem>>
      %dma_wait3A_153 = arith.constant 0 : i32
      %dma_wait3A_154 = tpu.memref_slice %arg6[%add3A_147, %dma_wait3A_153] : memref<40x128xi32, #tpu.memory_space<vmem>> -> memref<1x128xi32, #tpu.memory_space<vmem>>
      %dma_wait3A_155 = tpu.memref_squeeze %dma_wait3A_154 : memref<1x128xi32, #tpu.memory_space<vmem>> -> memref<128xi32, #tpu.memory_space<vmem>>
      %dma_wait3A_156 = arith.constant 0 : i32
      %dma_wait3A_157 = arith.constant 0 : i32
      %dma_wait3A_158 = tpu.memref_slice %arg2[%dma_wait3A_156, %dma_wait3A_157] : memref<10000x128xf32, #tpu.memory_space<hbm>> -> memref<10000x128xf32, #tpu.memory_space<hbm>>
      tpu.wait_indirect_dma semaphore(%arg11 : memref<!tpu.dma_semaphore, #tpu.memory_space<semaphore_mem>>) src(%dma_wait3A_158 : memref<10000x128xf32, #tpu.memory_space<hbm>>) dst(%dma_wait3A_152 : memref<128x128xf32, #tpu.memory_space<vmem>>)
      %run_scoped3A_159 = arith.constant 0 : i32
      "tpu.region"() ({
        %run_scoped3A_202 = tpu.sem_alloc : memref<!tpu.dma_semaphore, #tpu.memory_space<semaphore_mem>>
        %dma_start3A_203 = arith.constant 0 : i32
        %dma_start3A_204 = arith.constant 0 : i32
        %dma_start3A_205 = tpu.memref_slice %arg8[%run_scoped3A_159, %dma_start3A_203, %dma_start3A_204] : memref<2x128x128xf32, #tpu.memory_space<vmem>> -> memref<1x128x128xf32, #tpu.memory_space<vmem>>
        %dma_start3A_206 = tpu.memref_squeeze %dma_start3A_205 : memref<1x128x128xf32, #tpu.memory_space<vmem>> -> memref<128x128xf32, #tpu.memory_space<vmem>>
        %dma_start3A_207 = arith.constant 0 : i32
        %dma_start3A_208 = tpu.memref_slice %arg7[%add3A_147, %dma_start3A_207] : memref<40x128xi32, #tpu.memory_space<vmem>> -> memref<1x128xi32, #tpu.memory_space<vmem>>
        %dma_start3A_209 = tpu.memref_squeeze %dma_start3A_208 : memref<1x128xi32, #tpu.memory_space<vmem>> -> memref<128xi32, #tpu.memory_space<vmem>>
        %dma_start3A_210 = arith.constant 0 : i32
        %dma_start3A_211 = arith.constant 0 : i32
        %dma_start3A_212 = tpu.memref_slice %arg10[%dma_start3A_210, %dma_start3A_211] : memref<10240x128xf32, #tpu.memory_space<vmem_shared>> -> memref<10240x128xf32, #tpu.memory_space<vmem_shared>>
        tpu.enqueue_indirect_dma source(%dma_start3A_206 : memref<128x128xf32, #tpu.memory_space<vmem>>) target(%dma_start3A_212 : memref<10240x128xf32, #tpu.memory_space<vmem_shared>>) offsets(%dma_start3A_209 : memref<128xi32, #tpu.memory_space<vmem>>) semaphore(%run_scoped3A_202 : memref<!tpu.dma_semaphore, #tpu.memory_space<semaphore_mem>>) {add = true}
        %dma_wait3A_213 = arith.constant 0 : i32
        %dma_wait3A_214 = arith.constant 0 : i32
        %dma_wait3A_215 = tpu.memref_slice %arg8[%run_scoped3A_159, %dma_wait3A_213, %dma_wait3A_214] : memref<2x128x128xf32, #tpu.memory_space<vmem>> -> memref<1x128x128xf32, #tpu.memory_space<vmem>>
        %dma_wait3A_216 = tpu.memref_squeeze %dma_wait3A_215 : memref<1x128x128xf32, #tpu.memory_space<vmem>> -> memref<128x128xf32, #tpu.memory_space<vmem>>
        %dma_wait3A_217 = arith.constant 0 : i32
        %dma_wait3A_218 = tpu.memref_slice %arg7[%add3A_147, %dma_wait3A_217] : memref<40x128xi32, #tpu.memory_space<vmem>> -> memref<1x128xi32, #tpu.memory_space<vmem>>
        %dma_wait3A_219 = tpu.memref_squeeze %dma_wait3A_218 : memref<1x128xi32, #tpu.memory_space<vmem>> -> memref<128xi32, #tpu.memory_space<vmem>>
        %dma_wait3A_220 = arith.constant 0 : i32
        %dma_wait3A_221 = arith.constant 0 : i32
        %dma_wait3A_222 = tpu.memref_slice %arg10[%dma_wait3A_220, %dma_wait3A_221] : memref<10240x128xf32, #tpu.memory_space<vmem_shared>> -> memref<10240x128xf32, #tpu.memory_space<vmem_shared>>
        tpu.wait_indirect_dma semaphore(%run_scoped3A_202 : memref<!tpu.dma_semaphore, #tpu.memory_space<semaphore_mem>>) src(%dma_wait3A_216 : memref<128x128xf32, #tpu.memory_space<vmem>>) dst(%dma_wait3A_222 : memref<10240x128xf32, #tpu.memory_space<vmem_shared>>)
        tpu.yield
      }) : () -> ()
      %add3A_160 = arith.constant 2 : i32
      %add3A_161 = arith.addi %add3A_147, %add3A_160 : i32
      %dma_start3A_162 = arith.constant 0 : i32
      %dma_start3A_163 = arith.constant 0 : i32
      %dma_start3A_164 = arith.constant 0 : i32
      %dma_start3A_165 = tpu.memref_slice %arg8[%dma_start3A_162, %dma_start3A_163, %dma_start3A_164] : memref<2x128x128xf32, #tpu.memory_space<vmem>> -> memref<1x128x128xf32, #tpu.memory_space<vmem>>
      %dma_start3A_166 = tpu.memref_squeeze %dma_start3A_165 : memref<1x128x128xf32, #tpu.memory_space<vmem>> -> memref<128x128xf32, #tpu.memory_space<vmem>>
      %dma_start3A_167 = arith.constant 0 : i32
      %dma_start3A_168 = tpu.memref_slice %arg6[%add3A_161, %dma_start3A_167] : memref<40x128xi32, #tpu.memory_space<vmem>> -> memref<1x128xi32, #tpu.memory_space<vmem>>
      %dma_start3A_169 = tpu.memref_squeeze %dma_start3A_168 : memref<1x128xi32, #tpu.memory_space<vmem>> -> memref<128xi32, #tpu.memory_space<vmem>>
      %dma_start3A_170 = arith.constant 0 : i32
      %dma_start3A_171 = arith.constant 0 : i32
      %dma_start3A_172 = tpu.memref_slice %arg2[%dma_start3A_170, %dma_start3A_171] : memref<10000x128xf32, #tpu.memory_space<hbm>> -> memref<10000x128xf32, #tpu.memory_space<hbm>>
      tpu.enqueue_indirect_dma source(%dma_start3A_172 : memref<10000x128xf32, #tpu.memory_space<hbm>>) target(%dma_start3A_166 : memref<128x128xf32, #tpu.memory_space<vmem>>) offsets(%dma_start3A_169 : memref<128xi32, #tpu.memory_space<vmem>>) semaphore(%arg11 : memref<!tpu.dma_semaphore, #tpu.memory_space<semaphore_mem>>)
      %mul3A_173 = arith.constant 2 : i32
      %mul3A_174 = arith.muli %scan3A_143, %mul3A_173 : i32
      %add3A_175 = arith.constant 1 : i32
      %add3A_176 = arith.addi %mul3A_174, %add3A_175 : i32
      %dma_wait3A_177 = arith.constant 1 : i32
      %dma_wait3A_178 = arith.constant 0 : i32
      %dma_wait3A_179 = arith.constant 0 : i32
      %dma_wait3A_180 = tpu.memref_slice %arg8[%dma_wait3A_177, %dma_wait3A_178, %dma_wait3A_179] : memref<2x128x128xf32, #tpu.memory_space<vmem>> -> memref<1x128x128xf32, #tpu.memory_space<vmem>>
      %dma_wait3A_181 = tpu.memref_squeeze %dma_wait3A_180 : memref<1x128x128xf32, #tpu.memory_space<vmem>> -> memref<128x128xf32, #tpu.memory_space<vmem>>
      %dma_wait3A_182 = arith.constant 0 : i32
      %dma_wait3A_183 = tpu.memref_slice %arg6[%add3A_176, %dma_wait3A_182] : memref<40x128xi32, #tpu.memory_space<vmem>> -> memref<1x128xi32, #tpu.memory_space<vmem>>
      %dma_wait3A_184 = tpu.memref_squeeze %dma_wait3A_183 : memref<1x128xi32, #tpu.memory_space<vmem>> -> memref<128xi32, #tpu.memory_space<vmem>>
      %dma_wait3A_185 = arith.constant 0 : i32
      %dma_wait3A_186 = arith.constant 0 : i32
      %dma_wait3A_187 = tpu.memref_slice %arg2[%dma_wait3A_185, %dma_wait3A_186] : memref<10000x128xf32, #tpu.memory_space<hbm>> -> memref<10000x128xf32, #tpu.memory_space<hbm>>
      tpu.wait_indirect_dma semaphore(%arg12 : memref<!tpu.dma_semaphore, #tpu.memory_space<semaphore_mem>>) src(%dma_wait3A_187 : memref<10000x128xf32, #tpu.memory_space<hbm>>) dst(%dma_wait3A_181 : memref<128x128xf32, #tpu.memory_space<vmem>>)
      %run_scoped3A_188 = arith.constant 1 : i32
      "tpu.region"() ({
        %run_scoped3A_202 = tpu.sem_alloc : memref<!tpu.dma_semaphore, #tpu.memory_space<semaphore_mem>>
        %dma_start3A_203 = arith.constant 0 : i32
        %dma_start3A_204 = arith.constant 0 : i32
        %dma_start3A_205 = tpu.memref_slice %arg8[%run_scoped3A_188, %dma_start3A_203, %dma_start3A_204] : memref<2x128x128xf32, #tpu.memory_space<vmem>> -> memref<1x128x128xf32, #tpu.memory_space<vmem>>
        %dma_start3A_206 = tpu.memref_squeeze %dma_start3A_205 : memref<1x128x128xf32, #tpu.memory_space<vmem>> -> memref<128x128xf32, #tpu.memory_space<vmem>>
        %dma_start3A_207 = arith.constant 0 : i32
        %dma_start3A_208 = tpu.memref_slice %arg7[%add3A_176, %dma_start3A_207] : memref<40x128xi32, #tpu.memory_space<vmem>> -> memref<1x128xi32, #tpu.memory_space<vmem>>
        %dma_start3A_209 = tpu.memref_squeeze %dma_start3A_208 : memref<1x128xi32, #tpu.memory_space<vmem>> -> memref<128xi32, #tpu.memory_space<vmem>>
        %dma_start3A_210 = arith.constant 0 : i32
        %dma_start3A_211 = arith.constant 0 : i32
        %dma_start3A_212 = tpu.memref_slice %arg10[%dma_start3A_210, %dma_start3A_211] : memref<10240x128xf32, #tpu.memory_space<vmem_shared>> -> memref<10240x128xf32, #tpu.memory_space<vmem_shared>>
        tpu.enqueue_indirect_dma source(%dma_start3A_206 : memref<128x128xf32, #tpu.memory_space<vmem>>) target(%dma_start3A_212 : memref<10240x128xf32, #tpu.memory_space<vmem_shared>>) offsets(%dma_start3A_209 : memref<128xi32, #tpu.memory_space<vmem>>) semaphore(%run_scoped3A_202 : memref<!tpu.dma_semaphore, #tpu.memory_space<semaphore_mem>>) {add = true}
        %dma_wait3A_213 = arith.constant 0 : i32
        %dma_wait3A_214 = arith.constant 0 : i32
        %dma_wait3A_215 = tpu.memref_slice %arg8[%run_scoped3A_188, %dma_wait3A_213, %dma_wait3A_214] : memref<2x128x128xf32, #tpu.memory_space<vmem>> -> memref<1x128x128xf32, #tpu.memory_space<vmem>>
        %dma_wait3A_216 = tpu.memref_squeeze %dma_wait3A_215 : memref<1x128x128xf32, #tpu.memory_space<vmem>> -> memref<128x128xf32, #tpu.memory_space<vmem>>
        %dma_wait3A_217 = arith.constant 0 : i32
        %dma_wait3A_218 = tpu.memref_slice %arg7[%add3A_176, %dma_wait3A_217] : memref<40x128xi32, #tpu.memory_space<vmem>> -> memref<1x128xi32, #tpu.memory_space<vmem>>
        %dma_wait3A_219 = tpu.memref_squeeze %dma_wait3A_218 : memref<1x128xi32, #tpu.memory_space<vmem>> -> memref<128xi32, #tpu.memory_space<vmem>>
        %dma_wait3A_220 = arith.constant 0 : i32
        %dma_wait3A_221 = arith.constant 0 : i32
        %dma_wait3A_222 = tpu.memref_slice %arg10[%dma_wait3A_220, %dma_wait3A_221] : memref<10240x128xf32, #tpu.memory_space<vmem_shared>> -> memref<10240x128xf32, #tpu.memory_space<vmem_shared>>
        tpu.wait_indirect_dma semaphore(%run_scoped3A_202 : memref<!tpu.dma_semaphore, #tpu.memory_space<semaphore_mem>>) src(%dma_wait3A_216 : memref<128x128xf32, #tpu.memory_space<vmem>>) dst(%dma_wait3A_222 : memref<10240x128xf32, #tpu.memory_space<vmem_shared>>)
        tpu.yield
      }) : () -> ()
      %add3A_189 = arith.constant 2 : i32
      %add3A_190 = arith.addi %add3A_176, %add3A_189 : i32
      %dma_start3A_191 = arith.constant 1 : i32
      %dma_start3A_192 = arith.constant 0 : i32
      %dma_start3A_193 = arith.constant 0 : i32
      %dma_start3A_194 = tpu.memref_slice %arg8[%dma_start3A_191, %dma_start3A_192, %dma_start3A_193] : memref<2x128x128xf32, #tpu.memory_space<vmem>> -> memref<1x128x128xf32, #tpu.memory_space<vmem>>
      %dma_start3A_195 = tpu.memref_squeeze %dma_start3A_194 : memref<1x128x128xf32, #tpu.memory_space<vmem>> -> memref<128x128xf32, #tpu.memory_space<vmem>>
      %dma_start3A_196 = arith.constant 0 : i32
      %dma_start3A_197 = tpu.memref_slice %arg6[%add3A_190, %dma_start3A_196] : memref<40x128xi32, #tpu.memory_space<vmem>> -> memref<1x128xi32, #tpu.memory_space<vmem>>
      %dma_start3A_198 = tpu.memref_squeeze %dma_start3A_197 : memref<1x128xi32, #tpu.memory_space<vmem>> -> memref<128xi32, #tpu.memory_space<vmem>>
      %dma_start3A_199 = arith.constant 0 : i32
      %dma_start3A_200 = arith.constant 0 : i32
      %dma_start3A_201 = tpu.memref_slice %arg2[%dma_start3A_199, %dma_start3A_200] : memref<10000x128xf32, #tpu.memory_space<hbm>> -> memref<10000x128xf32, #tpu.memory_space<hbm>>
      tpu.enqueue_indirect_dma source(%dma_start3A_201 : memref<10000x128xf32, #tpu.memory_space<hbm>>) target(%dma_start3A_195 : memref<128x128xf32, #tpu.memory_space<vmem>>) offsets(%dma_start3A_198 : memref<128xi32, #tpu.memory_space<vmem>>) semaphore(%arg12 : memref<!tpu.dma_semaphore, #tpu.memory_space<semaphore_mem>>)
    }
    %scan3A_43 = arith.constant 19 : i32
    %dma_wait3A = arith.constant 38 : i32
    %dma_wait3A_44 = arith.constant 0 : i32
    %dma_wait3A_45 = arith.constant 0 : i32
    %dma_wait3A_46 = arith.constant 0 : i32
    %dma_wait3A_47 = tpu.memref_slice %arg8[%dma_wait3A_44, %dma_wait3A_45, %dma_wait3A_46] : memref<2x128x128xf32, #tpu.memory_space<vmem>> -> memref<1x128x128xf32, #tpu.memory_space<vmem>>
    %dma_wait3A_48 = tpu.memref_squeeze %dma_wait3A_47 : memref<1x128x128xf32, #tpu.memory_space<vmem>> -> memref<128x128xf32, #tpu.memory_space<vmem>>
    %dma_wait3A_49 = arith.constant 0 : i32
    %dma_wait3A_50 = tpu.memref_slice %arg6[%dma_wait3A, %dma_wait3A_49] : memref<40x128xi32, #tpu.memory_space<vmem>> -> memref<1x128xi32, #tpu.memory_space<vmem>>
    %dma_wait3A_51 = tpu.memref_squeeze %dma_wait3A_50 : memref<1x128xi32, #tpu.memory_space<vmem>> -> memref<128xi32, #tpu.memory_space<vmem>>
    %dma_wait3A_52 = arith.constant 0 : i32
    %dma_wait3A_53 = arith.constant 0 : i32
    %dma_wait3A_54 = tpu.memref_slice %arg2[%dma_wait3A_52, %dma_wait3A_53] : memref<10000x128xf32, #tpu.memory_space<hbm>> -> memref<10000x128xf32, #tpu.memory_space<hbm>>
    tpu.wait_indirect_dma semaphore(%arg11 : memref<!tpu.dma_semaphore, #tpu.memory_space<semaphore_mem>>) src(%dma_wait3A_54 : memref<10000x128xf32, #tpu.memory_space<hbm>>) dst(%dma_wait3A_48 : memref<128x128xf32, #tpu.memory_space<vmem>>)
    %run_scoped3A = arith.constant 0 : i32
    %run_scoped3A_55 = arith.constant 38 : i32
    "tpu.region"() ({
      %run_scoped3A_143 = tpu.sem_alloc : memref<!tpu.dma_semaphore, #tpu.memory_space<semaphore_mem>>
      %dma_start3A_144 = arith.constant 0 : i32
      %dma_start3A_145 = arith.constant 0 : i32
      %dma_start3A_146 = tpu.memref_slice %arg8[%run_scoped3A, %dma_start3A_144, %dma_start3A_145] : memref<2x128x128xf32, #tpu.memory_space<vmem>> -> memref<1x128x128xf32, #tpu.memory_space<vmem>>
      %dma_start3A_147 = tpu.memref_squeeze %dma_start3A_146 : memref<1x128x128xf32, #tpu.memory_space<vmem>> -> memref<128x128xf32, #tpu.memory_space<vmem>>
      %dma_start3A_148 = arith.constant 0 : i32
      %dma_start3A_149 = tpu.memref_slice %arg7[%run_scoped3A_55, %dma_start3A_148] : memref<40x128xi32, #tpu.memory_space<vmem>> -> memref<1x128xi32, #tpu.memory_space<vmem>>
      %dma_start3A_150 = tpu.memref_squeeze %dma_start3A_149 : memref<1x128xi32, #tpu.memory_space<vmem>> -> memref<128xi32, #tpu.memory_space<vmem>>
      %dma_start3A_151 = arith.constant 0 : i32
      %dma_start3A_152 = arith.constant 0 : i32
      %dma_start3A_153 = tpu.memref_slice %arg10[%dma_start3A_151, %dma_start3A_152] : memref<10240x128xf32, #tpu.memory_space<vmem_shared>> -> memref<10240x128xf32, #tpu.memory_space<vmem_shared>>
      tpu.enqueue_indirect_dma source(%dma_start3A_147 : memref<128x128xf32, #tpu.memory_space<vmem>>) target(%dma_start3A_153 : memref<10240x128xf32, #tpu.memory_space<vmem_shared>>) offsets(%dma_start3A_150 : memref<128xi32, #tpu.memory_space<vmem>>) semaphore(%run_scoped3A_143 : memref<!tpu.dma_semaphore, #tpu.memory_space<semaphore_mem>>) {add = true}
      %dma_wait3A_154 = arith.constant 0 : i32
      %dma_wait3A_155 = arith.constant 0 : i32
      %dma_wait3A_156 = tpu.memref_slice %arg8[%run_scoped3A, %dma_wait3A_154, %dma_wait3A_155] : memref<2x128x128xf32, #tpu.memory_space<vmem>> -> memref<1x128x128xf32, #tpu.memory_space<vmem>>
      %dma_wait3A_157 = tpu.memref_squeeze %dma_wait3A_156 : memref<1x128x128xf32, #tpu.memory_space<vmem>> -> memref<128x128xf32, #tpu.memory_space<vmem>>
      %dma_wait3A_158 = arith.constant 0 : i32
      %dma_wait3A_159 = tpu.memref_slice %arg7[%run_scoped3A_55, %dma_wait3A_158] : memref<40x128xi32, #tpu.memory_space<vmem>> -> memref<1x128xi32, #tpu.memory_space<vmem>>
      %dma_wait3A_160 = tpu.memref_squeeze %dma_wait3A_159 : memref<1x128xi32, #tpu.memory_space<vmem>> -> memref<128xi32, #tpu.memory_space<vmem>>
      %dma_wait3A_161 = arith.constant 0 : i32
      %dma_wait3A_162 = arith.constant 0 : i32
      %dma_wait3A_163 = tpu.memref_slice %arg10[%dma_wait3A_161, %dma_wait3A_162] : memref<10240x128xf32, #tpu.memory_space<vmem_shared>> -> memref<10240x128xf32, #tpu.memory_space<vmem_shared>>
      tpu.wait_indirect_dma semaphore(%run_scoped3A_143 : memref<!tpu.dma_semaphore, #tpu.memory_space<semaphore_mem>>) src(%dma_wait3A_157 : memref<128x128xf32, #tpu.memory_space<vmem>>) dst(%dma_wait3A_163 : memref<10240x128xf32, #tpu.memory_space<vmem_shared>>)
      tpu.yield
    }) : () -> ()
    %dma_wait3A_56 = arith.constant 39 : i32
    %dma_wait3A_57 = arith.constant 1 : i32
    %dma_wait3A_58 = arith.constant 0 : i32
    %dma_wait3A_59 = arith.constant 0 : i32
    %dma_wait3A_60 = tpu.memref_slice %arg8[%dma_wait3A_57, %dma_wait3A_58, %dma_wait3A_59] : memref<2x128x128xf32, #tpu.memory_space<vmem>> -> memref<1x128x128xf32, #tpu.memory_space<vmem>>
    %dma_wait3A_61 = tpu.memref_squeeze %dma_wait3A_60 : memref<1x128x128xf32, #tpu.memory_space<vmem>> -> memref<128x128xf32, #tpu.memory_space<vmem>>
    %dma_wait3A_62 = arith.constant 0 : i32
    %dma_wait3A_63 = tpu.memref_slice %arg6[%dma_wait3A_56, %dma_wait3A_62] : memref<40x128xi32, #tpu.memory_space<vmem>> -> memref<1x128xi32, #tpu.memory_space<vmem>>
    %dma_wait3A_64 = tpu.memref_squeeze %dma_wait3A_63 : memref<1x128xi32, #tpu.memory_space<vmem>> -> memref<128xi32, #tpu.memory_space<vmem>>
    %dma_wait3A_65 = arith.constant 0 : i32
    %dma_wait3A_66 = arith.constant 0 : i32
    %dma_wait3A_67 = tpu.memref_slice %arg2[%dma_wait3A_65, %dma_wait3A_66] : memref<10000x128xf32, #tpu.memory_space<hbm>> -> memref<10000x128xf32, #tpu.memory_space<hbm>>
    tpu.wait_indirect_dma semaphore(%arg12 : memref<!tpu.dma_semaphore, #tpu.memory_space<semaphore_mem>>) src(%dma_wait3A_67 : memref<10000x128xf32, #tpu.memory_space<hbm>>) dst(%dma_wait3A_61 : memref<128x128xf32, #tpu.memory_space<vmem>>)
    %run_scoped3A_68 = arith.constant 1 : i32
    %run_scoped3A_69 = arith.constant 39 : i32
    "tpu.region"() ({
      %run_scoped3A_143 = tpu.sem_alloc : memref<!tpu.dma_semaphore, #tpu.memory_space<semaphore_mem>>
      %dma_start3A_144 = arith.constant 0 : i32
      %dma_start3A_145 = arith.constant 0 : i32
      %dma_start3A_146 = tpu.memref_slice %arg8[%run_scoped3A_68, %dma_start3A_144, %dma_start3A_145] : memref<2x128x128xf32, #tpu.memory_space<vmem>> -> memref<1x128x128xf32, #tpu.memory_space<vmem>>
      %dma_start3A_147 = tpu.memref_squeeze %dma_start3A_146 : memref<1x128x128xf32, #tpu.memory_space<vmem>> -> memref<128x128xf32, #tpu.memory_space<vmem>>
      %dma_start3A_148 = arith.constant 0 : i32
      %dma_start3A_149 = tpu.memref_slice %arg7[%run_scoped3A_69, %dma_start3A_148] : memref<40x128xi32, #tpu.memory_space<vmem>> -> memref<1x128xi32, #tpu.memory_space<vmem>>
      %dma_start3A_150 = tpu.memref_squeeze %dma_start3A_149 : memref<1x128xi32, #tpu.memory_space<vmem>> -> memref<128xi32, #tpu.memory_space<vmem>>
      %dma_start3A_151 = arith.constant 0 : i32
      %dma_start3A_152 = arith.constant 0 : i32
      %dma_start3A_153 = tpu.memref_slice %arg10[%dma_start3A_151, %dma_start3A_152] : memref<10240x128xf32, #tpu.memory_space<vmem_shared>> -> memref<10240x128xf32, #tpu.memory_space<vmem_shared>>
      tpu.enqueue_indirect_dma source(%dma_start3A_147 : memref<128x128xf32, #tpu.memory_space<vmem>>) target(%dma_start3A_153 : memref<10240x128xf32, #tpu.memory_space<vmem_shared>>) offsets(%dma_start3A_150 : memref<128xi32, #tpu.memory_space<vmem>>) semaphore(%run_scoped3A_143 : memref<!tpu.dma_semaphore, #tpu.memory_space<semaphore_mem>>) {add = true}
      %dma_wait3A_154 = arith.constant 0 : i32
      %dma_wait3A_155 = arith.constant 0 : i32
      %dma_wait3A_156 = tpu.memref_slice %arg8[%run_scoped3A_68, %dma_wait3A_154, %dma_wait3A_155] : memref<2x128x128xf32, #tpu.memory_space<vmem>> -> memref<1x128x128xf32, #tpu.memory_space<vmem>>
      %dma_wait3A_157 = tpu.memref_squeeze %dma_wait3A_156 : memref<1x128x128xf32, #tpu.memory_space<vmem>> -> memref<128x128xf32, #tpu.memory_space<vmem>>
      %dma_wait3A_158 = arith.constant 0 : i32
      %dma_wait3A_159 = tpu.memref_slice %arg7[%run_scoped3A_69, %dma_wait3A_158] : memref<40x128xi32, #tpu.memory_space<vmem>> -> memref<1x128xi32, #tpu.memory_space<vmem>>
      %dma_wait3A_160 = tpu.memref_squeeze %dma_wait3A_159 : memref<1x128xi32, #tpu.memory_space<vmem>> -> memref<128xi32, #tpu.memory_space<vmem>>
      %dma_wait3A_161 = arith.constant 0 : i32
      %dma_wait3A_162 = arith.constant 0 : i32
      %dma_wait3A_163 = tpu.memref_slice %arg10[%dma_wait3A_161, %dma_wait3A_162] : memref<10240x128xf32, #tpu.memory_space<vmem_shared>> -> memref<10240x128xf32, #tpu.memory_space<vmem_shared>>
      tpu.wait_indirect_dma semaphore(%run_scoped3A_143 : memref<!tpu.dma_semaphore, #tpu.memory_space<semaphore_mem>>) src(%dma_wait3A_157 : memref<128x128xf32, #tpu.memory_space<vmem>>) dst(%dma_wait3A_163 : memref<10240x128xf32, #tpu.memory_space<vmem_shared>>)
      tpu.yield
    }) : () -> ()
    %ne3A_70 = arith.constant 31 : i32
    %ne3A_71 = arith.cmpi ne, %add3A, %ne3A_70 : i32
    %convert_element_type3A_72 = arith.extui %ne3A_71 : i1 to i32
    %cond3A_73 = arith.constant 0 : i32
    %cond3A_74 = arith.cmpi ne, %convert_element_type3A_72, %cond3A_73 : i32
    scf.if %cond3A_74 {
      %mul3A_143 = arith.constant 80 : i32
      %mul3A_144 = arith.muli %add3A, %mul3A_143 : i32
      %add3A_145 = arith.constant 40 : i32
      %add3A_146 = arith.addi %mul3A_144, %add3A_145 : i32
      %run_scoped3A_147 = arith.constant 0 : i32
      "tpu.region"() ({
        %run_scoped3A_149 = tpu.sem_alloc : memref<!tpu.dma_semaphore, #tpu.memory_space<semaphore_mem>>
        %dma_start3A_150 = arith.constant 0 : i32
        %dma_start3A_151 = tpu.memref_slice %arg3[%run_scoped3A_147, %add3A_146, %dma_start3A_150] : memref<2x2500x128xi32, #tpu.memory_space<hbm>> -> memref<1x40x128xi32, #tpu.memory_space<hbm>>
        %dma_start3A_152 = tpu.memref_squeeze %dma_start3A_151 : memref<1x40x128xi32, #tpu.memory_space<hbm>> -> memref<40x128xi32, #tpu.memory_space<hbm>>
        %dma_start3A_153 = arith.constant 0 : i32
        %dma_start3A_154 = tpu.memref_slice %arg3[%run_scoped3A_147, %add3A_146, %dma_start3A_153] : memref<2x2500x128xi32, #tpu.memory_space<hbm>> -> memref<1x40x128xi32, #tpu.memory_space<hbm>>
        %dma_start3A_155 = tpu.memref_squeeze %dma_start3A_154 : memref<1x40x128xi32, #tpu.memory_space<hbm>> -> memref<40x128xi32, #tpu.memory_space<hbm>>
        tpu.enqueue_dma source(%dma_start3A_155 : memref<40x128xi32, #tpu.memory_space<hbm>>) target(%arg6 : memref<40x128xi32, #tpu.memory_space<vmem>>) target_semaphore(%run_scoped3A_149 : memref<!tpu.dma_semaphore, #tpu.memory_space<semaphore_mem>>)
        %dma_wait3A_156 = arith.constant 0 : i32
        %dma_wait3A_157 = tpu.memref_slice %arg3[%run_scoped3A_147, %add3A_146, %dma_wait3A_156] : memref<2x2500x128xi32, #tpu.memory_space<hbm>> -> memref<1x40x128xi32, #tpu.memory_space<hbm>>
        %dma_wait3A_158 = tpu.memref_squeeze %dma_wait3A_157 : memref<1x40x128xi32, #tpu.memory_space<hbm>> -> memref<40x128xi32, #tpu.memory_space<hbm>>
        %dma_wait3A_159 = arith.constant 0 : i32
        %dma_wait3A_160 = tpu.memref_slice %arg3[%run_scoped3A_147, %add3A_146, %dma_wait3A_159] : memref<2x2500x128xi32, #tpu.memory_space<hbm>> -> memref<1x40x128xi32, #tpu.memory_space<hbm>>
        %dma_wait3A_161 = tpu.memref_squeeze %dma_wait3A_160 : memref<1x40x128xi32, #tpu.memory_space<hbm>> -> memref<40x128xi32, #tpu.memory_space<hbm>>
        tpu.wait_dma2 semaphore(%run_scoped3A_149 : memref<!tpu.dma_semaphore, #tpu.memory_space<semaphore_mem>>) src(%dma_wait3A_161 : memref<40x128xi32, #tpu.memory_space<hbm>>) dst(%arg6 : memref<40x128xi32, #tpu.memory_space<vmem>>)
        tpu.yield
      }) : () -> ()
      %run_scoped3A_148 = arith.constant 1 : i32
      "tpu.region"() ({
        %run_scoped3A_149 = tpu.sem_alloc : memref<!tpu.dma_semaphore, #tpu.memory_space<semaphore_mem>>
        %dma_start3A_150 = arith.constant 0 : i32
        %dma_start3A_151 = tpu.memref_slice %arg3[%run_scoped3A_148, %add3A_146, %dma_start3A_150] : memref<2x2500x128xi32, #tpu.memory_space<hbm>> -> memref<1x40x128xi32, #tpu.memory_space<hbm>>
        %dma_start3A_152 = tpu.memref_squeeze %dma_start3A_151 : memref<1x40x128xi32, #tpu.memory_space<hbm>> -> memref<40x128xi32, #tpu.memory_space<hbm>>
        %dma_start3A_153 = arith.constant 0 : i32
        %dma_start3A_154 = tpu.memref_slice %arg3[%run_scoped3A_148, %add3A_146, %dma_start3A_153] : memref<2x2500x128xi32, #tpu.memory_space<hbm>> -> memref<1x40x128xi32, #tpu.memory_space<hbm>>
        %dma_start3A_155 = tpu.memref_squeeze %dma_start3A_154 : memref<1x40x128xi32, #tpu.memory_space<hbm>> -> memref<40x128xi32, #tpu.memory_space<hbm>>
        tpu.enqueue_dma source(%dma_start3A_155 : memref<40x128xi32, #tpu.memory_space<hbm>>) target(%arg7 : memref<40x128xi32, #tpu.memory_space<vmem>>) target_semaphore(%run_scoped3A_149 : memref<!tpu.dma_semaphore, #tpu.memory_space<semaphore_mem>>)
        %dma_wait3A_156 = arith.constant 0 : i32
        %dma_wait3A_157 = tpu.memref_slice %arg3[%run_scoped3A_148, %add3A_146, %dma_wait3A_156] : memref<2x2500x128xi32, #tpu.memory_space<hbm>> -> memref<1x40x128xi32, #tpu.memory_space<hbm>>
        %dma_wait3A_158 = tpu.memref_squeeze %dma_wait3A_157 : memref<1x40x128xi32, #tpu.memory_space<hbm>> -> memref<40x128xi32, #tpu.memory_space<hbm>>
        %dma_wait3A_159 = arith.constant 0 : i32
        %dma_wait3A_160 = tpu.memref_slice %arg3[%run_scoped3A_148, %add3A_146, %dma_wait3A_159] : memref<2x2500x128xi32, #tpu.memory_space<hbm>> -> memref<1x40x128xi32, #tpu.memory_space<hbm>>
        %dma_wait3A_161 = tpu.memref_squeeze %dma_wait3A_160 : memref<1x40x128xi32, #tpu.memory_space<hbm>> -> memref<40x128xi32, #tpu.memory_space<hbm>>
        tpu.wait_dma2 semaphore(%run_scoped3A_149 : memref<!tpu.dma_semaphore, #tpu.memory_space<semaphore_mem>>) src(%dma_wait3A_161 : memref<40x128xi32, #tpu.memory_space<hbm>>) dst(%arg7 : memref<40x128xi32, #tpu.memory_space<vmem>>)
        tpu.yield
      }) : () -> ()
    } else {
    }
    %eq3A_75 = arith.constant 31 : i32
    %eq3A_76 = arith.cmpi eq, %add3A, %eq3A_75 : i32
    %convert_element_type3A_77 = arith.extui %eq3A_76 : i1 to i32
    %cond3A_78 = arith.constant 0 : i32
    %cond3A_79 = arith.cmpi ne, %convert_element_type3A_77, %cond3A_78 : i32
    scf.if %cond3A_79 {
      %run_scoped3A_143 = arith.constant 0 : i32
      "tpu.region"() ({
        %run_scoped3A_145 = tpu.sem_alloc : memref<!tpu.dma_semaphore, #tpu.memory_space<semaphore_mem>>
        %dma_start3A_146 = arith.constant 40 : i32
        %dma_start3A_147 = arith.constant 0 : i32
        %dma_start3A_148 = tpu.memref_slice %arg4[%run_scoped3A_143, %dma_start3A_146, %dma_start3A_147] : memref<2x80x128xi32, #tpu.memory_space<hbm>> -> memref<1x40x128xi32, #tpu.memory_space<hbm>>
        %dma_start3A_149 = tpu.memref_squeeze %dma_start3A_148 : memref<1x40x128xi32, #tpu.memory_space<hbm>> -> memref<40x128xi32, #tpu.memory_space<hbm>>
        %dma_start3A_150 = arith.constant 40 : i32
        %dma_start3A_151 = arith.constant 0 : i32
        %dma_start3A_152 = tpu.memref_slice %arg4[%run_scoped3A_143, %dma_start3A_150, %dma_start3A_151] : memref<2x80x128xi32, #tpu.memory_space<hbm>> -> memref<1x40x128xi32, #tpu.memory_space<hbm>>
        %dma_start3A_153 = tpu.memref_squeeze %dma_start3A_152 : memref<1x40x128xi32, #tpu.memory_space<hbm>> -> memref<40x128xi32, #tpu.memory_space<hbm>>
        tpu.enqueue_dma source(%dma_start3A_153 : memref<40x128xi32, #tpu.memory_space<hbm>>) target(%arg6 : memref<40x128xi32, #tpu.memory_space<vmem>>) target_semaphore(%run_scoped3A_145 : memref<!tpu.dma_semaphore, #tpu.memory_space<semaphore_mem>>)
        %dma_wait3A_154 = arith.constant 40 : i32
        %dma_wait3A_155 = arith.constant 0 : i32
        %dma_wait3A_156 = tpu.memref_slice %arg4[%run_scoped3A_143, %dma_wait3A_154, %dma_wait3A_155] : memref<2x80x128xi32, #tpu.memory_space<hbm>> -> memref<1x40x128xi32, #tpu.memory_space<hbm>>
        %dma_wait3A_157 = tpu.memref_squeeze %dma_wait3A_156 : memref<1x40x128xi32, #tpu.memory_space<hbm>> -> memref<40x128xi32, #tpu.memory_space<hbm>>
        %dma_wait3A_158 = arith.constant 40 : i32
        %dma_wait3A_159 = arith.constant 0 : i32
        %dma_wait3A_160 = tpu.memref_slice %arg4[%run_scoped3A_143, %dma_wait3A_158, %dma_wait3A_159] : memref<2x80x128xi32, #tpu.memory_space<hbm>> -> memref<1x40x128xi32, #tpu.memory_space<hbm>>
        %dma_wait3A_161 = tpu.memref_squeeze %dma_wait3A_160 : memref<1x40x128xi32, #tpu.memory_space<hbm>> -> memref<40x128xi32, #tpu.memory_space<hbm>>
        tpu.wait_dma2 semaphore(%run_scoped3A_145 : memref<!tpu.dma_semaphore, #tpu.memory_space<semaphore_mem>>) src(%dma_wait3A_161 : memref<40x128xi32, #tpu.memory_space<hbm>>) dst(%arg6 : memref<40x128xi32, #tpu.memory_space<vmem>>)
        tpu.yield
      }) : () -> ()
      %run_scoped3A_144 = arith.constant 1 : i32
      "tpu.region"() ({
        %run_scoped3A_145 = tpu.sem_alloc : memref<!tpu.dma_semaphore, #tpu.memory_space<semaphore_mem>>
        %dma_start3A_146 = arith.constant 40 : i32
        %dma_start3A_147 = arith.constant 0 : i32
        %dma_start3A_148 = tpu.memref_slice %arg4[%run_scoped3A_144, %dma_start3A_146, %dma_start3A_147] : memref<2x80x128xi32, #tpu.memory_space<hbm>> -> memref<1x40x128xi32, #tpu.memory_space<hbm>>
        %dma_start3A_149 = tpu.memref_squeeze %dma_start3A_148 : memref<1x40x128xi32, #tpu.memory_space<hbm>> -> memref<40x128xi32, #tpu.memory_space<hbm>>
        %dma_start3A_150 = arith.constant 40 : i32
        %dma_start3A_151 = arith.constant 0 : i32
        %dma_start3A_152 = tpu.memref_slice %arg4[%run_scoped3A_144, %dma_start3A_150, %dma_start3A_151] : memref<2x80x128xi32, #tpu.memory_space<hbm>> -> memref<1x40x128xi32, #tpu.memory_space<hbm>>
        %dma_start3A_153 = tpu.memref_squeeze %dma_start3A_152 : memref<1x40x128xi32, #tpu.memory_space<hbm>> -> memref<40x128xi32, #tpu.memory_space<hbm>>
        tpu.enqueue_dma source(%dma_start3A_153 : memref<40x128xi32, #tpu.memory_space<hbm>>) target(%arg7 : memref<40x128xi32, #tpu.memory_space<vmem>>) target_semaphore(%run_scoped3A_145 : memref<!tpu.dma_semaphore, #tpu.memory_space<semaphore_mem>>)
        %dma_wait3A_154 = arith.constant 40 : i32
        %dma_wait3A_155 = arith.constant 0 : i32
        %dma_wait3A_156 = tpu.memref_slice %arg4[%run_scoped3A_144, %dma_wait3A_154, %dma_wait3A_155] : memref<2x80x128xi32, #tpu.memory_space<hbm>> -> memref<1x40x128xi32, #tpu.memory_space<hbm>>
        %dma_wait3A_157 = tpu.memref_squeeze %dma_wait3A_156 : memref<1x40x128xi32, #tpu.memory_space<hbm>> -> memref<40x128xi32, #tpu.memory_space<hbm>>
        %dma_wait3A_158 = arith.constant 40 : i32
        %dma_wait3A_159 = arith.constant 0 : i32
        %dma_wait3A_160 = tpu.memref_slice %arg4[%run_scoped3A_144, %dma_wait3A_158, %dma_wait3A_159] : memref<2x80x128xi32, #tpu.memory_space<hbm>> -> memref<1x40x128xi32, #tpu.memory_space<hbm>>
        %dma_wait3A_161 = tpu.memref_squeeze %dma_wait3A_160 : memref<1x40x128xi32, #tpu.memory_space<hbm>> -> memref<40x128xi32, #tpu.memory_space<hbm>>
        tpu.wait_dma2 semaphore(%run_scoped3A_145 : memref<!tpu.dma_semaphore, #tpu.memory_space<semaphore_mem>>) src(%dma_wait3A_161 : memref<40x128xi32, #tpu.memory_space<hbm>>) dst(%arg7 : memref<40x128xi32, #tpu.memory_space<vmem>>)
        tpu.yield
      }) : () -> ()
    } else {
    }
    %dma_start3A_80 = arith.constant 0 : i32
    %dma_start3A_81 = arith.constant 0 : i32
    %dma_start3A_82 = arith.constant 0 : i32
    %dma_start3A_83 = arith.constant 0 : i32
    %dma_start3A_84 = tpu.memref_slice %arg8[%dma_start3A_81, %dma_start3A_82, %dma_start3A_83] : memref<2x128x128xf32, #tpu.memory_space<vmem>> -> memref<1x128x128xf32, #tpu.memory_space<vmem>>
    %dma_start3A_85 = tpu.memref_squeeze %dma_start3A_84 : memref<1x128x128xf32, #tpu.memory_space<vmem>> -> memref<128x128xf32, #tpu.memory_space<vmem>>
    %dma_start3A_86 = arith.constant 0 : i32
    %dma_start3A_87 = tpu.memref_slice %arg6[%dma_start3A_80, %dma_start3A_86] : memref<40x128xi32, #tpu.memory_space<vmem>> -> memref<1x128xi32, #tpu.memory_space<vmem>>
    %dma_start3A_88 = tpu.memref_squeeze %dma_start3A_87 : memref<1x128xi32, #tpu.memory_space<vmem>> -> memref<128xi32, #tpu.memory_space<vmem>>
    %dma_start3A_89 = arith.constant 0 : i32
    %dma_start3A_90 = arith.constant 0 : i32
    %dma_start3A_91 = tpu.memref_slice %arg2[%dma_start3A_89, %dma_start3A_90] : memref<10000x128xf32, #tpu.memory_space<hbm>> -> memref<10000x128xf32, #tpu.memory_space<hbm>>
    tpu.enqueue_indirect_dma source(%dma_start3A_91 : memref<10000x128xf32, #tpu.memory_space<hbm>>) target(%dma_start3A_85 : memref<128x128xf32, #tpu.memory_space<vmem>>) offsets(%dma_start3A_88 : memref<128xi32, #tpu.memory_space<vmem>>) semaphore(%arg11 : memref<!tpu.dma_semaphore, #tpu.memory_space<semaphore_mem>>)
    %dma_start3A_92 = arith.constant 1 : i32
    %dma_start3A_93 = arith.constant 1 : i32
    %dma_start3A_94 = arith.constant 0 : i32
    %dma_start3A_95 = arith.constant 0 : i32
    %dma_start3A_96 = tpu.memref_slice %arg8[%dma_start3A_93, %dma_start3A_94, %dma_start3A_95] : memref<2x128x128xf32, #tpu.memory_space<vmem>> -> memref<1x128x128xf32, #tpu.memory_space<vmem>>
    %dma_start3A_97 = tpu.memref_squeeze %dma_start3A_96 : memref<1x128x128xf32, #tpu.memory_space<vmem>> -> memref<128x128xf32, #tpu.memory_space<vmem>>
    %dma_start3A_98 = arith.constant 0 : i32
    %dma_start3A_99 = tpu.memref_slice %arg6[%dma_start3A_92, %dma_start3A_98] : memref<40x128xi32, #tpu.memory_space<vmem>> -> memref<1x128xi32, #tpu.memory_space<vmem>>
    %dma_start3A_100 = tpu.memref_squeeze %dma_start3A_99 : memref<1x128xi32, #tpu.memory_space<vmem>> -> memref<128xi32, #tpu.memory_space<vmem>>
    %dma_start3A_101 = arith.constant 0 : i32
    %dma_start3A_102 = arith.constant 0 : i32
    %dma_start3A_103 = tpu.memref_slice %arg2[%dma_start3A_101, %dma_start3A_102] : memref<10000x128xf32, #tpu.memory_space<hbm>> -> memref<10000x128xf32, #tpu.memory_space<hbm>>
    tpu.enqueue_indirect_dma source(%dma_start3A_103 : memref<10000x128xf32, #tpu.memory_space<hbm>>) target(%dma_start3A_97 : memref<128x128xf32, #tpu.memory_space<vmem>>) offsets(%dma_start3A_100 : memref<128xi32, #tpu.memory_space<vmem>>) semaphore(%arg12 : memref<!tpu.dma_semaphore, #tpu.memory_space<semaphore_mem>>)
    %scan3A_104 = arith.constant 0 : i32
    %scan3A_105 = arith.constant 19 : i32
    %scan3A_106 = arith.addi %scan3A_104, %scan3A_105 : i32
    %scan3A_107 = arith.constant 1 : i32
    scf.for %scan3A_143 = %scan3A_104 to %scan3A_106 step %scan3A_107  : i32 {
      %mul3A_144 = arith.constant 2 : i32
      %mul3A_145 = arith.muli %scan3A_143, %mul3A_144 : i32
      %add3A_146 = arith.constant 0 : i32
      %add3A_147 = arith.addi %mul3A_145, %add3A_146 : i32
      %dma_wait3A_148 = arith.constant 0 : i32
      %dma_wait3A_149 = arith.constant 0 : i32
      %dma_wait3A_150 = arith.constant 0 : i32
      %dma_wait3A_151 = tpu.memref_slice %arg8[%dma_wait3A_148, %dma_wait3A_149, %dma_wait3A_150] : memref<2x128x128xf32, #tpu.memory_space<vmem>> -> memref<1x128x128xf32, #tpu.memory_space<vmem>>
      %dma_wait3A_152 = tpu.memref_squeeze %dma_wait3A_151 : memref<1x128x128xf32, #tpu.memory_space<vmem>> -> memref<128x128xf32, #tpu.memory_space<vmem>>
      %dma_wait3A_153 = arith.constant 0 : i32
      %dma_wait3A_154 = tpu.memref_slice %arg6[%add3A_147, %dma_wait3A_153] : memref<40x128xi32, #tpu.memory_space<vmem>> -> memref<1x128xi32, #tpu.memory_space<vmem>>
      %dma_wait3A_155 = tpu.memref_squeeze %dma_wait3A_154 : memref<1x128xi32, #tpu.memory_space<vmem>> -> memref<128xi32, #tpu.memory_space<vmem>>
      %dma_wait3A_156 = arith.constant 0 : i32
      %dma_wait3A_157 = arith.constant 0 : i32
      %dma_wait3A_158 = tpu.memref_slice %arg2[%dma_wait3A_156, %dma_wait3A_157] : memref<10000x128xf32, #tpu.memory_space<hbm>> -> memref<10000x128xf32, #tpu.memory_space<hbm>>
      tpu.wait_indirect_dma semaphore(%arg11 : memref<!tpu.dma_semaphore, #tpu.memory_space<semaphore_mem>>) src(%dma_wait3A_158 : memref<10000x128xf32, #tpu.memory_space<hbm>>) dst(%dma_wait3A_152 : memref<128x128xf32, #tpu.memory_space<vmem>>)
      %run_scoped3A_159 = arith.constant 0 : i32
      "tpu.region"() ({
        %run_scoped3A_202 = tpu.sem_alloc : memref<!tpu.dma_semaphore, #tpu.memory_space<semaphore_mem>>
        %dma_start3A_203 = arith.constant 0 : i32
        %dma_start3A_204 = arith.constant 0 : i32
        %dma_start3A_205 = tpu.memref_slice %arg8[%run_scoped3A_159, %dma_start3A_203, %dma_start3A_204] : memref<2x128x128xf32, #tpu.memory_space<vmem>> -> memref<1x128x128xf32, #tpu.memory_space<vmem>>
        %dma_start3A_206 = tpu.memref_squeeze %dma_start3A_205 : memref<1x128x128xf32, #tpu.memory_space<vmem>> -> memref<128x128xf32, #tpu.memory_space<vmem>>
        %dma_start3A_207 = arith.constant 0 : i32
        %dma_start3A_208 = tpu.memref_slice %arg7[%add3A_147, %dma_start3A_207] : memref<40x128xi32, #tpu.memory_space<vmem>> -> memref<1x128xi32, #tpu.memory_space<vmem>>
        %dma_start3A_209 = tpu.memref_squeeze %dma_start3A_208 : memref<1x128xi32, #tpu.memory_space<vmem>> -> memref<128xi32, #tpu.memory_space<vmem>>
        %dma_start3A_210 = arith.constant 0 : i32
        %dma_start3A_211 = arith.constant 0 : i32
        %dma_start3A_212 = tpu.memref_slice %arg10[%dma_start3A_210, %dma_start3A_211] : memref<10240x128xf32, #tpu.memory_space<vmem_shared>> -> memref<10240x128xf32, #tpu.memory_space<vmem_shared>>
        tpu.enqueue_indirect_dma source(%dma_start3A_206 : memref<128x128xf32, #tpu.memory_space<vmem>>) target(%dma_start3A_212 : memref<10240x128xf32, #tpu.memory_space<vmem_shared>>) offsets(%dma_start3A_209 : memref<128xi32, #tpu.memory_space<vmem>>) semaphore(%run_scoped3A_202 : memref<!tpu.dma_semaphore, #tpu.memory_space<semaphore_mem>>) {add = true}
        %dma_wait3A_213 = arith.constant 0 : i32
        %dma_wait3A_214 = arith.constant 0 : i32
        %dma_wait3A_215 = tpu.memref_slice %arg8[%run_scoped3A_159, %dma_wait3A_213, %dma_wait3A_214] : memref<2x128x128xf32, #tpu.memory_space<vmem>> -> memref<1x128x128xf32, #tpu.memory_space<vmem>>
        %dma_wait3A_216 = tpu.memref_squeeze %dma_wait3A_215 : memref<1x128x128xf32, #tpu.memory_space<vmem>> -> memref<128x128xf32, #tpu.memory_space<vmem>>
        %dma_wait3A_217 = arith.constant 0 : i32
        %dma_wait3A_218 = tpu.memref_slice %arg7[%add3A_147, %dma_wait3A_217] : memref<40x128xi32, #tpu.memory_space<vmem>> -> memref<1x128xi32, #tpu.memory_space<vmem>>
        %dma_wait3A_219 = tpu.memref_squeeze %dma_wait3A_218 : memref<1x128xi32, #tpu.memory_space<vmem>> -> memref<128xi32, #tpu.memory_space<vmem>>
        %dma_wait3A_220 = arith.constant 0 : i32
        %dma_wait3A_221 = arith.constant 0 : i32
        %dma_wait3A_222 = tpu.memref_slice %arg10[%dma_wait3A_220, %dma_wait3A_221] : memref<10240x128xf32, #tpu.memory_space<vmem_shared>> -> memref<10240x128xf32, #tpu.memory_space<vmem_shared>>
        tpu.wait_indirect_dma semaphore(%run_scoped3A_202 : memref<!tpu.dma_semaphore, #tpu.memory_space<semaphore_mem>>) src(%dma_wait3A_216 : memref<128x128xf32, #tpu.memory_space<vmem>>) dst(%dma_wait3A_222 : memref<10240x128xf32, #tpu.memory_space<vmem_shared>>)
        tpu.yield
      }) : () -> ()
      %add3A_160 = arith.constant 2 : i32
      %add3A_161 = arith.addi %add3A_147, %add3A_160 : i32
      %dma_start3A_162 = arith.constant 0 : i32
      %dma_start3A_163 = arith.constant 0 : i32
      %dma_start3A_164 = arith.constant 0 : i32
      %dma_start3A_165 = tpu.memref_slice %arg8[%dma_start3A_162, %dma_start3A_163, %dma_start3A_164] : memref<2x128x128xf32, #tpu.memory_space<vmem>> -> memref<1x128x128xf32, #tpu.memory_space<vmem>>
      %dma_start3A_166 = tpu.memref_squeeze %dma_start3A_165 : memref<1x128x128xf32, #tpu.memory_space<vmem>> -> memref<128x128xf32, #tpu.memory_space<vmem>>
      %dma_start3A_167 = arith.constant 0 : i32
      %dma_start3A_168 = tpu.memref_slice %arg6[%add3A_161, %dma_start3A_167] : memref<40x128xi32, #tpu.memory_space<vmem>> -> memref<1x128xi32, #tpu.memory_space<vmem>>
      %dma_start3A_169 = tpu.memref_squeeze %dma_start3A_168 : memref<1x128xi32, #tpu.memory_space<vmem>> -> memref<128xi32, #tpu.memory_space<vmem>>
      %dma_start3A_170 = arith.constant 0 : i32
      %dma_start3A_171 = arith.constant 0 : i32
      %dma_start3A_172 = tpu.memref_slice %arg2[%dma_start3A_170, %dma_start3A_171] : memref<10000x128xf32, #tpu.memory_space<hbm>> -> memref<10000x128xf32, #tpu.memory_space<hbm>>
      tpu.enqueue_indirect_dma source(%dma_start3A_172 : memref<10000x128xf32, #tpu.memory_space<hbm>>) target(%dma_start3A_166 : memref<128x128xf32, #tpu.memory_space<vmem>>) offsets(%dma_start3A_169 : memref<128xi32, #tpu.memory_space<vmem>>) semaphore(%arg11 : memref<!tpu.dma_semaphore, #tpu.memory_space<semaphore_mem>>)
      %mul3A_173 = arith.constant 2 : i32
      %mul3A_174 = arith.muli %scan3A_143, %mul3A_173 : i32
      %add3A_175 = arith.constant 1 : i32
      %add3A_176 = arith.addi %mul3A_174, %add3A_175 : i32
      %dma_wait3A_177 = arith.constant 1 : i32
      %dma_wait3A_178 = arith.constant 0 : i32
      %dma_wait3A_179 = arith.constant 0 : i32
      %dma_wait3A_180 = tpu.memref_slice %arg8[%dma_wait3A_177, %dma_wait3A_178, %dma_wait3A_179] : memref<2x128x128xf32, #tpu.memory_space<vmem>> -> memref<1x128x128xf32, #tpu.memory_space<vmem>>
      %dma_wait3A_181 = tpu.memref_squeeze %dma_wait3A_180 : memref<1x128x128xf32, #tpu.memory_space<vmem>> -> memref<128x128xf32, #tpu.memory_space<vmem>>
      %dma_wait3A_182 = arith.constant 0 : i32
      %dma_wait3A_183 = tpu.memref_slice %arg6[%add3A_176, %dma_wait3A_182] : memref<40x128xi32, #tpu.memory_space<vmem>> -> memref<1x128xi32, #tpu.memory_space<vmem>>
      %dma_wait3A_184 = tpu.memref_squeeze %dma_wait3A_183 : memref<1x128xi32, #tpu.memory_space<vmem>> -> memref<128xi32, #tpu.memory_space<vmem>>
      %dma_wait3A_185 = arith.constant 0 : i32
      %dma_wait3A_186 = arith.constant 0 : i32
      %dma_wait3A_187 = tpu.memref_slice %arg2[%dma_wait3A_185, %dma_wait3A_186] : memref<10000x128xf32, #tpu.memory_space<hbm>> -> memref<10000x128xf32, #tpu.memory_space<hbm>>
      tpu.wait_indirect_dma semaphore(%arg12 : memref<!tpu.dma_semaphore, #tpu.memory_space<semaphore_mem>>) src(%dma_wait3A_187 : memref<10000x128xf32, #tpu.memory_space<hbm>>) dst(%dma_wait3A_181 : memref<128x128xf32, #tpu.memory_space<vmem>>)
      %run_scoped3A_188 = arith.constant 1 : i32
      "tpu.region"() ({
        %run_scoped3A_202 = tpu.sem_alloc : memref<!tpu.dma_semaphore, #tpu.memory_space<semaphore_mem>>
        %dma_start3A_203 = arith.constant 0 : i32
        %dma_start3A_204 = arith.constant 0 : i32
        %dma_start3A_205 = tpu.memref_slice %arg8[%run_scoped3A_188, %dma_start3A_203, %dma_start3A_204] : memref<2x128x128xf32, #tpu.memory_space<vmem>> -> memref<1x128x128xf32, #tpu.memory_space<vmem>>
        %dma_start3A_206 = tpu.memref_squeeze %dma_start3A_205 : memref<1x128x128xf32, #tpu.memory_space<vmem>> -> memref<128x128xf32, #tpu.memory_space<vmem>>
        %dma_start3A_207 = arith.constant 0 : i32
        %dma_start3A_208 = tpu.memref_slice %arg7[%add3A_176, %dma_start3A_207] : memref<40x128xi32, #tpu.memory_space<vmem>> -> memref<1x128xi32, #tpu.memory_space<vmem>>
        %dma_start3A_209 = tpu.memref_squeeze %dma_start3A_208 : memref<1x128xi32, #tpu.memory_space<vmem>> -> memref<128xi32, #tpu.memory_space<vmem>>
        %dma_start3A_210 = arith.constant 0 : i32
        %dma_start3A_211 = arith.constant 0 : i32
        %dma_start3A_212 = tpu.memref_slice %arg10[%dma_start3A_210, %dma_start3A_211] : memref<10240x128xf32, #tpu.memory_space<vmem_shared>> -> memref<10240x128xf32, #tpu.memory_space<vmem_shared>>
        tpu.enqueue_indirect_dma source(%dma_start3A_206 : memref<128x128xf32, #tpu.memory_space<vmem>>) target(%dma_start3A_212 : memref<10240x128xf32, #tpu.memory_space<vmem_shared>>) offsets(%dma_start3A_209 : memref<128xi32, #tpu.memory_space<vmem>>) semaphore(%run_scoped3A_202 : memref<!tpu.dma_semaphore, #tpu.memory_space<semaphore_mem>>) {add = true}
        %dma_wait3A_213 = arith.constant 0 : i32
        %dma_wait3A_214 = arith.constant 0 : i32
        %dma_wait3A_215 = tpu.memref_slice %arg8[%run_scoped3A_188, %dma_wait3A_213, %dma_wait3A_214] : memref<2x128x128xf32, #tpu.memory_space<vmem>> -> memref<1x128x128xf32, #tpu.memory_space<vmem>>
        %dma_wait3A_216 = tpu.memref_squeeze %dma_wait3A_215 : memref<1x128x128xf32, #tpu.memory_space<vmem>> -> memref<128x128xf32, #tpu.memory_space<vmem>>
        %dma_wait3A_217 = arith.constant 0 : i32
        %dma_wait3A_218 = tpu.memref_slice %arg7[%add3A_176, %dma_wait3A_217] : memref<40x128xi32, #tpu.memory_space<vmem>> -> memref<1x128xi32, #tpu.memory_space<vmem>>
        %dma_wait3A_219 = tpu.memref_squeeze %dma_wait3A_218 : memref<1x128xi32, #tpu.memory_space<vmem>> -> memref<128xi32, #tpu.memory_space<vmem>>
        %dma_wait3A_220 = arith.constant 0 : i32
        %dma_wait3A_221 = arith.constant 0 : i32
        %dma_wait3A_222 = tpu.memref_slice %arg10[%dma_wait3A_220, %dma_wait3A_221] : memref<10240x128xf32, #tpu.memory_space<vmem_shared>> -> memref<10240x128xf32, #tpu.memory_space<vmem_shared>>
        tpu.wait_indirect_dma semaphore(%run_scoped3A_202 : memref<!tpu.dma_semaphore, #tpu.memory_space<semaphore_mem>>) src(%dma_wait3A_216 : memref<128x128xf32, #tpu.memory_space<vmem>>) dst(%dma_wait3A_222 : memref<10240x128xf32, #tpu.memory_space<vmem_shared>>)
        tpu.yield
      }) : () -> ()
      %add3A_189 = arith.constant 2 : i32
      %add3A_190 = arith.addi %add3A_176, %add3A_189 : i32
      %dma_start3A_191 = arith.constant 1 : i32
      %dma_start3A_192 = arith.constant 0 : i32
      %dma_start3A_193 = arith.constant 0 : i32
      %dma_start3A_194 = tpu.memref_slice %arg8[%dma_start3A_191, %dma_start3A_192, %dma_start3A_193] : memref<2x128x128xf32, #tpu.memory_space<vmem>> -> memref<1x128x128xf32, #tpu.memory_space<vmem>>
      %dma_start3A_195 = tpu.memref_squeeze %dma_start3A_194 : memref<1x128x128xf32, #tpu.memory_space<vmem>> -> memref<128x128xf32, #tpu.memory_space<vmem>>
      %dma_start3A_196 = arith.constant 0 : i32
      %dma_start3A_197 = tpu.memref_slice %arg6[%add3A_190, %dma_start3A_196] : memref<40x128xi32, #tpu.memory_space<vmem>> -> memref<1x128xi32, #tpu.memory_space<vmem>>
      %dma_start3A_198 = tpu.memref_squeeze %dma_start3A_197 : memref<1x128xi32, #tpu.memory_space<vmem>> -> memref<128xi32, #tpu.memory_space<vmem>>
      %dma_start3A_199 = arith.constant 0 : i32
      %dma_start3A_200 = arith.constant 0 : i32
      %dma_start3A_201 = tpu.memref_slice %arg2[%dma_start3A_199, %dma_start3A_200] : memref<10000x128xf32, #tpu.memory_space<hbm>> -> memref<10000x128xf32, #tpu.memory_space<hbm>>
      tpu.enqueue_indirect_dma source(%dma_start3A_201 : memref<10000x128xf32, #tpu.memory_space<hbm>>) target(%dma_start3A_195 : memref<128x128xf32, #tpu.memory_space<vmem>>) offsets(%dma_start3A_198 : memref<128xi32, #tpu.memory_space<vmem>>) semaphore(%arg12 : memref<!tpu.dma_semaphore, #tpu.memory_space<semaphore_mem>>)
    }
    %scan3A_108 = arith.constant 19 : i32
    %dma_wait3A_109 = arith.constant 38 : i32
    %dma_wait3A_110 = arith.constant 0 : i32
    %dma_wait3A_111 = arith.constant 0 : i32
    %dma_wait3A_112 = arith.constant 0 : i32
    %dma_wait3A_113 = tpu.memref_slice %arg8[%dma_wait3A_110, %dma_wait3A_111, %dma_wait3A_112] : memref<2x128x128xf32, #tpu.memory_space<vmem>> -> memref<1x128x128xf32, #tpu.memory_space<vmem>>
    %dma_wait3A_114 = tpu.memref_squeeze %dma_wait3A_113 : memref<1x128x128xf32, #tpu.memory_space<vmem>> -> memref<128x128xf32, #tpu.memory_space<vmem>>
    %dma_wait3A_115 = arith.constant 0 : i32
    %dma_wait3A_116 = tpu.memref_slice %arg6[%dma_wait3A_109, %dma_wait3A_115] : memref<40x128xi32, #tpu.memory_space<vmem>> -> memref<1x128xi32, #tpu.memory_space<vmem>>
    %dma_wait3A_117 = tpu.memref_squeeze %dma_wait3A_116 : memref<1x128xi32, #tpu.memory_space<vmem>> -> memref<128xi32, #tpu.memory_space<vmem>>
    %dma_wait3A_118 = arith.constant 0 : i32
    %dma_wait3A_119 = arith.constant 0 : i32
    %dma_wait3A_120 = tpu.memref_slice %arg2[%dma_wait3A_118, %dma_wait3A_119] : memref<10000x128xf32, #tpu.memory_space<hbm>> -> memref<10000x128xf32, #tpu.memory_space<hbm>>
    tpu.wait_indirect_dma semaphore(%arg11 : memref<!tpu.dma_semaphore, #tpu.memory_space<semaphore_mem>>) src(%dma_wait3A_120 : memref<10000x128xf32, #tpu.memory_space<hbm>>) dst(%dma_wait3A_114 : memref<128x128xf32, #tpu.memory_space<vmem>>)
    %run_scoped3A_121 = arith.constant 0 : i32
    %run_scoped3A_122 = arith.constant 38 : i32
    "tpu.region"() ({
      %run_scoped3A_143 = tpu.sem_alloc : memref<!tpu.dma_semaphore, #tpu.memory_space<semaphore_mem>>
      %dma_start3A_144 = arith.constant 0 : i32
      %dma_start3A_145 = arith.constant 0 : i32
      %dma_start3A_146 = tpu.memref_slice %arg8[%run_scoped3A_121, %dma_start3A_144, %dma_start3A_145] : memref<2x128x128xf32, #tpu.memory_space<vmem>> -> memref<1x128x128xf32, #tpu.memory_space<vmem>>
      %dma_start3A_147 = tpu.memref_squeeze %dma_start3A_146 : memref<1x128x128xf32, #tpu.memory_space<vmem>> -> memref<128x128xf32, #tpu.memory_space<vmem>>
      %dma_start3A_148 = arith.constant 0 : i32
      %dma_start3A_149 = tpu.memref_slice %arg7[%run_scoped3A_122, %dma_start3A_148] : memref<40x128xi32, #tpu.memory_space<vmem>> -> memref<1x128xi32, #tpu.memory_space<vmem>>
      %dma_start3A_150 = tpu.memref_squeeze %dma_start3A_149 : memref<1x128xi32, #tpu.memory_space<vmem>> -> memref<128xi32, #tpu.memory_space<vmem>>
      %dma_start3A_151 = arith.constant 0 : i32
      %dma_start3A_152 = arith.constant 0 : i32
      %dma_start3A_153 = tpu.memref_slice %arg10[%dma_start3A_151, %dma_start3A_152] : memref<10240x128xf32, #tpu.memory_space<vmem_shared>> -> memref<10240x128xf32, #tpu.memory_space<vmem_shared>>
      tpu.enqueue_indirect_dma source(%dma_start3A_147 : memref<128x128xf32, #tpu.memory_space<vmem>>) target(%dma_start3A_153 : memref<10240x128xf32, #tpu.memory_space<vmem_shared>>) offsets(%dma_start3A_150 : memref<128xi32, #tpu.memory_space<vmem>>) semaphore(%run_scoped3A_143 : memref<!tpu.dma_semaphore, #tpu.memory_space<semaphore_mem>>) {add = true}
      %dma_wait3A_154 = arith.constant 0 : i32
      %dma_wait3A_155 = arith.constant 0 : i32
      %dma_wait3A_156 = tpu.memref_slice %arg8[%run_scoped3A_121, %dma_wait3A_154, %dma_wait3A_155] : memref<2x128x128xf32, #tpu.memory_space<vmem>> -> memref<1x128x128xf32, #tpu.memory_space<vmem>>
      %dma_wait3A_157 = tpu.memref_squeeze %dma_wait3A_156 : memref<1x128x128xf32, #tpu.memory_space<vmem>> -> memref<128x128xf32, #tpu.memory_space<vmem>>
      %dma_wait3A_158 = arith.constant 0 : i32
      %dma_wait3A_159 = tpu.memref_slice %arg7[%run_scoped3A_122, %dma_wait3A_158] : memref<40x128xi32, #tpu.memory_space<vmem>> -> memref<1x128xi32, #tpu.memory_space<vmem>>
      %dma_wait3A_160 = tpu.memref_squeeze %dma_wait3A_159 : memref<1x128xi32, #tpu.memory_space<vmem>> -> memref<128xi32, #tpu.memory_space<vmem>>
      %dma_wait3A_161 = arith.constant 0 : i32
      %dma_wait3A_162 = arith.constant 0 : i32
      %dma_wait3A_163 = tpu.memref_slice %arg10[%dma_wait3A_161, %dma_wait3A_162] : memref<10240x128xf32, #tpu.memory_space<vmem_shared>> -> memref<10240x128xf32, #tpu.memory_space<vmem_shared>>
      tpu.wait_indirect_dma semaphore(%run_scoped3A_143 : memref<!tpu.dma_semaphore, #tpu.memory_space<semaphore_mem>>) src(%dma_wait3A_157 : memref<128x128xf32, #tpu.memory_space<vmem>>) dst(%dma_wait3A_163 : memref<10240x128xf32, #tpu.memory_space<vmem_shared>>)
      tpu.yield
    }) : () -> ()
    %dma_wait3A_123 = arith.constant 39 : i32
    %dma_wait3A_124 = arith.constant 1 : i32
    %dma_wait3A_125 = arith.constant 0 : i32
    %dma_wait3A_126 = arith.constant 0 : i32
    %dma_wait3A_127 = tpu.memref_slice %arg8[%dma_wait3A_124, %dma_wait3A_125, %dma_wait3A_126] : memref<2x128x128xf32, #tpu.memory_space<vmem>> -> memref<1x128x128xf32, #tpu.memory_space<vmem>>
    %dma_wait3A_128 = tpu.memref_squeeze %dma_wait3A_127 : memref<1x128x128xf32, #tpu.memory_space<vmem>> -> memref<128x128xf32, #tpu.memory_space<vmem>>
    %dma_wait3A_129 = arith.constant 0 : i32
    %dma_wait3A_130 = tpu.memref_slice %arg6[%dma_wait3A_123, %dma_wait3A_129] : memref<40x128xi32, #tpu.memory_space<vmem>> -> memref<1x128xi32, #tpu.memory_space<vmem>>
    %dma_wait3A_131 = tpu.memref_squeeze %dma_wait3A_130 : memref<1x128xi32, #tpu.memory_space<vmem>> -> memref<128xi32, #tpu.memory_space<vmem>>
    %dma_wait3A_132 = arith.constant 0 : i32
    %dma_wait3A_133 = arith.constant 0 : i32
    %dma_wait3A_134 = tpu.memref_slice %arg2[%dma_wait3A_132, %dma_wait3A_133] : memref<10000x128xf32, #tpu.memory_space<hbm>> -> memref<10000x128xf32, #tpu.memory_space<hbm>>
    tpu.wait_indirect_dma semaphore(%arg12 : memref<!tpu.dma_semaphore, #tpu.memory_space<semaphore_mem>>) src(%dma_wait3A_134 : memref<10000x128xf32, #tpu.memory_space<hbm>>) dst(%dma_wait3A_128 : memref<128x128xf32, #tpu.memory_space<vmem>>)
    %run_scoped3A_135 = arith.constant 1 : i32
    %run_scoped3A_136 = arith.constant 39 : i32
    "tpu.region"() ({
      %run_scoped3A_143 = tpu.sem_alloc : memref<!tpu.dma_semaphore, #tpu.memory_space<semaphore_mem>>
      %dma_start3A_144 = arith.constant 0 : i32
      %dma_start3A_145 = arith.constant 0 : i32
      %dma_start3A_146 = tpu.memref_slice %arg8[%run_scoped3A_135, %dma_start3A_144, %dma_start3A_145] : memref<2x128x128xf32, #tpu.memory_space<vmem>> -> memref<1x128x128xf32, #tpu.memory_space<vmem>>
      %dma_start3A_147 = tpu.memref_squeeze %dma_start3A_146 : memref<1x128x128xf32, #tpu.memory_space<vmem>> -> memref<128x128xf32, #tpu.memory_space<vmem>>
      %dma_start3A_148 = arith.constant 0 : i32
      %dma_start3A_149 = tpu.memref_slice %arg7[%run_scoped3A_136, %dma_start3A_148] : memref<40x128xi32, #tpu.memory_space<vmem>> -> memref<1x128xi32, #tpu.memory_space<vmem>>
      %dma_start3A_150 = tpu.memref_squeeze %dma_start3A_149 : memref<1x128xi32, #tpu.memory_space<vmem>> -> memref<128xi32, #tpu.memory_space<vmem>>
      %dma_start3A_151 = arith.constant 0 : i32
      %dma_start3A_152 = arith.constant 0 : i32
      %dma_start3A_153 = tpu.memref_slice %arg10[%dma_start3A_151, %dma_start3A_152] : memref<10240x128xf32, #tpu.memory_space<vmem_shared>> -> memref<10240x128xf32, #tpu.memory_space<vmem_shared>>
      tpu.enqueue_indirect_dma source(%dma_start3A_147 : memref<128x128xf32, #tpu.memory_space<vmem>>) target(%dma_start3A_153 : memref<10240x128xf32, #tpu.memory_space<vmem_shared>>) offsets(%dma_start3A_150 : memref<128xi32, #tpu.memory_space<vmem>>) semaphore(%run_scoped3A_143 : memref<!tpu.dma_semaphore, #tpu.memory_space<semaphore_mem>>) {add = true}
      %dma_wait3A_154 = arith.constant 0 : i32
      %dma_wait3A_155 = arith.constant 0 : i32
      %dma_wait3A_156 = tpu.memref_slice %arg8[%run_scoped3A_135, %dma_wait3A_154, %dma_wait3A_155] : memref<2x128x128xf32, #tpu.memory_space<vmem>> -> memref<1x128x128xf32, #tpu.memory_space<vmem>>
      %dma_wait3A_157 = tpu.memref_squeeze %dma_wait3A_156 : memref<1x128x128xf32, #tpu.memory_space<vmem>> -> memref<128x128xf32, #tpu.memory_space<vmem>>
      %dma_wait3A_158 = arith.constant 0 : i32
      %dma_wait3A_159 = tpu.memref_slice %arg7[%run_scoped3A_136, %dma_wait3A_158] : memref<40x128xi32, #tpu.memory_space<vmem>> -> memref<1x128xi32, #tpu.memory_space<vmem>>
      %dma_wait3A_160 = tpu.memref_squeeze %dma_wait3A_159 : memref<1x128xi32, #tpu.memory_space<vmem>> -> memref<128xi32, #tpu.memory_space<vmem>>
      %dma_wait3A_161 = arith.constant 0 : i32
      %dma_wait3A_162 = arith.constant 0 : i32
      %dma_wait3A_163 = tpu.memref_slice %arg10[%dma_wait3A_161, %dma_wait3A_162] : memref<10240x128xf32, #tpu.memory_space<vmem_shared>> -> memref<10240x128xf32, #tpu.memory_space<vmem_shared>>
      tpu.wait_indirect_dma semaphore(%run_scoped3A_143 : memref<!tpu.dma_semaphore, #tpu.memory_space<semaphore_mem>>) src(%dma_wait3A_157 : memref<128x128xf32, #tpu.memory_space<vmem>>) dst(%dma_wait3A_163 : memref<10240x128xf32, #tpu.memory_space<vmem_shared>>)
      tpu.yield
    }) : () -> ()
    %barrier3A_137 = arith.constant 0 : index
    tpu.barrier barrier_id(%barrier3A_137)
    %scan3A_138 = arith.constant 0 : i32
    %scan3A_139 = arith.constant 16 : i32
    %scan3A_140 = arith.addi %scan3A_138, %scan3A_139 : i32
    %scan3A_141 = arith.constant 1 : i32
    scf.for %scan3A_143 = %scan3A_138 to %scan3A_140 step %scan3A_141  : i32 {
      %mul3A_144 = arith.constant 640 : i32
      %mul3A_145 = arith.muli %arg1, %mul3A_144 : i32
      %mul3A_146 = arith.constant 40 : i32
      %mul3A_147 = arith.muli %scan3A_143, %mul3A_146 : i32
      %add3A_148 = arith.addi %mul3A_145, %mul3A_147 : i32
      "tpu.region"() ({
        %run_scoped3A_149 = tpu.sem_alloc : memref<!tpu.dma_semaphore, #tpu.memory_space<semaphore_mem>>
        %dma_start3A_150 = arith.constant 0 : i32
        %dma_start3A_151 = tpu.memref_slice %arg5[%arg0, %add3A_148, %dma_start3A_150] : memref<2x10240x128xf32, #tpu.memory_space<hbm>> -> memref<1x40x128xf32, #tpu.memory_space<hbm>>
        %dma_start3A_152 = tpu.memref_squeeze %dma_start3A_151 : memref<1x40x128xf32, #tpu.memory_space<hbm>> -> memref<40x128xf32, #tpu.memory_space<hbm>>
        %dma_start3A_153 = arith.constant 0 : i32
        %dma_start3A_154 = tpu.memref_slice %arg10[%add3A_148, %dma_start3A_153] : memref<10240x128xf32, #tpu.memory_space<vmem_shared>> -> memref<40x128xf32, #tpu.memory_space<vmem_shared>>
        tpu.enqueue_dma source(%dma_start3A_154 : memref<40x128xf32, #tpu.memory_space<vmem_shared>>) target(%dma_start3A_152 : memref<40x128xf32, #tpu.memory_space<hbm>>) target_semaphore(%run_scoped3A_149 : memref<!tpu.dma_semaphore, #tpu.memory_space<semaphore_mem>>)
        %dma_wait3A_155 = arith.constant 0 : i32
        %dma_wait3A_156 = tpu.memref_slice %arg5[%arg0, %add3A_148, %dma_wait3A_155] : memref<2x10240x128xf32, #tpu.memory_space<hbm>> -> memref<1x40x128xf32, #tpu.memory_space<hbm>>
        %dma_wait3A_157 = tpu.memref_squeeze %dma_wait3A_156 : memref<1x40x128xf32, #tpu.memory_space<hbm>> -> memref<40x128xf32, #tpu.memory_space<hbm>>
        %dma_wait3A_158 = arith.constant 0 : i32
        %dma_wait3A_159 = tpu.memref_slice %arg10[%add3A_148, %dma_wait3A_158] : memref<10240x128xf32, #tpu.memory_space<vmem_shared>> -> memref<40x128xf32, #tpu.memory_space<vmem_shared>>
        tpu.wait_dma2 semaphore(%run_scoped3A_149 : memref<!tpu.dma_semaphore, #tpu.memory_space<semaphore_mem>>) src(%dma_wait3A_159 : memref<40x128xf32, #tpu.memory_space<vmem_shared>>) dst(%dma_wait3A_157 : memref<40x128xf32, #tpu.memory_space<hbm>>)
        tpu.yield
      }) : () -> ()
    }
    %scan3A_142 = arith.constant 16 : i32
    return
  }
}

module attributes {stable_mosaic.version = 14 : i64} {
  func.func @_scale_mid_body(%arg0: i32, %arg1: memref<2x1000x1xf32, #tpu.memory_space<vmem>>, %arg2: memref<2x1000x128xf32, #tpu.memory_space<vmem>>, %arg3: memref<1000x128xf32, #tpu.memory_space<vmem>>, %arg4: memref<1000x128xf32, #tpu.memory_space<vmem>>) attributes {dimension_semantics = [#tpu.dimension_semantics<arbitrary>], iteration_bounds = array<i64: 10>, scalar_prefetch = 0 : i64, scratch_operands = 0 : i64, tpu.core_type = #tpu.core_type<tc>, window_params = [{transform_indices = @transform_0, window_bounds = array<i64: 2, 1000, 1>}, {transform_indices = @transform_1, window_bounds = array<i64: 2, 1000, 128>}, {transform_indices = @transform_2, window_bounds = array<i64: 1000, 128>}, {transform_indices = @transform_3, window_bounds = array<i64: 1000, 128>}]} {
    %get3A = arith.constant 0 : index
    %get3A_0 = arith.constant 0 : index
    %get3A_1 = arith.constant 0 : index
    %get3A_2 = vector.load %arg1[%get3A, %get3A_0, %get3A_1] : memref<2x1000x1xf32, #tpu.memory_space<vmem>>, vector<1x1000x1xf32>
    %get3A_3 = vector.shape_cast %get3A_2 : vector<1x1000x1xf32> to vector<1000x1xf32>
    %get3A_4 = arith.constant 1 : index
    %get3A_5 = arith.constant 0 : index
    %get3A_6 = arith.constant 0 : index
    %get3A_7 = vector.load %arg1[%get3A_4, %get3A_5, %get3A_6] : memref<2x1000x1xf32, #tpu.memory_space<vmem>>, vector<1x1000x1xf32>
    %get3A_8 = vector.shape_cast %get3A_7 : vector<1x1000x1xf32> to vector<1000x1xf32>
    %add3A = arith.addf %get3A_3, %get3A_8 : vector<1000x1xf32>
    %add3A_9 = arith.constant 1.000000e+00 : f32
    %add3A_10 = vector.broadcast %add3A_9 : f32 to vector<1000x1xf32>
    %add3A_11 = arith.addf %add3A, %add3A_10 : vector<1000x1xf32>
    %get3A_12 = arith.constant 0 : index
    %get3A_13 = arith.constant 0 : index
    %get3A_14 = arith.constant 0 : index
    %get3A_15 = vector.load %arg2[%get3A_12, %get3A_13, %get3A_14] : memref<2x1000x128xf32, #tpu.memory_space<vmem>>, vector<1x1000x128xf32>
    %get3A_16 = vector.shape_cast %get3A_15 : vector<1x1000x128xf32> to vector<1000x128xf32>
    %get3A_17 = arith.constant 1 : index
    %get3A_18 = arith.constant 0 : index
    %get3A_19 = arith.constant 0 : index
    %get3A_20 = vector.load %arg2[%get3A_17, %get3A_18, %get3A_19] : memref<2x1000x128xf32, #tpu.memory_space<vmem>>, vector<1x1000x128xf32>
    %get3A_21 = vector.shape_cast %get3A_20 : vector<1x1000x128xf32> to vector<1000x128xf32>
    %add3A_22 = arith.addf %get3A_16, %get3A_21 : vector<1000x128xf32>
    %get3A_23 = arith.constant 0 : index
    %get3A_24 = arith.constant 0 : index
    %get3A_25 = vector.load %arg3[%get3A_23, %get3A_24] : memref<1000x128xf32, #tpu.memory_space<vmem>>, vector<1000x128xf32>
    %add3A_26 = arith.addf %add3A_22, %get3A_25 : vector<1000x128xf32>
    %div3A = vector.broadcast %add3A_11 : vector<1000x1xf32> to vector<1000x128xf32>
    %div3A_27 = arith.divf %add3A_26, %div3A : vector<1000x128xf32>
    %swap3A = arith.constant 0 : index
    %swap3A_28 = arith.constant 0 : index
    %swap3A_29 = vector.load %arg4[%swap3A, %swap3A_28] : memref<1000x128xf32, #tpu.memory_space<vmem>>, vector<1000x128xf32>
    tpu.vector_store %arg4[%swap3A, %swap3A_28], %div3A_27 {strides = array<i32>} : memref<1000x128xf32, #tpu.memory_space<vmem>>, vector<1000x128xf32>,
    return
  }
  func.func @transform_0(%arg0: i32) -> (i32, i32, i32) {
    %c0_i32 = arith.constant 0 : i32
    %c0_i32_0 = arith.constant 0 : i32
    %c0_i32_1 = arith.constant 0 : i32
    return %c0_i32, %arg0, %c0_i32_0 : i32, i32, i32
  }
  func.func @transform_1(%arg0: i32) -> (i32, i32, i32) {
    %c0_i32 = arith.constant 0 : i32
    %c0_i32_0 = arith.constant 0 : i32
    %c0_i32_1 = arith.constant 0 : i32
    return %c0_i32, %arg0, %c0_i32_0 : i32, i32, i32
  }
  func.func @transform_2(%arg0: i32) -> (i32, i32) {
    %c0_i32 = arith.constant 0 : i32
    %c0_i32_0 = arith.constant 0 : i32
    return %arg0, %c0_i32 : i32, i32
  }
  func.func @transform_3(%arg0: i32) -> (i32, i32) {
    %c0_i32 = arith.constant 0 : i32
    %c0_i32_0 = arith.constant 0 : i32
    return %arg0, %c0_i32 : i32, i32
  }
}

module attributes {stable_mosaic.version = 14 : i64} {
  func.func @_scale0_body(%arg0: i32, %arg1: memref<2x1000x1xf32, #tpu.memory_space<vmem>>, %arg2: memref<1000x128xf32, #tpu.memory_space<vmem>>, %arg3: memref<1000x128xf32, #tpu.memory_space<vmem>>) attributes {dimension_semantics = [#tpu.dimension_semantics<arbitrary>], iteration_bounds = array<i64: 10>, scalar_prefetch = 0 : i64, scratch_operands = 0 : i64, tpu.core_type = #tpu.core_type<tc>, window_params = [{transform_indices = @transform_0, window_bounds = array<i64: 2, 1000, 1>}, {transform_indices = @transform_1, window_bounds = array<i64: 1000, 128>}, {transform_indices = @transform_2, window_bounds = array<i64: 1000, 128>}]} {
    %get3A = arith.constant 0 : index
    %get3A_0 = arith.constant 0 : index
    %get3A_1 = arith.constant 0 : index
    %get3A_2 = vector.load %arg1[%get3A, %get3A_0, %get3A_1] : memref<2x1000x1xf32, #tpu.memory_space<vmem>>, vector<1x1000x1xf32>
    %get3A_3 = vector.shape_cast %get3A_2 : vector<1x1000x1xf32> to vector<1000x1xf32>
    %get3A_4 = arith.constant 1 : index
    %get3A_5 = arith.constant 0 : index
    %get3A_6 = arith.constant 0 : index
    %get3A_7 = vector.load %arg1[%get3A_4, %get3A_5, %get3A_6] : memref<2x1000x1xf32, #tpu.memory_space<vmem>>, vector<1x1000x1xf32>
    %get3A_8 = vector.shape_cast %get3A_7 : vector<1x1000x1xf32> to vector<1000x1xf32>
    %add3A = arith.addf %get3A_3, %get3A_8 : vector<1000x1xf32>
    %add3A_9 = arith.constant 1.000000e+00 : f32
    %add3A_10 = vector.broadcast %add3A_9 : f32 to vector<1000x1xf32>
    %add3A_11 = arith.addf %add3A, %add3A_10 : vector<1000x1xf32>
    %rsqrt3A = math.rsqrt %add3A_11 : vector<1000x1xf32>
    %get3A_12 = arith.constant 0 : index
    %get3A_13 = arith.constant 0 : index
    %get3A_14 = vector.load %arg2[%get3A_12, %get3A_13] : memref<1000x128xf32, #tpu.memory_space<vmem>>, vector<1000x128xf32>
    %mul3A = vector.broadcast %rsqrt3A : vector<1000x1xf32> to vector<1000x128xf32>
    %mul3A_15 = arith.mulf %mul3A, %get3A_14 : vector<1000x128xf32>
    %swap3A = arith.constant 0 : index
    %swap3A_16 = arith.constant 0 : index
    %swap3A_17 = vector.load %arg3[%swap3A, %swap3A_16] : memref<1000x128xf32, #tpu.memory_space<vmem>>, vector<1000x128xf32>
    tpu.vector_store %arg3[%swap3A, %swap3A_16], %mul3A_15 {strides = array<i32>} : memref<1000x128xf32, #tpu.memory_space<vmem>>, vector<1000x128xf32>,
    return
  }
  func.func @transform_0(%arg0: i32) -> (i32, i32, i32) {
    %c0_i32 = arith.constant 0 : i32
    %c0_i32_0 = arith.constant 0 : i32
    %c0_i32_1 = arith.constant 0 : i32
    return %c0_i32, %arg0, %c0_i32_0 : i32, i32, i32
  }
  func.func @transform_1(%arg0: i32) -> (i32, i32) {
    %c0_i32 = arith.constant 0 : i32
    %c0_i32_0 = arith.constant 0 : i32
    return %arg0, %c0_i32 : i32, i32
  }
  func.func @transform_2(%arg0: i32) -> (i32, i32) {
    %c0_i32 = arith.constant 0 : i32
    %c0_i32_0 = arith.constant 0 : i32
    return %arg0, %c0_i32 : i32, i32
  }
}

module attributes {stable_mosaic.version = 14 : i64} {
  func.func @_final_body(%arg0: i32, %arg1: memref<2x1000x1xf32, #tpu.memory_space<vmem>>, %arg2: memref<2x1000x128xf32, #tpu.memory_space<vmem>>, %arg3: memref<1000x128xf32, #tpu.memory_space<vmem>>, %arg4: memref<128x128xf32, #tpu.memory_space<vmem>>, %arg5: memref<1000x128xf32, #tpu.memory_space<vmem>>) attributes {dimension_semantics = [#tpu.dimension_semantics<arbitrary>], iteration_bounds = array<i64: 10>, scalar_prefetch = 0 : i64, scratch_operands = 0 : i64, tpu.core_type = #tpu.core_type<tc>, window_params = [{transform_indices = @transform_0, window_bounds = array<i64: 2, 1000, 1>}, {transform_indices = @transform_1, window_bounds = array<i64: 2, 1000, 128>}, {transform_indices = @transform_2, window_bounds = array<i64: 1000, 128>}, {pipeline_mode = #tpu.pipeline_mode<synchronous>, transform_indices = @transform_3, window_bounds = array<i64: 128, 128>}, {transform_indices = @transform_4, window_bounds = array<i64: 1000, 128>}]} {
    %get3A = arith.constant 0 : index
    %get3A_0 = arith.constant 0 : index
    %get3A_1 = arith.constant 0 : index
    %get3A_2 = vector.load %arg1[%get3A, %get3A_0, %get3A_1] : memref<2x1000x1xf32, #tpu.memory_space<vmem>>, vector<1x1000x1xf32>
    %get3A_3 = vector.shape_cast %get3A_2 : vector<1x1000x1xf32> to vector<1000x1xf32>
    %get3A_4 = arith.constant 1 : index
    %get3A_5 = arith.constant 0 : index
    %get3A_6 = arith.constant 0 : index
    %get3A_7 = vector.load %arg1[%get3A_4, %get3A_5, %get3A_6] : memref<2x1000x1xf32, #tpu.memory_space<vmem>>, vector<1x1000x1xf32>
    %get3A_8 = vector.shape_cast %get3A_7 : vector<1x1000x1xf32> to vector<1000x1xf32>
    %add3A = arith.addf %get3A_3, %get3A_8 : vector<1000x1xf32>
    %add3A_9 = arith.constant 1.000000e+00 : f32
    %add3A_10 = vector.broadcast %add3A_9 : f32 to vector<1000x1xf32>
    %add3A_11 = arith.addf %add3A, %add3A_10 : vector<1000x1xf32>
    %rsqrt3A = math.rsqrt %add3A_11 : vector<1000x1xf32>
    %get3A_12 = arith.constant 0 : index
    %get3A_13 = arith.constant 0 : index
    %get3A_14 = arith.constant 0 : index
    %get3A_15 = vector.load %arg2[%get3A_12, %get3A_13, %get3A_14] : memref<2x1000x128xf32, #tpu.memory_space<vmem>>, vector<1x1000x128xf32>
    %get3A_16 = vector.shape_cast %get3A_15 : vector<1x1000x128xf32> to vector<1000x128xf32>
    %get3A_17 = arith.constant 1 : index
    %get3A_18 = arith.constant 0 : index
    %get3A_19 = arith.constant 0 : index
    %get3A_20 = vector.load %arg2[%get3A_17, %get3A_18, %get3A_19] : memref<2x1000x128xf32, #tpu.memory_space<vmem>>, vector<1x1000x128xf32>
    %get3A_21 = vector.shape_cast %get3A_20 : vector<1x1000x128xf32> to vector<1000x128xf32>
    %add3A_22 = arith.addf %get3A_16, %get3A_21 : vector<1000x128xf32>
    %get3A_23 = arith.constant 0 : index
    %get3A_24 = arith.constant 0 : index
    %get3A_25 = vector.load %arg3[%get3A_23, %get3A_24] : memref<1000x128xf32, #tpu.memory_space<vmem>>, vector<1000x128xf32>
    %add3A_26 = arith.addf %add3A_22, %get3A_25 : vector<1000x128xf32>
    %mul3A = vector.broadcast %rsqrt3A : vector<1000x1xf32> to vector<1000x128xf32>
    %mul3A_27 = arith.mulf %mul3A, %add3A_26 : vector<1000x128xf32>
    %get3A_28 = arith.constant 0 : index
    %get3A_29 = arith.constant 0 : index
    %get3A_30 = vector.load %arg4[%get3A_28, %get3A_29] : memref<128x128xf32, #tpu.memory_space<vmem>>, vector<128x128xf32>
    %dot_general3A = arith.constant dense<0.000000e+00> : vector<1000x128xf32>
    %dot_general3A_31 = tpu.matmul %mul3A_27, %get3A_30, %dot_general3A {dimension_numbers = #tpu.dot_dimension_numbers<[1], [0], [0], [1], [0, 0, 1, 1], [], []>, transpose_lhs_hint = false} : vector<1000x128xf32>, vector<128x128xf32>, vector<1000x128xf32> -> vector<1000x128xf32>
    %swap3A = arith.constant 0 : index
    %swap3A_32 = arith.constant 0 : index
    %swap3A_33 = vector.load %arg5[%swap3A, %swap3A_32] : memref<1000x128xf32, #tpu.memory_space<vmem>>, vector<1000x128xf32>
    tpu.vector_store %arg5[%swap3A, %swap3A_32], %dot_general3A_31 {strides = array<i32>} : memref<1000x128xf32, #tpu.memory_space<vmem>>, vector<1000x128xf32>,
    return
  }
  func.func @transform_0(%arg0: i32) -> (i32, i32, i32) {
    %c0_i32 = arith.constant 0 : i32
    %c0_i32_0 = arith.constant 0 : i32
    %c0_i32_1 = arith.constant 0 : i32
    return %c0_i32, %arg0, %c0_i32_0 : i32, i32, i32
  }
  func.func @transform_1(%arg0: i32) -> (i32, i32, i32) {
    %c0_i32 = arith.constant 0 : i32
    %c0_i32_0 = arith.constant 0 : i32
    %c0_i32_1 = arith.constant 0 : i32
    return %c0_i32, %arg0, %c0_i32_0 : i32, i32, i32
  }
  func.func @transform_2(%arg0: i32) -> (i32, i32) {
    %c0_i32 = arith.constant 0 : i32
    %c0_i32_0 = arith.constant 0 : i32
    return %arg0, %c0_i32 : i32, i32
  }
  func.func @transform_3(%arg0: i32) -> (i32, i32) {
    %c0_i32 = arith.constant 0 : i32
    %c0_i32_0 = arith.constant 0 : i32
    %c0_i32_1 = arith.constant 0 : i32
    return %c0_i32, %c0_i32_0 : i32, i32
  }
  func.func @transform_4(%arg0: i32) -> (i32, i32) {
    %c0_i32 = arith.constant 0 : i32
    %c0_i32_0 = arith.constant 0 : i32
    return %arg0, %c0_i32 : i32, i32
  }
}

</mosaic_0001>

<sc_bundles>
// kernel: kernel.11.cloned.1.call-start
scs
__scs_entry_jumppad:
0x0: {  	(pc) =	sbr.rel $0x88, $3  }
0x1: {  	(tag) =	ssettag $0x0;
	lr =	simm.s32 $0x1  }
0x2: {  	[smem:$0x3F9E] =	sst lr;
	_ =	strace $0xD0000000  }
0x3: {  	_ = 	snop  }
0x4: {  	_ = 	snop  }
0x5: {  	_ = 	snop  }
0x6: {  	_ = 	snop  }
0x7: {  	_ = 	snop  }
__scs_overlays_trampoline_lowered:
0x8: {  	[smem:$0x3FAD] =	sst s0  }
0x9: {  	[smem:$0x3FAE] =	sst s1  }
0xa: {  	[smem:$0x3FAF] =	sst s2  }
0xb: {  	[smem:$0x3FB0] =	sst s3  }
0xc: {  	[smem:$0x3FB1] =	sst s4  }
0xd: {  	[smem:$0x3FB2] =	sst s5  }
0xe: {  	[smem:$0x3FB3] =	sst s6  }
0xf: {  	[smem:$0x3FB4] =	sst s7  }
0x10: {  	[smem:$0x3FB5] =	sst s8  }
0x11: {  	[smem:$0x3FB6] =	sst s9;
	s0 =	simm.s32 @!p0 $0x0  }
0x12: {  	s1 =	sld [smem:$0x3F9C];
	s0 =	simm.s32 @p0 $0x1  }
0x13: {  	[smem:$0x3FB7] =	sst s0;
	s0 =	simm.s32 @!p1 $0x0  }
0x14: {  	s2 =	sld [smem:$0x3F9B];
	s0 =	simm.s32 @p1 $0x1  }
0x15: {  	[smem:$0x3FB8] =	sst s0;
	s0 =	simm.s32 @!p2 $0x0  }
0x16: {  	s3 =	sld [smem:$0x3FDB];
	s0 =	simm.s32 @p2 $0x1  }
0x17: {  	s4 =	simm.s32 $0x1BF5;
	[smem:$0x3FBA] =	sst s0  }
0x18: {  	s0 =	sld [smem:$0x3F9D];
	_ =	swait.ge [sflag:s4], $0x0  }
0x19: {  	s7 =	sld [smem:$0x3F9E]  }
0x1a: {  	s8 =	sadd.s32 $0xFFFFE003, lr  }
0x1b: {  	s9 =	sadd.s32 $0xFFFFFEF7, lr;
	s5 =	simm.s32 $0xFFFFFFFF;
	p2 =	slt.u32 s8, $0xFFFFF086  }
0x1c: {  	p1 =	slt.u32 s9, $0xF7A;
	s5 =	simm.s32 @!p2 $0x0  }
0x1d: {  	s5 =	simm.s32 @p1 $0x1;
	p0 =	seq.s32 s7, s2  }
0x1e: {  	s7 =	smul.u32 @!p0 $0xF7A, s2;
	p2 =	seq.s32 @!p0 s5, $0x0  }
0x1f: {  	s9 =	smul.u32 $0xF7A, s1;
	s8 =	simm.s32 @!p0 $0x1BF5;
	p2 =	por !p2, p0  }
0x20: {  	[sflag:s8] =	ssyncset.s32 @!p0 $0xFFFFF086;
	s6 =	sadd.s32 @!p0 s3, s7;
	s7 =	simm.s32 @!p0 $0x108  }
0x21: {  	s3 =	sadd.s32 s3, s9;
	s6 =	sadd.s32 @!p0 $0x88, s6;
	s7 =	simm.s32 @p2 $0x1082  }
0x22: {  	[simem:s7], [sflag:s8] =	dma.local @!p0 [hbm:s6], $0xF7A  }
0x23: {  	s9 =	sor.u32 $0xD0000000, s2;
	s6 =	simm.s32 $0x108;
	_ =	swait.ge @!p0 [sflag:s8], $0x0  }
0x24: {  	s3 =	sadd.s32 $0x88, s3;
	s6 =	simm.s32 @!p1 $0x1082;
	[sflag:s4] =	ssyncset.s32 $0xFFFFF086  }
0x25: {  	[simem:s6], [sflag:s4] =	dma.local [hbm:s3], $0xF7A  }
0x26: {  	[smem:$0x3F9E] =	sst s1;
	(tag) =	ssettag s2;
	_ =	strace s9  }
0x27: {  	s1 =	sld [smem:$0x3FAE]  }
0x28: {  	s2 =	sld [smem:$0x3FAF]  }
0x29: {  	s4 =	sld [smem:$0x3FB1]  }
0x2a: {  	p0 =	seq.s32 s5, $0x0;
	s5 =	sld [smem:$0x3FB2]  }
0x2b: {  	s6 =	sld [smem:$0x3FB3]  }
0x2c: {  	s7 =	sld [smem:$0x3FB4]  }
0x2d: {  	s3 =	simm.s32 $0x108;
	s8 =	sld [smem:$0x3FB5]  }
0x2e: {  	s3 =	simm.s32 @!p0 $0x1082;
	s9 =	sld [smem:$0x3FB6]  }
0x2f: {  	lr =	sadd.s32 s0, s3;
	s0 =	sld [smem:$0x3FAD]  }
0x30: {  	s3 =	sld [smem:$0x3FB0]  }
0x31: {  	[smem:$0x3FB9] =	sst s10  }
0x32: {  	s10 =	sld [smem:$0x3FB7];
	_ =	sdelay $0x3  }
0x33: {  	p0 =	seq.s32 s10, $0x1;
	s10 =	sld [smem:$0x3FB9];
	_ =	sdelay $0x3  }
0x34: {  	[smem:$0x3FB9] =	sst s10  }
0x35: {  	s10 =	sld [smem:$0x3FB8];
	_ =	sdelay $0x3  }
0x36: {  	p1 =	seq.s32 s10, $0x1;
	s10 =	sld [smem:$0x3FB9];
	_ =	sdelay $0x3  }
0x37: {  	[smem:$0x3FB9] =	sst s10  }
0x38: {  	s10 =	sld [smem:$0x3FBA]  }
0x39: {  	_ = 	snop;
	(pc) =	sbr.ind lr, $3  }
0x3a: {  	_ = 	snop  }
0x3b: {  	_ = 	snop  }
0x3c: {  	p2 =	seq.s32 s10, $0x1;
	s10 =	sld [smem:$0x3FB9]  }
0x3d: {  	_ =	shalt  }
0x3e: {  	_ =	shalt  }
0x3f: {  	_ =	shalt  }
0x40: {  	_ =	shalt  }
0x41: {  	_ =	shalt  }
0x42: {  	_ =	shalt  }
0x43: {  	_ =	shalt  }
0x44: {  	_ =	shalt  }
0x45: {  	_ =	shalt  }
0x46: {  	_ =	shalt  }
0x47: {  	_ =	shalt  }
0x48: {  	_ =	shalt  }
0x49: {  	_ =	shalt  }
0x4a: {  	_ =	shalt  }
0x4b: {  	_ =	shalt  }
0x4c: {  	_ =	shalt  }
0x4d: {  	_ =	shalt  }
0x4e: {  	_ =	shalt  }
0x4f: {  	_ =	shalt  }
0x50: {  	_ =	shalt  }
0x51: {  	_ =	shalt  }
0x52: {  	_ =	shalt  }
0x53: {  	_ =	shalt  }
0x54: {  	_ =	shalt  }
0x55: {  	_ =	shalt  }
0x56: {  	_ =	shalt  }
0x57: {  	_ =	shalt  }
0x58: {  	_ =	shalt  }
0x59: {  	_ =	shalt  }
0x5a: {  	_ =	shalt  }
0x5b: {  	_ =	shalt  }
0x5c: {  	_ =	shalt  }
0x5d: {  	_ =	shalt  }
0x5e: {  	_ =	shalt  }
0x5f: {  	_ =	shalt  }
0x60: {  	_ =	shalt  }
0x61: {  	_ =	shalt  }
0x62: {  	_ =	shalt  }
0x63: {  	_ =	shalt  }
0x64: {  	_ =	shalt  }
0x65: {  	_ =	shalt  }
0x66: {  	_ =	shalt  }
0x67: {  	_ =	shalt  }
0x68: {  	_ =	shalt  }
0x69: {  	_ =	shalt  }
0x6a: {  	_ =	shalt  }
0x6b: {  	_ =	shalt  }
0x6c: {  	_ =	shalt  }
0x6d: {  	_ =	shalt  }
0x6e: {  	_ =	shalt  }
0x6f: {  	_ =	shalt  }
0x70: {  	_ =	shalt  }
0x71: {  	_ =	shalt  }
0x72: {  	_ =	shalt  }
0x73: {  	_ =	shalt  }
0x74: {  	_ =	shalt  }
0x75: {  	_ =	shalt  }
0x76: {  	_ =	shalt  }
0x77: {  	_ =	shalt  }
0x78: {  	_ =	shalt  }
0x79: {  	_ =	shalt  }
0x7a: {  	_ =	shalt  }
0x7b: {  	_ =	shalt  }
0x7c: {  	_ =	shalt  }
0x7d: {  	_ =	shalt  }
0x7e: {  	_ =	shalt  }
0x7f: {  	_ =	shalt  }
0x80: {  	_ =	shalt  }
0x81: {  	_ =	shalt  }
0x82: {  	_ =	shalt  }
0x83: {  	_ =	shalt  }
0x84: {  	_ =	shalt  }
0x85: {  	_ =	shalt  }
0x86: {  	_ =	shalt  }
0x87: {  	_ =	shalt  }
.Lfunc_end0:
.L_simem_size_0:
called_computation.1_lowered:
.L_overlay_start_0:
0x88: {  	s2 =	sld [smem:$0x3FD9]  }
0x89: {  	s3 =	sld [smem:$0x3FFE];
	_ =	sdelay $0x1  }
0x8a: {  	s1 =	srdreg.scid  }
0x8b: {  	s0 =	sand.u32 $0x1, s1  }
0x8c: {  	s17 =	sshll.u32 s0, $0xA;
	s2 =	sadd.s32 s3, s2  }
0x8d: {  	s2 =	sadd.s32 s2, s17  }
0x8e: {  	[smem:$0x3FC5] =	sst s2  }
0x8f: {  	_ = 	snop  }
0x90: {  	s2 =	sld [smem:$0x3FD0];
	(tm) =	ssettm $0x1  }
0x91: {  	s18 =	sld [smem:$0x3FFB];
	_ =	sdelay $0x3  }
0x92: {  	_ =	strace s18  }
0x93: {  	s3 =	sld [smem:$0x3FFC];
	_ =	sdelay $0x3  }
0x94: {  	_ =	strace s3  }
0x95: {  	s3 =	sld [smem:$0x3FFD];
	_ =	sdelay $0x3  }
0x96: {  	_ =	strace s3  }
0x97: {  	_ =	strace $0x8FFFFFFF  }
0x98: {  	s19 =	sld [smem:$0x3FDB];
	_ =	sdelay $0x1  }
0x99: {  	s4 =	simm.s32 $_scs_section_size  }
0x9a: {  	s5 =	simm.s32 $_size__tile_overlayer_lowered;
	s6 =	simm.s32 $_tile_overlayer_lowered  }
0x9b: {  	s22 =	simm.s32 $0x1BFF;
	s21 =	sshll.u32 s6, $0x1;
	s3 =	sadd.s32 s4, s19  }
0x9c: {  	s7 =	simm.s32 $0x0;
	s20 =	sshll.u32 s5, $0x1;
	s5 =	sadd.s32 s21, s3  }
0x9d: {  	[timem:s7], [sflag:s22] =	dma.local [hbm:s5], s20  }
0x9e: {  	_ =	swait.ge [sflag:s22], s20  }
0x9f: {  	s4 =	ssub.s32 $0x0, s20;
	[sflag:s22] =	ssyncset.done $0x0  }
0xa0: {  	[sflag:s22] =	ssyncadd.s32 s4;
	_ =	sdelay $0x1  }
0xa1: {  	s23 =	simm.s32 $0x1B8B  }
0xa2: {  	_ =	swait.ge [sflag:s23], $0x1  }
0xa3: {  	[sflag:s23] =	ssyncset.done $0x0  }
0xa4: {  	s25 =	simm.s32 $0x1B8E;
	s24 =	sld [smem:$0x3FFE];
	[sflag:s23] =	ssyncadd.s32 $0xFFFFFFFF  }
0xa5: {  	s26 =	simm.s32 $execute0_lowered;
	[smem:$0x3FD2] =	sst s25  }
0xa6: {  	s5 =	sshll.u32 s26, $0x1;
	_ =	strace $0x80000049;
	[dreg:$0x1] =	wrdreg $0xFFFFFFFF  }
0xa7: {  	s28 =	simm.s32 $_size_execute0_lowered;
	s3 =	sadd.s32 s3, s5;
	[dreg:$0x0] =	wrdreg $0x0  }
0xa8: {  	s5 =	sshll.u32 s28, $0x1;
	[dreg:$0x2] =	wrdreg s3  }
0xa9: {  	[dreg:$0x3] =	wrdreg s5  }
0xaa: {  	[dreg:$0x4] =	wrdreg $0xC0  }
0xab: {  	_ =	task [dreg:s7], $0x5FFFF  }
0xac: {  	[dreg:$0x1] =	wrdreg $0xFFFFFFFF  }
0xad: {  	[dreg:$0x0] =	wrdreg $0x60  }
0xae: {  	[dreg:$0x2] =	wrdreg s2  }
0xaf: {  	[dreg:$0x3] =	wrdreg s24  }
0xb0: {  	[dreg:$0x4] =	wrdreg $0xBC000  }
0xb1: {  	[dreg:$0x5] =	wrdreg $0x9  }
0xb2: {  	_ =	task.clear_ibuf [dreg:s7], $0x6FFFF;
	_ =	strace $0x90000049  }
0xb3: {  	s29 =	simm.s32 $0x9;
	_ =	strace $0x8000004B  }
0xb4: {  	_ =	swait.ge [sflag:s29], $0x1  }
0xb5: {  	[sflag:s29] =	ssyncadd.s32 $0xFFFFFFFF  }
0xb6: {  	_ =	strace $0x9000004B  }
0xb7: {  	_ =	sfence  }
0xb8: {  	s30 =	sld [smem:$0x0];
	_ =	sdelay $0x2  }
0xb9: {  	s31 =	sshll.u32 s1, $0xD;
	s1 =	sshrl.u32 s1, $0x2  }
0xba: {  	s3 =	sand.u32 $0x4000, s31;
	s1 =	sadd.s32 s1, s30  }
0xbb: {  	s0 =	sor.u32 s3, s0;
	s1 =	sshll.u32 s1, $0x11  }
0xbc: {  	s0 =	sor.u32 s1, s0  }
0xbd: {  	s0 =	sadd.s32 $0x8F2B, s0  }
0xbe: {  	[sflag:s0] =	ssyncadd.remote.s32 $0x1  }
0xbf: {  	_ =	sfence.sel $0xFFFF  }
0xc0: {  	[dreg:$0x0] =	wrdreg $0xFFFFFFFF;
	(pc) =	sbr.abs _section_cstart, $3  }
0xc1: {  	[dreg:$0x1] =	wrdreg $0xFFFFFFFF  }
0xc2: {  	_ =	task.clear_ibuf [dreg:s7], $0x2FFFF;
	_ =	strace $0x9FFFFFFF  }
0xc3: {  	(tm) =	ssettm $0x7FFFFFFF  }
tec
execute0_lowered:
.L_overlay_start_1:
0x0: {  	(tag) =	ssettag $0x1  }
0x1: {  	s1 =	rddreg [dreg:$0x0]  }
0x2: {  	s0 =	srdreg.scid;
	s4 =	rddreg [dreg:$0x1]  }
0x3: {  	s9 =	stileid.u32;
	s3 =	rddreg [dreg:$0x2];
	s7 =	simm.s32 $0x0  }
0x4: {  	s28 =	simm.s32 $0xA800;
	s29 =	simm.s32 $0x3;
	s30 =	simm.s32 $0x1400  }
0x5: {  	s31 =	simm.s32 $0x80;
	s13 =	simm.s32 $0x2780;
	s16 =	smul.u32 $0x14000, s9  }
0x6: {  	s0 =	sand.u32 $0x1, s0;
	s2 =	sshll.u32 s9, $0x1;
	s9 =	smul.u32 $0x50000, s9  }
0x7: {  	s2 =	sor.u32 s0, s2;
	s6 =	smul.u32 $0x140000, s0;
	s0 =	ssub.s32 $0x2, s0  }
0x8: {  	s14 =	simm.s32 $0x0;
	[smem:$0x7FF] =	sst s7;
	s18 =	sshrl.u32 s0, $0x1  }
0x9: {  	s10 =	sadd.s32 $0x15C00, s4;
	s9 =	sshrl.u32 s9, $0x2;
	s0 =	ssub.s32 s0, s18  }
0xa: {  	s12 =	sadd.s32 $0x15E80, s4;
	s9 =	sadd.s32 s9, s3;
	s0 =	smax.u32 s0, $0x1  }
0xb: {  	_ =	strace $0x8000004A;
	s19 =	sadd.s32 $0x2800, s9;
	[dreg:$0x4] =	wrdreg s0  }
0xc: {  	s5 =	smul.u32 $0x2800, s2;
	s20 =	sadd.s32 $0x3C00, s9;
	[dreg:$0x5] =	wrdreg s19  }
0xd: {  	p0 =	seq.s32 s2, $0x1F;
	s21 =	sadd.s32 $0x5000, s9;
	[dreg:$0x6] =	wrdreg s20  }
0xe: {  	s2 =	sadd.s32 $0x16100, s4;
	s22 =	sadd.s32 $0x6400, s9;
	[dreg:$0x7] =	wrdreg s21  }
0xf: {  	s17 =	sadd.s32 s16, s6;
	s23 =	sadd.s32 $0x7800, s9;
	[dreg:$0x8] =	wrdreg s22  }
0x10: {  	s5 =	sshrl.u32 s5, $0x3;
	s24 =	sadd.s32 $0x8C00, s9;
	[dreg:$0x9] =	wrdreg s23  }
0x11: {  	s25 =	sadd.s32 $0xA000, s9;
	s26 =	sadd.s32 $0xB400, s9;
	[dreg:$0xa] =	wrdreg s24  }
0x12: {  	s8 =	sadd.s32 s5, s4;
	s5 =	sshrl.u32 s17, $0x3;
	[dreg:$0xb] =	wrdreg s25  }
0x13: {  	s17 =	sadd.s32 $0x1400, s9;
	[dreg:$0xc] =	wrdreg s26;
	s20 =	sadd.s32 $0xC800, s9  }
0x14: {  	s21 =	sadd.s32 $0xDC00, s9;
	s22 =	sadd.s32 $0xF000, s9;
	s23 =	sadd.s32 $0x10400, s9  }
0x15: {  	s24 =	sadd.s32 $0x11800, s9;
	s26 =	sadd.s32 $0x12C00, s9;
	s0 =	simm.s32 $0x6800  }
0x16: {  	s11 =	sadd.s32 s5, s4;
	s5 =	sadd.s32 $0x2200, s8;
	s6 =	sadd.s32 $0xBE80, s8  }
0x17: {  	s7 =	sadd.s32 $0x2480, s8;
	s8 =	sadd.s32 $0xC100, s8;
	s4 =	sadd.s32 $0x16380, s4  }
0x18: {  	s7 =	smov.u32 @p0 s12;
	s8 =	smov.u32 @p0 s4;
	s5 =	smov.u32 @p0 s10  }
0x19: {  	s6 =	smov.u32 @p0 s2;
	s25 =	sadd.s32 $0x16600, s11;
	s2 =	simm.s32 $0x2800  }
0x1a: {  	v0 =	vimm.f32 $0.0e+00;
	s4 =	simm.s32 $0x1;
	s10 =	simm.s32 $0x2;
	s12 =	simm.s32 $0x2700  }
.LBB2_1:
0x1b: {  	s15 =	simm.s32 $0x0  }
0x1c: {  	s11 =	sand.u32 $0x7E00, s15  }
0x1d: {  	s16 =	sand.u32 $0x70, s15;
	s11 =	sshrl.u32 s11, $0x2  }
0x1e: {  	s15 =	simm.s32 $0x40;
	s11 =	sor.u32 s16, s11;
	s16 =	simm.s32 $0x0  }
.LBB2_2:
0x1f: {  	p0 =	sne.s32 s15, $0x4FC0  }
0x20: {  	[tilespmem:s11+$0xA800] =	vst v0;
	s16 =	sadd.s32 $0x10, s16;
	s11 =	smov.u32 s15;
	s15 =	sadd.s32 $0x40, s15  }
.Ltmp0:
0x21: {  	(pc) =	sbr.rel @p0 .LBB2_2-.Ltmp0, $4  }
0x22: {  	_ = 	snop  }
0x23: {  	s11 =	sand.u32 $0x7E00, s11  }
0x24: {  	s18 =	sand.u32 $0x70, s16;
	s11 =	sshrl.u32 s11, $0x2  }
0x25: {  	s11 =	sor.u32 s18, s11  }
0x26: {  	[tilespmem:s11+$0xA800] =	vst v0  }
0x27: {  	[spmem:s9] =	stream.linear.scatter [tilespmem:s28], [sflag:$0x3], $0x1400, $0x38;
	[tilespmem:$0x1FC00] =	vst v63  }
0x28: {  	_ =	swait.ge [sflag:s29], $0x1400  }
0x29: {  	[sflag:s29] =	ssyncset.done $0x0  }
0x2a: {  	[sflag:s29] =	ssyncadd.s32 $0xFFFFEC00  }
0x2b: {  	[spmem:s17] =	stream.linear.scatter [tilespmem:s28], [sflag:$0x3], $0x1400, $0x38;
	[tilespmem:$0x1FC00] =	vst v63  }
0x2c: {  	_ =	swait.ge [sflag:s29], $0x1400  }
0x2d: {  	[sflag:s29] =	ssyncset.done $0x0  }
0x2e: {  	s15 =	rddreg [dreg:$0x5];
	[sflag:s29] =	ssyncadd.s32 $0xFFFFEC00  }
0x2f: {  	[spmem:s15] =	stream.linear.scatter [tilespmem:s28], [sflag:$0x3], $0x1400, $0x38;
	[tilespmem:$0x1FC00] =	vst v63  }
0x30: {  	_ =	swait.ge [sflag:s29], $0x1400  }
0x31: {  	[sflag:s29] =	ssyncset.done $0x0  }
0x32: {  	s16 =	rddreg [dreg:$0x6];
	[sflag:s29] =	ssyncadd.s32 $0xFFFFEC00  }
0x33: {  	[spmem:s16] =	stream.linear.scatter [tilespmem:s28], [sflag:$0x3], $0x1400, $0x38;
	[tilespmem:$0x1FC00] =	vst v63  }
0x34: {  	_ =	swait.ge [sflag:s29], $0x1400  }
0x35: {  	[sflag:s29] =	ssyncset.done $0x0  }
0x36: {  	s18 =	rddreg [dreg:$0x7];
	[sflag:s29] =	ssyncadd.s32 $0xFFFFEC00  }
0x37: {  	[spmem:s18] =	stream.linear.scatter [tilespmem:s28], [sflag:$0x3], $0x1400, $0x38;
	[tilespmem:$0x1FC00] =	vst v63  }
0x38: {  	_ =	swait.ge [sflag:s29], $0x1400  }
0x39: {  	[sflag:s29] =	ssyncset.done $0x0  }
0x3a: {  	s19 =	rddreg [dreg:$0x8];
	[sflag:s29] =	ssyncadd.s32 $0xFFFFEC00  }
0x3b: {  	[spmem:s19] =	stream.linear.scatter [tilespmem:s28], [sflag:$0x3], $0x1400, $0x38;
	[tilespmem:$0x1FC00] =	vst v63  }
0x3c: {  	_ =	swait.ge [sflag:s29], $0x1400  }
0x3d: {  	[sflag:s29] =	ssyncset.done $0x0  }
0x3e: {  	s15 =	rddreg [dreg:$0x9];
	[sflag:s29] =	ssyncadd.s32 $0xFFFFEC00  }
0x3f: {  	[spmem:s15] =	stream.linear.scatter [tilespmem:s28], [sflag:$0x3], $0x1400, $0x38;
	[tilespmem:$0x1FC00] =	vst v63  }
0x40: {  	_ =	swait.ge [sflag:s29], $0x1400  }
0x41: {  	[sflag:s29] =	ssyncset.done $0x0  }
0x42: {  	s16 =	rddreg [dreg:$0xa];
	[sflag:s29] =	ssyncadd.s32 $0xFFFFEC00  }
0x43: {  	[spmem:s16] =	stream.linear.scatter [tilespmem:s28], [sflag:$0x3], $0x1400, $0x38;
	[tilespmem:$0x1FC00] =	vst v63  }
0x44: {  	_ =	swait.ge [sflag:s29], $0x1400  }
0x45: {  	[sflag:s29] =	ssyncset.done $0x0  }
0x46: {  	s18 =	rddreg [dreg:$0xb];
	[sflag:s29] =	ssyncadd.s32 $0xFFFFEC00  }
0x47: {  	[spmem:s18] =	stream.linear.scatter [tilespmem:s28], [sflag:$0x3], $0x1400, $0x38;
	[tilespmem:$0x1FC00] =	vst v63  }
0x48: {  	_ =	swait.ge [sflag:s29], $0x1400  }
0x49: {  	[sflag:s29] =	ssyncset.done $0x0  }
0x4a: {  	s19 =	rddreg [dreg:$0xc];
	[sflag:s29] =	ssyncadd.s32 $0xFFFFEC00  }
0x4b: {  	[spmem:s19] =	stream.linear.scatter [tilespmem:s28], [sflag:$0x3], $0x1400, $0x38;
	[tilespmem:$0x1FC00] =	vst v63  }
0x4c: {  	_ =	swait.ge [sflag:s29], $0x1400  }
0x4d: {  	[sflag:s29] =	ssyncset.done $0x0  }
0x4e: {  	[sflag:s29] =	ssyncadd.s32 $0xFFFFEC00  }
0x4f: {  	[spmem:s20] =	stream.linear.scatter [tilespmem:s28], [sflag:$0x3], $0x1400, $0x38;
	[tilespmem:$0x1FC00] =	vst v63  }
0x50: {  	_ =	swait.ge [sflag:s29], $0x1400  }
0x51: {  	[sflag:s29] =	ssyncset.done $0x0  }
0x52: {  	[sflag:s29] =	ssyncadd.s32 $0xFFFFEC00  }
0x53: {  	[spmem:s21] =	stream.linear.scatter [tilespmem:s28], [sflag:$0x3], $0x1400, $0x38;
	[tilespmem:$0x1FC00] =	vst v63  }
0x54: {  	_ =	swait.ge [sflag:s29], $0x1400  }
0x55: {  	[sflag:s29] =	ssyncset.done $0x0  }
0x56: {  	[sflag:s29] =	ssyncadd.s32 $0xFFFFEC00  }
0x57: {  	[spmem:s22] =	stream.linear.scatter [tilespmem:s28], [sflag:$0x3], $0x1400, $0x38;
	[tilespmem:$0x1FC00] =	vst v63  }
0x58: {  	_ =	swait.ge [sflag:s29], $0x1400  }
0x59: {  	[sflag:s29] =	ssyncset.done $0x0  }
0x5a: {  	[sflag:s29] =	ssyncadd.s32 $0xFFFFEC00  }
0x5b: {  	[spmem:s23] =	stream.linear.scatter [tilespmem:s28], [sflag:$0x3], $0x1400, $0x38;
	[tilespmem:$0x1FC00] =	vst v63  }
0x5c: {  	_ =	swait.ge [sflag:s29], $0x1400  }
0x5d: {  	[sflag:s29] =	ssyncset.done $0x0  }
0x5e: {  	[sflag:s29] =	ssyncadd.s32 $0xFFFFEC00  }
0x5f: {  	[spmem:s24] =	stream.linear.scatter [tilespmem:s28], [sflag:$0x3], $0x1400, $0x38;
	[tilespmem:$0x1FC00] =	vst v63  }
0x60: {  	_ =	swait.ge [sflag:s29], $0x1400  }
0x61: {  	[sflag:s29] =	ssyncset.done $0x0  }
0x62: {  	[sflag:s29] =	ssyncadd.s32 $0xFFFFEC00  }
0x63: {  	[spmem:s26] =	stream.linear.scatter [tilespmem:s28], [sflag:$0x3], $0x1400, $0x38;
	[tilespmem:$0x1FC00] =	vst v63  }
0x64: {  	_ =	swait.ge [sflag:s29], $0x1400  }
0x65: {  	[sflag:s29] =	ssyncset.done $0x0  }
0x66: {  	[sflag:s29] =	ssyncadd.s32 $0xFFFFEC00  }
0x67: {  	s15 =	simm.s32 $0x0;
	[bflag:$0x0] =	sbarrier.arrive $0xFFFF  }
0x68: {  	[tilespmem:s15], [sflag:$0x3] =	stream.linear.gather [hbm4b:s5+s15], $0x1400, $0x38;
	[tilespmem:$0x1FC00] =	vst v63  }
0x69: {  	_ =	swait.ge [sflag:s29], $0x1400  }
0x6a: {  	[sflag:s29] =	ssyncset.done $0x0  }
0x6b: {  	[sflag:s29] =	ssyncadd.s32 $0xFFFFEC00  }
0x6c: {  	[tilespmem:s30], [sflag:$0x3] =	stream.linear.gather [hbm4b:s6+s15], $0x1400, $0x38;
	[tilespmem:$0x1FC00] =	vst v63  }
0x6d: {  	_ =	swait.ge [sflag:s29], $0x1400  }
0x6e: {  	[sflag:s29] =	ssyncset.done $0x0  }
0x6f: {  	[sflag:s29] =	ssyncadd.s32 $0xFFFFEC00  }
0x70: {  	[tilespmem:s2], [sflag:$0x1] =	stream.indirect.gather [hbm4b:s1+s31], $0x80, s15, s31, $0xb8;
	[tilespmem:$0x1FC00] =	vst v63  }
0x71: {  	_ = 	snop  }
0x72: {  	[tilespmem:s0], [sflag:$0x2] =	stream.indirect.gather [hbm4b:s1+s31], $0x80, s31, s31, $0xb8;
	[tilespmem:$0x1FC00] =	vst v63  }
0x73: {  	_ =	swait.ge [sflag:s4], $0x4000  }
0x74: {  	[sflag:s4] =	ssyncset.done $0x0  }
0x75: {  	s16 =	simm.s32 $0x1400;
	[sflag:s4] =	ssyncadd.s32 $0xFFFFC000  }
0x76: {  	[spmem:s3] =	stream.indirect.scatter.add.f32 [tilespmem:s2], [sflag:$0x3], $0x80, s16, s31, $0xb8;
	[tilespmem:$0x1FC00] =	vst v63  }
0x77: {  	_ =	swait.ge [sflag:s29], $0x4000  }
0x78: {  	[sflag:s29] =	ssyncset.done $0x0  }
0x79: {  	s18 =	simm.s32 $0x100;
	[sflag:s29] =	ssyncadd.s32 $0xFFFFC000  }
0x7a: {  	[tilespmem:s2], [sflag:$0x1] =	stream.indirect.gather [hbm4b:s1+s31], $0x80, s18, s31, $0xb8;
	[tilespmem:$0x1FC00] =	vst v63  }
0x7b: {  	_ =	swait.ge [sflag:s10], $0x4000  }
0x7c: {  	[sflag:s10] =	ssyncset.done $0x0  }
0x7d: {  	s19 =	simm.s32 $0x1480;
	[sflag:s10] =	ssyncadd.s32 $0xFFFFC000  }
0x7e: {  	[spmem:s3] =	stream.indirect.scatter.add.f32 [tilespmem:s0], [sflag:$0x3], $0x80, s19, s31, $0xb8;
	[tilespmem:$0x1FC00] =	vst v63  }
0x7f: {  	_ =	swait.ge [sflag:s29], $0x4000  }
0x80: {  	[sflag:s29] =	ssyncset.done $0x0  }
0x81: {  	s11 =	simm.s32 $0x180;
	s15 =	simm.s32 $0x400;
	[sflag:s29] =	ssyncadd.s32 $0xFFFFC000  }
.LBB2_4:
0x82: {  	[tilespmem:s0], [sflag:$0x2] =	stream.indirect.gather [hbm4b:s1+s31], $0x80, s11, s31, $0xb8;
	[tilespmem:$0x1FC00] =	vst v63  }
0x83: {  	s11 =	smov.u32 s15  }
0x84: {  	p0 =	sne.s32 s15, $0x4800;
	s15 =	sadd.s32 $0x400, s15;
	_ =	swait.ge [sflag:s4], $0x4000  }
0x85: {  	s11 =	sshra.s32 s11, $0x2;
	[sflag:s4] =	ssyncset.done $0x0  }
0x86: {  	s16 =	sadd.s32 $0x1400, s11;
	[sflag:s4] =	ssyncadd.s32 $0xFFFFC000  }
0x87: {  	[spmem:s3] =	stream.indirect.scatter.add.f32 [tilespmem:s2], [sflag:$0x3], $0x80, s16, s31, $0xb8;
	[tilespmem:$0x1FC00] =	vst v63  }
0x88: {  	_ =	swait.ge [sflag:s29], $0x4000  }
0x89: {  	[sflag:s29] =	ssyncset.done $0x0  }
0x8a: {  	s16 =	sadd.s32 $0x100, s11;
	[sflag:s29] =	ssyncadd.s32 $0xFFFFC000  }
0x8b: {  	[tilespmem:s2], [sflag:$0x1] =	stream.indirect.gather [hbm4b:s1+s31], $0x80, s16, s31, $0xb8;
	[tilespmem:$0x1FC00] =	vst v63  }
0x8c: {  	_ =	swait.ge [sflag:s10], $0x4000  }
0x8d: {  	[sflag:s10] =	ssyncset.done $0x0  }
.Ltmp1:
0x8e: {  	s16 =	sadd.s32 $0x1480, s11;
	[sflag:s10] =	ssyncadd.s32 $0xFFFFC000;
	(pc) =	sbr.rel @p0 .LBB2_4-.Ltmp1, $4  }
0x8f: {  	[spmem:s3] =	stream.indirect.scatter.add.f32 [tilespmem:s0], [sflag:$0x3], $0x80, s16, s31, $0xb8;
	[tilespmem:$0x1FC00] =	vst v63  }
0x90: {  	_ =	swait.ge [sflag:s29], $0x4000  }
0x91: {  	[sflag:s29] =	ssyncset.done $0x0  }
0x92: {  	s11 =	sadd.s32 $0x180, s11;
	[sflag:s29] =	ssyncadd.s32 $0xFFFFC000  }
0x93: {  	[tilespmem:s0], [sflag:$0x2] =	stream.indirect.gather [hbm4b:s1+s31], $0x80, s11, s31, $0xb8;
	[tilespmem:$0x1FC00] =	vst v63  }
0x94: {  	_ =	swait.ge [sflag:s4], $0x4000  }
0x95: {  	[sflag:s4] =	ssyncset.done $0x0  }
0x96: {  	[sflag:s4] =	ssyncadd.s32 $0xFFFFC000  }
0x97: {  	[spmem:s3] =	stream.indirect.scatter.add.f32 [tilespmem:s2], [sflag:$0x3], $0x80, s12, s31, $0xb8;
	[tilespmem:$0x1FC00] =	vst v63  }
0x98: {  	_ =	swait.ge [sflag:s29], $0x4000  }
0x99: {  	[sflag:s29] =	ssyncset.done $0x0  }
0x9a: {  	[sflag:s29] =	ssyncadd.s32 $0xFFFFC000  }
0x9b: {  	_ =	swait.ge [sflag:s10], $0x4000  }
0x9c: {  	[sflag:s10] =	ssyncset.done $0x0  }
0x9d: {  	[sflag:s10] =	ssyncadd.s32 $0xFFFFC000  }
0x9e: {  	[spmem:s3] =	stream.indirect.scatter.add.f32 [tilespmem:s0], [sflag:$0x3], $0x80, s13, s31, $0xb8;
	[tilespmem:$0x1FC00] =	vst v63  }
0x9f: {  	_ =	swait.ge [sflag:s29], $0x4000  }
0xa0: {  	[sflag:s29] =	ssyncset.done $0x0  }
0xa1: {  	s15 =	simm.s32 $0x0;
	[sflag:s29] =	ssyncadd.s32 $0xFFFFC000  }
0xa2: {  	[tilespmem:s15], [sflag:$0x3] =	stream.linear.gather [hbm4b:s7+s15], $0x1400, $0x38;
	[tilespmem:$0x1FC00] =	vst v63  }
0xa3: {  	_ =	swait.ge [sflag:s29], $0x1400  }
0xa4: {  	[sflag:s29] =	ssyncset.done $0x0  }
0xa5: {  	[sflag:s29] =	ssyncadd.s32 $0xFFFFEC00  }
0xa6: {  	[tilespmem:s30], [sflag:$0x3] =	stream.linear.gather [hbm4b:s8+s15], $0x1400, $0x38;
	[tilespmem:$0x1FC00] =	vst v63  }
0xa7: {  	_ =	swait.ge [sflag:s29], $0x1400  }
0xa8: {  	[sflag:s29] =	ssyncset.done $0x0  }
0xa9: {  	[sflag:s29] =	ssyncadd.s32 $0xFFFFEC00  }
0xaa: {  	[tilespmem:s2], [sflag:$0x1] =	stream.indirect.gather [hbm4b:s1+s31], $0x80, s15, s31, $0xb8;
	[tilespmem:$0x1FC00] =	vst v63  }
0xab: {  	_ = 	snop  }
0xac: {  	[tilespmem:s0], [sflag:$0x2] =	stream.indirect.gather [hbm4b:s1+s31], $0x80, s31, s31, $0xb8;
	[tilespmem:$0x1FC00] =	vst v63  }
0xad: {  	_ =	swait.ge [sflag:s4], $0x4000  }
0xae: {  	[sflag:s4] =	ssyncset.done $0x0  }
0xaf: {  	s16 =	simm.s32 $0x1400;
	[sflag:s4] =	ssyncadd.s32 $0xFFFFC000  }
0xb0: {  	[spmem:s3] =	stream.indirect.scatter.add.f32 [tilespmem:s2], [sflag:$0x3], $0x80, s16, s31, $0xb8;
	[tilespmem:$0x1FC00] =	vst v63  }
0xb1: {  	_ =	swait.ge [sflag:s29], $0x4000  }
0xb2: {  	[sflag:s29] =	ssyncset.done $0x0  }
0xb3: {  	s18 =	simm.s32 $0x100;
	[sflag:s29] =	ssyncadd.s32 $0xFFFFC000  }
0xb4: {  	[tilespmem:s2], [sflag:$0x1] =	stream.indirect.gather [hbm4b:s1+s31], $0x80, s18, s31, $0xb8;
	[tilespmem:$0x1FC00] =	vst v63  }
0xb5: {  	_ =	swait.ge [sflag:s10], $0x4000  }
0xb6: {  	[sflag:s10] =	ssyncset.done $0x0  }
0xb7: {  	s19 =	simm.s32 $0x1480;
	[sflag:s10] =	ssyncadd.s32 $0xFFFFC000  }
0xb8: {  	[spmem:s3] =	stream.indirect.scatter.add.f32 [tilespmem:s0], [sflag:$0x3], $0x80, s19, s31, $0xb8;
	[tilespmem:$0x1FC00] =	vst v63  }
0xb9: {  	_ =	swait.ge [sflag:s29], $0x4000  }
0xba: {  	[sflag:s29] =	ssyncset.done $0x0  }
0xbb: {  	s11 =	simm.s32 $0x180;
	s15 =	simm.s32 $0x400;
	[sflag:s29] =	ssyncadd.s32 $0xFFFFC000  }
.LBB2_6:
0xbc: {  	[tilespmem:s0], [sflag:$0x2] =	stream.indirect.gather [hbm4b:s1+s31], $0x80, s11, s31, $0xb8;
	[tilespmem:$0x1FC00] =	vst v63  }
0xbd: {  	s11 =	smov.u32 s15  }
0xbe: {  	p0 =	sne.s32 s15, $0x4800;
	s15 =	sadd.s32 $0x400, s15;
	_ =	swait.ge [sflag:s4], $0x4000  }
0xbf: {  	s11 =	sshra.s32 s11, $0x2;
	[sflag:s4] =	ssyncset.done $0x0  }
0xc0: {  	s16 =	sadd.s32 $0x1400, s11;
	[sflag:s4] =	ssyncadd.s32 $0xFFFFC000  }
0xc1: {  	[spmem:s3] =	stream.indirect.scatter.add.f32 [tilespmem:s2], [sflag:$0x3], $0x80, s16, s31, $0xb8;
	[tilespmem:$0x1FC00] =	vst v63  }
0xc2: {  	_ =	swait.ge [sflag:s29], $0x4000  }
0xc3: {  	[sflag:s29] =	ssyncset.done $0x0  }
0xc4: {  	s16 =	sadd.s32 $0x100, s11;
	[sflag:s29] =	ssyncadd.s32 $0xFFFFC000  }
0xc5: {  	[tilespmem:s2], [sflag:$0x1] =	stream.indirect.gather [hbm4b:s1+s31], $0x80, s16, s31, $0xb8;
	[tilespmem:$0x1FC00] =	vst v63  }
0xc6: {  	_ =	swait.ge [sflag:s10], $0x4000  }
0xc7: {  	[sflag:s10] =	ssyncset.done $0x0  }
.Ltmp2:
0xc8: {  	s16 =	sadd.s32 $0x1480, s11;
	[sflag:s10] =	ssyncadd.s32 $0xFFFFC000;
	(pc) =	sbr.rel @p0 .LBB2_6-.Ltmp2, $4  }
0xc9: {  	[spmem:s3] =	stream.indirect.scatter.add.f32 [tilespmem:s0], [sflag:$0x3], $0x80, s16, s31, $0xb8;
	[tilespmem:$0x1FC00] =	vst v63  }
0xca: {  	_ =	swait.ge [sflag:s29], $0x4000  }
0xcb: {  	[sflag:s29] =	ssyncset.done $0x0  }
0xcc: {  	s11 =	sadd.s32 $0x180, s11;
	[sflag:s29] =	ssyncadd.s32 $0xFFFFC000  }
0xcd: {  	[tilespmem:s0], [sflag:$0x2] =	stream.indirect.gather [hbm4b:s1+s31], $0x80, s11, s31, $0xb8;
	[tilespmem:$0x1FC00] =	vst v63  }
0xce: {  	_ =	swait.ge [sflag:s4], $0x4000  }
0xcf: {  	[sflag:s4] =	ssyncset.done $0x0  }
0xd0: {  	[sflag:s4] =	ssyncadd.s32 $0xFFFFC000  }
0xd1: {  	[spmem:s3] =	stream.indirect.scatter.add.f32 [tilespmem:s2], [sflag:$0x3], $0x80, s12, s31, $0xb8;
	[tilespmem:$0x1FC00] =	vst v63  }
0xd2: {  	_ =	swait.ge [sflag:s29], $0x4000  }
0xd3: {  	[sflag:s29] =	ssyncset.done $0x0  }
0xd4: {  	[sflag:s29] =	ssyncadd.s32 $0xFFFFC000  }
0xd5: {  	_ =	swait.ge [sflag:s10], $0x4000  }
0xd6: {  	[sflag:s10] =	ssyncset.done $0x0  }
0xd7: {  	[sflag:s10] =	ssyncadd.s32 $0xFFFFC000  }
0xd8: {  	[spmem:s3] =	stream.indirect.scatter.add.f32 [tilespmem:s0], [sflag:$0x3], $0x80, s13, s31, $0xb8;
	[tilespmem:$0x1FC00] =	vst v63  }
0xd9: {  	_ =	swait.ge [sflag:s29], $0x4000  }
0xda: {  	s18 =	stileid.u32;
	[sflag:s29] =	ssyncset.done $0x0  }
0xdb: {  	s16 =	sadd.s32 $0x0, s25;
	s11 =	sshll.u32 s18, $0x6;
	[sflag:s29] =	ssyncadd.s32 $0xFFFFC000  }
0xdc: {  	s19 =	sshrl.u32 s9, $0x3;
	s15 =	sor.u32 $0x1C03, s11;
	[bflag:$0x0] =	sbarrier.arrive $0xFFFF  }
0xdd: {  	[hbm:s16], [sflag:s15] =	dma.local [spmem:s19], $0x280  }
0xde: {  	s11 =	smov.u32 s17;
	s16 =	simm.s32 $0x280;
	_ =	swait.ge [sflag:s29], $0x280  }
.LBB2_8:
0xdf: {  	s18 =	sadd.s32 s16, s25;
	[sflag:s29] =	ssyncset.done $0x0;
	p0 =	sne.s32 s16, $0x2580  }
.Ltmp3:
0xe0: {  	s19 =	sshrl.u32 s11, $0x3;
	[sflag:s29] =	ssyncadd.s32 $0xFFFFFD80;
	(pc) =	sbr.rel @p0 .LBB2_8-.Ltmp3, $3  }
0xe1: {  	[hbm:s18], [sflag:s15] =	dma.local [spmem:s19], $0x280  }
0xe2: {  	s16 =	sadd.s32 $0x280, s16;
	_ =	sdelay $0x1  }
0xe3: {  	s11 =	sadd.s32 $0x1400, s11;
	_ =	swait.ge [sflag:s29], $0x280  }
0xe4: {  	s14 =	sadd.s32 $0x1, s14;
	s11 =	rddreg [dreg:$0x4]  }
0xe5: {  	p0 =	sne.s32 s14, s11  }
.Ltmp4:
0xe6: {  	_ = 	snop;
	(pc) =	sbr.rel @p0 .LBB2_1-.Ltmp4, $3  }
0xe7: {  	_ =	sdelay $0x1  }
0xe8: {  	[sflag:s29] =	ssyncset.done $0x0  }
0xe9: {  	[sflag:s29] =	ssyncadd.s32 $0xFFFFFD80  }
0xea: {  	_ =	sfence.sel $0x180000  }
0xeb: {  	[bflag:$0x0] =	sbarrier.arrive $0xFFFF  }
0xec: {  	_ =	strace $0x9000004A  }
0xed: {  	s0 =	stileid.u32;
	[bflag:$0x2] =	sbarrier.arrive $0xFFFF  }
0xee: {  	p0 =	sne.s32 s0, $0x0;
	s0 =	rddreg [dreg:$0x3]  }
0xef: {  	s0 =	sadd.s32 @!p0 $0x100000, s0  }
0xf0: {  	[sflag:s0] =	ssyncadd.tile.s32 @!p0 $0x1;
	_ =	shalt  }
.Lfunc_end2:
_tile_overlayer_lowered:
.L_overlay_start_2:
0xf1: {  	(tag) =	ssettag $0x2  }
0xf2: {  	s0 =	rddreg [dreg:$0x0];
	s2 =	stileid.u32  }
0xf3: {  	s1 =	rddreg [dreg:$0x1];
	p0 =	sne.s32 s2, $0x0  }
0xf4: {  	s3 =	rddreg [dreg:$0x2];
	[bflag:$0x3] =	sbarrier.arrive $0xFFFF;
	s2 =	simm.s32 @!p0 $0x1C03  }
0xf5: {  	[timem:s3], [sflag:s2] =	dma.local @!p0 [hbm:s0], s1  }
0xf6: {  	s0 =	simm.s32 @!p0 $0x3  }
0xf7: {  	_ =	swait.ge @!p0 [sflag:s0], s1  }
0xf8: {  	s1 =	ssub.s32 @!p0 $0x0, s1;
	[sflag:s0] =	ssyncset.done @!p0 $0x0  }
0xf9: {  	[sflag:s0] =	ssyncadd.s32 @!p0 s1  }
0xfa: {  	[bflag:$0x3] =	sbarrier.arrive $0xFFFF  }
0xfb: {  	_ =	shalt  }

// kernel: kernel.14.cloned.1.call-start
scs
__scs_entry_jumppad:
0x0: {  	(pc) =	sbr.rel $0x88, $3  }
0x1: {  	(tag) =	ssettag $0x0;
	lr =	simm.s32 $0x1  }
0x2: {  	[smem:$0x3F9E] =	sst lr;
	_ =	strace $0xD0000000  }
0x3: {  	_ = 	snop  }
0x4: {  	_ = 	snop  }
0x5: {  	_ = 	snop  }
0x6: {  	_ = 	snop  }
0x7: {  	_ = 	snop  }
__scs_overlays_trampoline_lowered:
0x8: {  	[smem:$0x3FAD] =	sst s0  }
0x9: {  	[smem:$0x3FAE] =	sst s1  }
0xa: {  	[smem:$0x3FAF] =	sst s2  }
0xb: {  	[smem:$0x3FB0] =	sst s3  }
0xc: {  	[smem:$0x3FB1] =	sst s4  }
0xd: {  	[smem:$0x3FB2] =	sst s5  }
0xe: {  	[smem:$0x3FB3] =	sst s6  }
0xf: {  	[smem:$0x3FB4] =	sst s7  }
0x10: {  	[smem:$0x3FB5] =	sst s8  }
0x11: {  	[smem:$0x3FB6] =	sst s9;
	s0 =	simm.s32 @!p0 $0x0  }
0x12: {  	s1 =	sld [smem:$0x3F9C];
	s0 =	simm.s32 @p0 $0x1  }
0x13: {  	[smem:$0x3FB7] =	sst s0;
	s0 =	simm.s32 @!p1 $0x0  }
0x14: {  	s2 =	sld [smem:$0x3F9B];
	s0 =	simm.s32 @p1 $0x1  }
0x15: {  	[smem:$0x3FB8] =	sst s0;
	s0 =	simm.s32 @!p2 $0x0  }
0x16: {  	s3 =	sld [smem:$0x3FDB];
	s0 =	simm.s32 @p2 $0x1  }
0x17: {  	s4 =	simm.s32 $0x1BF5;
	[smem:$0x3FBA] =	sst s0  }
0x18: {  	s0 =	sld [smem:$0x3F9D];
	_ =	swait.ge [sflag:s4], $0x0  }
0x19: {  	s7 =	sld [smem:$0x3F9E]  }
0x1a: {  	s8 =	sadd.s32 $0xFFFFE003, lr  }
0x1b: {  	s9 =	sadd.s32 $0xFFFFFEF7, lr;
	s5 =	simm.s32 $0xFFFFFFFF;
	p2 =	slt.u32 s8, $0xFFFFF086  }
0x1c: {  	p1 =	slt.u32 s9, $0xF7A;
	s5 =	simm.s32 @!p2 $0x0  }
0x1d: {  	s5 =	simm.s32 @p1 $0x1;
	p0 =	seq.s32 s7, s2  }
0x1e: {  	s7 =	smul.u32 @!p0 $0xF7A, s2;
	p2 =	seq.s32 @!p0 s5, $0x0  }
0x1f: {  	s9 =	smul.u32 $0xF7A, s1;
	s8 =	simm.s32 @!p0 $0x1BF5;
	p2 =	por !p2, p0  }
0x20: {  	[sflag:s8] =	ssyncset.s32 @!p0 $0xFFFFF086;
	s6 =	sadd.s32 @!p0 s3, s7;
	s7 =	simm.s32 @!p0 $0x108  }
0x21: {  	s3 =	sadd.s32 s3, s9;
	s6 =	sadd.s32 @!p0 $0x88, s6;
	s7 =	simm.s32 @p2 $0x1082  }
0x22: {  	[simem:s7], [sflag:s8] =	dma.local @!p0 [hbm:s6], $0xF7A  }
0x23: {  	s9 =	sor.u32 $0xD0000000, s2;
	s6 =	simm.s32 $0x108;
	_ =	swait.ge @!p0 [sflag:s8], $0x0  }
0x24: {  	s3 =	sadd.s32 $0x88, s3;
	s6 =	simm.s32 @!p1 $0x1082;
	[sflag:s4] =	ssyncset.s32 $0xFFFFF086  }
0x25: {  	[simem:s6], [sflag:s4] =	dma.local [hbm:s3], $0xF7A  }
0x26: {  	[smem:$0x3F9E] =	sst s1;
	(tag) =	ssettag s2;
	_ =	strace s9  }
0x27: {  	s1 =	sld [smem:$0x3FAE]  }
0x28: {  	s2 =	sld [smem:$0x3FAF]  }
0x29: {  	s4 =	sld [smem:$0x3FB1]  }
0x2a: {  	p0 =	seq.s32 s5, $0x0;
	s5 =	sld [smem:$0x3FB2]  }
0x2b: {  	s6 =	sld [smem:$0x3FB3]  }
0x2c: {  	s7 =	sld [smem:$0x3FB4]  }
0x2d: {  	s3 =	simm.s32 $0x108;
	s8 =	sld [smem:$0x3FB5]  }
0x2e: {  	s3 =	simm.s32 @!p0 $0x1082;
	s9 =	sld [smem:$0x3FB6]  }
0x2f: {  	lr =	sadd.s32 s0, s3;
	s0 =	sld [smem:$0x3FAD]  }
0x30: {  	s3 =	sld [smem:$0x3FB0]  }
0x31: {  	[smem:$0x3FB9] =	sst s10  }
0x32: {  	s10 =	sld [smem:$0x3FB7];
	_ =	sdelay $0x3  }
0x33: {  	p0 =	seq.s32 s10, $0x1;
	s10 =	sld [smem:$0x3FB9];
	_ =	sdelay $0x3  }
0x34: {  	[smem:$0x3FB9] =	sst s10  }
0x35: {  	s10 =	sld [smem:$0x3FB8];
	_ =	sdelay $0x3  }
0x36: {  	p1 =	seq.s32 s10, $0x1;
	s10 =	sld [smem:$0x3FB9];
	_ =	sdelay $0x3  }
0x37: {  	[smem:$0x3FB9] =	sst s10  }
0x38: {  	s10 =	sld [smem:$0x3FBA]  }
0x39: {  	_ = 	snop;
	(pc) =	sbr.ind lr, $3  }
0x3a: {  	_ = 	snop  }
0x3b: {  	_ = 	snop  }
0x3c: {  	p2 =	seq.s32 s10, $0x1;
	s10 =	sld [smem:$0x3FB9]  }
0x3d: {  	_ =	shalt  }
0x3e: {  	_ =	shalt  }
0x3f: {  	_ =	shalt  }
0x40: {  	_ =	shalt  }
0x41: {  	_ =	shalt  }
0x42: {  	_ =	shalt  }
0x43: {  	_ =	shalt  }
0x44: {  	_ =	shalt  }
0x45: {  	_ =	shalt  }
0x46: {  	_ =	shalt  }
0x47: {  	_ =	shalt  }
0x48: {  	_ =	shalt  }
0x49: {  	_ =	shalt  }
0x4a: {  	_ =	shalt  }
0x4b: {  	_ =	shalt  }
0x4c: {  	_ =	shalt  }
0x4d: {  	_ =	shalt  }
0x4e: {  	_ =	shalt  }
0x4f: {  	_ =	shalt  }
0x50: {  	_ =	shalt  }
0x51: {  	_ =	shalt  }
0x52: {  	_ =	shalt  }
0x53: {  	_ =	shalt  }
0x54: {  	_ =	shalt  }
0x55: {  	_ =	shalt  }
0x56: {  	_ =	shalt  }
0x57: {  	_ =	shalt  }
0x58: {  	_ =	shalt  }
0x59: {  	_ =	shalt  }
0x5a: {  	_ =	shalt  }
0x5b: {  	_ =	shalt  }
0x5c: {  	_ =	shalt  }
0x5d: {  	_ =	shalt  }
0x5e: {  	_ =	shalt  }
0x5f: {  	_ =	shalt  }
0x60: {  	_ =	shalt  }
0x61: {  	_ =	shalt  }
0x62: {  	_ =	shalt  }
0x63: {  	_ =	shalt  }
0x64: {  	_ =	shalt  }
0x65: {  	_ =	shalt  }
0x66: {  	_ =	shalt  }
0x67: {  	_ =	shalt  }
0x68: {  	_ =	shalt  }
0x69: {  	_ =	shalt  }
0x6a: {  	_ =	shalt  }
0x6b: {  	_ =	shalt  }
0x6c: {  	_ =	shalt  }
0x6d: {  	_ =	shalt  }
0x6e: {  	_ =	shalt  }
0x6f: {  	_ =	shalt  }
0x70: {  	_ =	shalt  }
0x71: {  	_ =	shalt  }
0x72: {  	_ =	shalt  }
0x73: {  	_ =	shalt  }
0x74: {  	_ =	shalt  }
0x75: {  	_ =	shalt  }
0x76: {  	_ =	shalt  }
0x77: {  	_ =	shalt  }
0x78: {  	_ =	shalt  }
0x79: {  	_ =	shalt  }
0x7a: {  	_ =	shalt  }
0x7b: {  	_ =	shalt  }
0x7c: {  	_ =	shalt  }
0x7d: {  	_ =	shalt  }
0x7e: {  	_ =	shalt  }
0x7f: {  	_ =	shalt  }
0x80: {  	_ =	shalt  }
0x81: {  	_ =	shalt  }
0x82: {  	_ =	shalt  }
0x83: {  	_ =	shalt  }
0x84: {  	_ =	shalt  }
0x85: {  	_ =	shalt  }
0x86: {  	_ =	shalt  }
0x87: {  	_ =	shalt  }
.Lfunc_end0:
.L_simem_size_0:
called_computation.2_lowered:
.L_overlay_start_0:
0x88: {  	s2 =	sld [smem:$0x3FD9]  }
0x89: {  	s3 =	sld [smem:$0x3FFE];
	_ =	sdelay $0x1  }
0x8a: {  	s1 =	srdreg.scid  }
0x8b: {  	s0 =	sand.u32 $0x1, s1  }
0x8c: {  	s17 =	sshll.u32 s0, $0xA;
	s2 =	sadd.s32 s3, s2  }
0x8d: {  	s2 =	sadd.s32 s2, s17  }
0x8e: {  	[smem:$0x3FC5] =	sst s2  }
0x8f: {  	_ = 	snop  }
0x90: {  	s2 =	sld [smem:$0x3FD0];
	(tm) =	ssettm $0x1  }
0x91: {  	s18 =	sld [smem:$0x3FFB];
	_ =	sdelay $0x3  }
0x92: {  	_ =	strace s18  }
0x93: {  	s3 =	sld [smem:$0x3FFC];
	_ =	sdelay $0x3  }
0x94: {  	_ =	strace s3  }
0x95: {  	s3 =	sld [smem:$0x3FFD];
	_ =	sdelay $0x3  }
0x96: {  	_ =	strace s3  }
0x97: {  	_ =	strace $0x8FFFFFFF  }
0x98: {  	s19 =	sld [smem:$0x3FDB];
	_ =	sdelay $0x1  }
0x99: {  	s4 =	simm.s32 $_scs_section_size  }
0x9a: {  	s5 =	simm.s32 $_size__tile_overlayer_lowered;
	s6 =	simm.s32 $_tile_overlayer_lowered  }
0x9b: {  	s22 =	simm.s32 $0x1BFF;
	s21 =	sshll.u32 s6, $0x1;
	s3 =	sadd.s32 s4, s19  }
0x9c: {  	s7 =	simm.s32 $0x0;
	s20 =	sshll.u32 s5, $0x1;
	s5 =	sadd.s32 s21, s3  }
0x9d: {  	[timem:s7], [sflag:s22] =	dma.local [hbm:s5], s20  }
0x9e: {  	_ =	swait.ge [sflag:s22], s20  }
0x9f: {  	s4 =	ssub.s32 $0x0, s20;
	[sflag:s22] =	ssyncset.done $0x0  }
0xa0: {  	[sflag:s22] =	ssyncadd.s32 s4;
	_ =	sdelay $0x1  }
0xa1: {  	s23 =	simm.s32 $0x1B8B  }
0xa2: {  	_ =	swait.ge [sflag:s23], $0x1  }
0xa3: {  	[sflag:s23] =	ssyncset.done $0x0  }
0xa4: {  	s25 =	simm.s32 $0x1B8E;
	s24 =	sld [smem:$0x3FFE];
	[sflag:s23] =	ssyncadd.s32 $0xFFFFFFFF  }
0xa5: {  	s26 =	simm.s32 $execute0_lowered;
	[smem:$0x3FD2] =	sst s25  }
0xa6: {  	s5 =	sshll.u32 s26, $0x1;
	_ =	strace $0x8000004C;
	[dreg:$0x1] =	wrdreg $0xFFFFFFFF  }
0xa7: {  	s28 =	simm.s32 $_size_execute0_lowered;
	s3 =	sadd.s32 s3, s5;
	[dreg:$0x0] =	wrdreg $0x0  }
0xa8: {  	s5 =	sshll.u32 s28, $0x1;
	[dreg:$0x2] =	wrdreg s3  }
0xa9: {  	[dreg:$0x3] =	wrdreg s5  }
0xaa: {  	[dreg:$0x4] =	wrdreg $0xC0  }
0xab: {  	_ =	task [dreg:s7], $0x5FFFF  }
0xac: {  	[dreg:$0x1] =	wrdreg $0xFFFFFFFF  }
0xad: {  	[dreg:$0x0] =	wrdreg $0x60  }
0xae: {  	[dreg:$0x2] =	wrdreg s2  }
0xaf: {  	[dreg:$0x3] =	wrdreg s24  }
0xb0: {  	[dreg:$0x4] =	wrdreg $0xBC000  }
0xb1: {  	[dreg:$0x5] =	wrdreg $0x9  }
0xb2: {  	_ =	task.clear_ibuf [dreg:s7], $0x6FFFF;
	_ =	strace $0x9000004C  }
0xb3: {  	s29 =	simm.s32 $0x9;
	_ =	strace $0x8000004E  }
0xb4: {  	_ =	swait.ge [sflag:s29], $0x1  }
0xb5: {  	[sflag:s29] =	ssyncadd.s32 $0xFFFFFFFF  }
0xb6: {  	_ =	strace $0x9000004E  }
0xb7: {  	_ =	sfence  }
0xb8: {  	s30 =	sld [smem:$0x0];
	_ =	sdelay $0x2  }
0xb9: {  	s31 =	sshll.u32 s1, $0xD;
	s1 =	sshrl.u32 s1, $0x2  }
0xba: {  	s3 =	sand.u32 $0x4000, s31;
	s1 =	sadd.s32 s1, s30  }
0xbb: {  	s0 =	sor.u32 s3, s0;
	s1 =	sshll.u32 s1, $0x11  }
0xbc: {  	s0 =	sor.u32 s1, s0  }
0xbd: {  	s0 =	sadd.s32 $0x8F2B, s0  }
0xbe: {  	[sflag:s0] =	ssyncadd.remote.s32 $0x1  }
0xbf: {  	_ =	sfence.sel $0xFFFF  }
0xc0: {  	[dreg:$0x0] =	wrdreg $0xFFFFFFFF;
	(pc) =	sbr.abs _section_cstart, $3  }
0xc1: {  	[dreg:$0x1] =	wrdreg $0xFFFFFFFF  }
0xc2: {  	_ =	task.clear_ibuf [dreg:s7], $0x2FFFF;
	_ =	strace $0x9FFFFFFF  }
0xc3: {  	(tm) =	ssettm $0x7FFFFFFF  }
tec
execute0_lowered:
.L_overlay_start_1:
0x0: {  	(tag) =	ssettag $0x1  }
0x1: {  	s1 =	rddreg [dreg:$0x0]  }
0x2: {  	s0 =	srdreg.scid;
	s4 =	rddreg [dreg:$0x1]  }
0x3: {  	s9 =	stileid.u32;
	s3 =	rddreg [dreg:$0x2];
	s7 =	simm.s32 $0x0  }
0x4: {  	s28 =	simm.s32 $0xA800;
	s29 =	simm.s32 $0x3;
	s30 =	simm.s32 $0x1400  }
0x5: {  	s31 =	simm.s32 $0x80;
	s13 =	simm.s32 $0x2780;
	s16 =	smul.u32 $0x14000, s9  }
0x6: {  	s0 =	sand.u32 $0x1, s0;
	s2 =	sshll.u32 s9, $0x1;
	s9 =	smul.u32 $0x50000, s9  }
0x7: {  	s2 =	sor.u32 s0, s2;
	s6 =	smul.u32 $0x140000, s0;
	s0 =	ssub.s32 $0x2, s0  }
0x8: {  	s14 =	simm.s32 $0x0;
	[smem:$0x7FF] =	sst s7;
	s18 =	sshrl.u32 s0, $0x1  }
0x9: {  	s10 =	sadd.s32 $0x15C00, s4;
	s9 =	sshrl.u32 s9, $0x2;
	s0 =	ssub.s32 s0, s18  }
0xa: {  	s12 =	sadd.s32 $0x15E80, s4;
	s9 =	sadd.s32 s9, s3;
	s0 =	smax.u32 s0, $0x1  }
0xb: {  	_ =	strace $0x8000004D;
	s19 =	sadd.s32 $0x2800, s9;
	[dreg:$0x4] =	wrdreg s0  }
0xc: {  	s5 =	smul.u32 $0x2800, s2;
	s20 =	sadd.s32 $0x3C00, s9;
	[dreg:$0x5] =	wrdreg s19  }
0xd: {  	p0 =	seq.s32 s2, $0x1F;
	s21 =	sadd.s32 $0x5000, s9;
	[dreg:$0x6] =	wrdreg s20  }
0xe: {  	s2 =	sadd.s32 $0x16100, s4;
	s22 =	sadd.s32 $0x6400, s9;
	[dreg:$0x7] =	wrdreg s21  }
0xf: {  	s17 =	sadd.s32 s16, s6;
	s23 =	sadd.s32 $0x7800, s9;
	[dreg:$0x8] =	wrdreg s22  }
0x10: {  	s5 =	sshrl.u32 s5, $0x3;
	s24 =	sadd.s32 $0x8C00, s9;
	[dreg:$0x9] =	wrdreg s23  }
0x11: {  	s25 =	sadd.s32 $0xA000, s9;
	s26 =	sadd.s32 $0xB400, s9;
	[dreg:$0xa] =	wrdreg s24  }
0x12: {  	s8 =	sadd.s32 s5, s4;
	s5 =	sshrl.u32 s17, $0x3;
	[dreg:$0xb] =	wrdreg s25  }
0x13: {  	s17 =	sadd.s32 $0x1400, s9;
	[dreg:$0xc] =	wrdreg s26;
	s20 =	sadd.s32 $0xC800, s9  }
0x14: {  	s21 =	sadd.s32 $0xDC00, s9;
	s22 =	sadd.s32 $0xF000, s9;
	s23 =	sadd.s32 $0x10400, s9  }
0x15: {  	s24 =	sadd.s32 $0x11800, s9;
	s26 =	sadd.s32 $0x12C00, s9;
	s0 =	simm.s32 $0x6800  }
0x16: {  	s11 =	sadd.s32 s5, s4;
	s5 =	sadd.s32 $0x2200, s8;
	s6 =	sadd.s32 $0xBE80, s8  }
0x17: {  	s7 =	sadd.s32 $0x2480, s8;
	s8 =	sadd.s32 $0xC100, s8;
	s4 =	sadd.s32 $0x16380, s4  }
0x18: {  	s7 =	smov.u32 @p0 s12;
	s8 =	smov.u32 @p0 s4;
	s5 =	smov.u32 @p0 s10  }
0x19: {  	s6 =	smov.u32 @p0 s2;
	s25 =	sadd.s32 $0x16600, s11;
	s2 =	simm.s32 $0x2800  }
0x1a: {  	v0 =	vimm.f32 $0.0e+00;
	s4 =	simm.s32 $0x1;
	s10 =	simm.s32 $0x2;
	s12 =	simm.s32 $0x2700  }
.LBB2_1:
0x1b: {  	s15 =	simm.s32 $0x0  }
0x1c: {  	s11 =	sand.u32 $0x7E00, s15  }
0x1d: {  	s16 =	sand.u32 $0x70, s15;
	s11 =	sshrl.u32 s11, $0x2  }
0x1e: {  	s15 =	simm.s32 $0x40;
	s11 =	sor.u32 s16, s11;
	s16 =	simm.s32 $0x0  }
.LBB2_2:
0x1f: {  	p0 =	sne.s32 s15, $0x4FC0  }
0x20: {  	[tilespmem:s11+$0xA800] =	vst v0;
	s16 =	sadd.s32 $0x10, s16;
	s11 =	smov.u32 s15;
	s15 =	sadd.s32 $0x40, s15  }
.Ltmp0:
0x21: {  	(pc) =	sbr.rel @p0 .LBB2_2-.Ltmp0, $4  }
0x22: {  	_ = 	snop  }
0x23: {  	s11 =	sand.u32 $0x7E00, s11  }
0x24: {  	s18 =	sand.u32 $0x70, s16;
	s11 =	sshrl.u32 s11, $0x2  }
0x25: {  	s11 =	sor.u32 s18, s11  }
0x26: {  	[tilespmem:s11+$0xA800] =	vst v0  }
0x27: {  	[spmem:s9] =	stream.linear.scatter [tilespmem:s28], [sflag:$0x3], $0x1400, $0x38;
	[tilespmem:$0x1FC00] =	vst v63  }
0x28: {  	_ =	swait.ge [sflag:s29], $0x1400  }
0x29: {  	[sflag:s29] =	ssyncset.done $0x0  }
0x2a: {  	[sflag:s29] =	ssyncadd.s32 $0xFFFFEC00  }
0x2b: {  	[spmem:s17] =	stream.linear.scatter [tilespmem:s28], [sflag:$0x3], $0x1400, $0x38;
	[tilespmem:$0x1FC00] =	vst v63  }
0x2c: {  	_ =	swait.ge [sflag:s29], $0x1400  }
0x2d: {  	[sflag:s29] =	ssyncset.done $0x0  }
0x2e: {  	s15 =	rddreg [dreg:$0x5];
	[sflag:s29] =	ssyncadd.s32 $0xFFFFEC00  }
0x2f: {  	[spmem:s15] =	stream.linear.scatter [tilespmem:s28], [sflag:$0x3], $0x1400, $0x38;
	[tilespmem:$0x1FC00] =	vst v63  }
0x30: {  	_ =	swait.ge [sflag:s29], $0x1400  }
0x31: {  	[sflag:s29] =	ssyncset.done $0x0  }
0x32: {  	s16 =	rddreg [dreg:$0x6];
	[sflag:s29] =	ssyncadd.s32 $0xFFFFEC00  }
0x33: {  	[spmem:s16] =	stream.linear.scatter [tilespmem:s28], [sflag:$0x3], $0x1400, $0x38;
	[tilespmem:$0x1FC00] =	vst v63  }
0x34: {  	_ =	swait.ge [sflag:s29], $0x1400  }
0x35: {  	[sflag:s29] =	ssyncset.done $0x0  }
0x36: {  	s18 =	rddreg [dreg:$0x7];
	[sflag:s29] =	ssyncadd.s32 $0xFFFFEC00  }
0x37: {  	[spmem:s18] =	stream.linear.scatter [tilespmem:s28], [sflag:$0x3], $0x1400, $0x38;
	[tilespmem:$0x1FC00] =	vst v63  }
0x38: {  	_ =	swait.ge [sflag:s29], $0x1400  }
0x39: {  	[sflag:s29] =	ssyncset.done $0x0  }
0x3a: {  	s19 =	rddreg [dreg:$0x8];
	[sflag:s29] =	ssyncadd.s32 $0xFFFFEC00  }
0x3b: {  	[spmem:s19] =	stream.linear.scatter [tilespmem:s28], [sflag:$0x3], $0x1400, $0x38;
	[tilespmem:$0x1FC00] =	vst v63  }
0x3c: {  	_ =	swait.ge [sflag:s29], $0x1400  }
0x3d: {  	[sflag:s29] =	ssyncset.done $0x0  }
0x3e: {  	s15 =	rddreg [dreg:$0x9];
	[sflag:s29] =	ssyncadd.s32 $0xFFFFEC00  }
0x3f: {  	[spmem:s15] =	stream.linear.scatter [tilespmem:s28], [sflag:$0x3], $0x1400, $0x38;
	[tilespmem:$0x1FC00] =	vst v63  }
0x40: {  	_ =	swait.ge [sflag:s29], $0x1400  }
0x41: {  	[sflag:s29] =	ssyncset.done $0x0  }
0x42: {  	s16 =	rddreg [dreg:$0xa];
	[sflag:s29] =	ssyncadd.s32 $0xFFFFEC00  }
0x43: {  	[spmem:s16] =	stream.linear.scatter [tilespmem:s28], [sflag:$0x3], $0x1400, $0x38;
	[tilespmem:$0x1FC00] =	vst v63  }
0x44: {  	_ =	swait.ge [sflag:s29], $0x1400  }
0x45: {  	[sflag:s29] =	ssyncset.done $0x0  }
0x46: {  	s18 =	rddreg [dreg:$0xb];
	[sflag:s29] =	ssyncadd.s32 $0xFFFFEC00  }
0x47: {  	[spmem:s18] =	stream.linear.scatter [tilespmem:s28], [sflag:$0x3], $0x1400, $0x38;
	[tilespmem:$0x1FC00] =	vst v63  }
0x48: {  	_ =	swait.ge [sflag:s29], $0x1400  }
0x49: {  	[sflag:s29] =	ssyncset.done $0x0  }
0x4a: {  	s19 =	rddreg [dreg:$0xc];
	[sflag:s29] =	ssyncadd.s32 $0xFFFFEC00  }
0x4b: {  	[spmem:s19] =	stream.linear.scatter [tilespmem:s28], [sflag:$0x3], $0x1400, $0x38;
	[tilespmem:$0x1FC00] =	vst v63  }
0x4c: {  	_ =	swait.ge [sflag:s29], $0x1400  }
0x4d: {  	[sflag:s29] =	ssyncset.done $0x0  }
0x4e: {  	[sflag:s29] =	ssyncadd.s32 $0xFFFFEC00  }
0x4f: {  	[spmem:s20] =	stream.linear.scatter [tilespmem:s28], [sflag:$0x3], $0x1400, $0x38;
	[tilespmem:$0x1FC00] =	vst v63  }
0x50: {  	_ =	swait.ge [sflag:s29], $0x1400  }
0x51: {  	[sflag:s29] =	ssyncset.done $0x0  }
0x52: {  	[sflag:s29] =	ssyncadd.s32 $0xFFFFEC00  }
0x53: {  	[spmem:s21] =	stream.linear.scatter [tilespmem:s28], [sflag:$0x3], $0x1400, $0x38;
	[tilespmem:$0x1FC00] =	vst v63  }
0x54: {  	_ =	swait.ge [sflag:s29], $0x1400  }
0x55: {  	[sflag:s29] =	ssyncset.done $0x0  }
0x56: {  	[sflag:s29] =	ssyncadd.s32 $0xFFFFEC00  }
0x57: {  	[spmem:s22] =	stream.linear.scatter [tilespmem:s28], [sflag:$0x3], $0x1400, $0x38;
	[tilespmem:$0x1FC00] =	vst v63  }
0x58: {  	_ =	swait.ge [sflag:s29], $0x1400  }
0x59: {  	[sflag:s29] =	ssyncset.done $0x0  }
0x5a: {  	[sflag:s29] =	ssyncadd.s32 $0xFFFFEC00  }
0x5b: {  	[spmem:s23] =	stream.linear.scatter [tilespmem:s28], [sflag:$0x3], $0x1400, $0x38;
	[tilespmem:$0x1FC00] =	vst v63  }
0x5c: {  	_ =	swait.ge [sflag:s29], $0x1400  }
0x5d: {  	[sflag:s29] =	ssyncset.done $0x0  }
0x5e: {  	[sflag:s29] =	ssyncadd.s32 $0xFFFFEC00  }
0x5f: {  	[spmem:s24] =	stream.linear.scatter [tilespmem:s28], [sflag:$0x3], $0x1400, $0x38;
	[tilespmem:$0x1FC00] =	vst v63  }
0x60: {  	_ =	swait.ge [sflag:s29], $0x1400  }
0x61: {  	[sflag:s29] =	ssyncset.done $0x0  }
0x62: {  	[sflag:s29] =	ssyncadd.s32 $0xFFFFEC00  }
0x63: {  	[spmem:s26] =	stream.linear.scatter [tilespmem:s28], [sflag:$0x3], $0x1400, $0x38;
	[tilespmem:$0x1FC00] =	vst v63  }
0x64: {  	_ =	swait.ge [sflag:s29], $0x1400  }
0x65: {  	[sflag:s29] =	ssyncset.done $0x0  }
0x66: {  	[sflag:s29] =	ssyncadd.s32 $0xFFFFEC00  }
0x67: {  	s15 =	simm.s32 $0x0;
	[bflag:$0x0] =	sbarrier.arrive $0xFFFF  }
0x68: {  	[tilespmem:s15], [sflag:$0x3] =	stream.linear.gather [hbm4b:s5+s15], $0x1400, $0x38;
	[tilespmem:$0x1FC00] =	vst v63  }
0x69: {  	_ =	swait.ge [sflag:s29], $0x1400  }
0x6a: {  	[sflag:s29] =	ssyncset.done $0x0  }
0x6b: {  	[sflag:s29] =	ssyncadd.s32 $0xFFFFEC00  }
0x6c: {  	[tilespmem:s30], [sflag:$0x3] =	stream.linear.gather [hbm4b:s6+s15], $0x1400, $0x38;
	[tilespmem:$0x1FC00] =	vst v63  }
0x6d: {  	_ =	swait.ge [sflag:s29], $0x1400  }
0x6e: {  	[sflag:s29] =	ssyncset.done $0x0  }
0x6f: {  	[sflag:s29] =	ssyncadd.s32 $0xFFFFEC00  }
0x70: {  	[tilespmem:s2], [sflag:$0x1] =	stream.indirect.gather [hbm4b:s1+s31], $0x80, s15, s31, $0xb8;
	[tilespmem:$0x1FC00] =	vst v63  }
0x71: {  	_ = 	snop  }
0x72: {  	[tilespmem:s0], [sflag:$0x2] =	stream.indirect.gather [hbm4b:s1+s31], $0x80, s31, s31, $0xb8;
	[tilespmem:$0x1FC00] =	vst v63  }
0x73: {  	_ =	swait.ge [sflag:s4], $0x4000  }
0x74: {  	[sflag:s4] =	ssyncset.done $0x0  }
0x75: {  	s16 =	simm.s32 $0x1400;
	[sflag:s4] =	ssyncadd.s32 $0xFFFFC000  }
0x76: {  	[spmem:s3] =	stream.indirect.scatter.add.f32 [tilespmem:s2], [sflag:$0x3], $0x80, s16, s31, $0xb8;
	[tilespmem:$0x1FC00] =	vst v63  }
0x77: {  	_ =	swait.ge [sflag:s29], $0x4000  }
0x78: {  	[sflag:s29] =	ssyncset.done $0x0  }
0x79: {  	s18 =	simm.s32 $0x100;
	[sflag:s29] =	ssyncadd.s32 $0xFFFFC000  }
0x7a: {  	[tilespmem:s2], [sflag:$0x1] =	stream.indirect.gather [hbm4b:s1+s31], $0x80, s18, s31, $0xb8;
	[tilespmem:$0x1FC00] =	vst v63  }
0x7b: {  	_ =	swait.ge [sflag:s10], $0x4000  }
0x7c: {  	[sflag:s10] =	ssyncset.done $0x0  }
0x7d: {  	s19 =	simm.s32 $0x1480;
	[sflag:s10] =	ssyncadd.s32 $0xFFFFC000  }
0x7e: {  	[spmem:s3] =	stream.indirect.scatter.add.f32 [tilespmem:s0], [sflag:$0x3], $0x80, s19, s31, $0xb8;
	[tilespmem:$0x1FC00] =	vst v63  }
0x7f: {  	_ =	swait.ge [sflag:s29], $0x4000  }
0x80: {  	[sflag:s29] =	ssyncset.done $0x0  }
0x81: {  	s11 =	simm.s32 $0x180;
	s15 =	simm.s32 $0x400;
	[sflag:s29] =	ssyncadd.s32 $0xFFFFC000  }
.LBB2_4:
0x82: {  	[tilespmem:s0], [sflag:$0x2] =	stream.indirect.gather [hbm4b:s1+s31], $0x80, s11, s31, $0xb8;
	[tilespmem:$0x1FC00] =	vst v63  }
0x83: {  	s11 =	smov.u32 s15  }
0x84: {  	p0 =	sne.s32 s15, $0x4800;
	s15 =	sadd.s32 $0x400, s15;
	_ =	swait.ge [sflag:s4], $0x4000  }
0x85: {  	s11 =	sshra.s32 s11, $0x2;
	[sflag:s4] =	ssyncset.done $0x0  }
0x86: {  	s16 =	sadd.s32 $0x1400, s11;
	[sflag:s4] =	ssyncadd.s32 $0xFFFFC000  }
0x87: {  	[spmem:s3] =	stream.indirect.scatter.add.f32 [tilespmem:s2], [sflag:$0x3], $0x80, s16, s31, $0xb8;
	[tilespmem:$0x1FC00] =	vst v63  }
0x88: {  	_ =	swait.ge [sflag:s29], $0x4000  }
0x89: {  	[sflag:s29] =	ssyncset.done $0x0  }
0x8a: {  	s16 =	sadd.s32 $0x100, s11;
	[sflag:s29] =	ssyncadd.s32 $0xFFFFC000  }
0x8b: {  	[tilespmem:s2], [sflag:$0x1] =	stream.indirect.gather [hbm4b:s1+s31], $0x80, s16, s31, $0xb8;
	[tilespmem:$0x1FC00] =	vst v63  }
0x8c: {  	_ =	swait.ge [sflag:s10], $0x4000  }
0x8d: {  	[sflag:s10] =	ssyncset.done $0x0  }
.Ltmp1:
0x8e: {  	s16 =	sadd.s32 $0x1480, s11;
	[sflag:s10] =	ssyncadd.s32 $0xFFFFC000;
	(pc) =	sbr.rel @p0 .LBB2_4-.Ltmp1, $4  }
0x8f: {  	[spmem:s3] =	stream.indirect.scatter.add.f32 [tilespmem:s0], [sflag:$0x3], $0x80, s16, s31, $0xb8;
	[tilespmem:$0x1FC00] =	vst v63  }
0x90: {  	_ =	swait.ge [sflag:s29], $0x4000  }
0x91: {  	[sflag:s29] =	ssyncset.done $0x0  }
0x92: {  	s11 =	sadd.s32 $0x180, s11;
	[sflag:s29] =	ssyncadd.s32 $0xFFFFC000  }
0x93: {  	[tilespmem:s0], [sflag:$0x2] =	stream.indirect.gather [hbm4b:s1+s31], $0x80, s11, s31, $0xb8;
	[tilespmem:$0x1FC00] =	vst v63  }
0x94: {  	_ =	swait.ge [sflag:s4], $0x4000  }
0x95: {  	[sflag:s4] =	ssyncset.done $0x0  }
0x96: {  	[sflag:s4] =	ssyncadd.s32 $0xFFFFC000  }
0x97: {  	[spmem:s3] =	stream.indirect.scatter.add.f32 [tilespmem:s2], [sflag:$0x3], $0x80, s12, s31, $0xb8;
	[tilespmem:$0x1FC00] =	vst v63  }
0x98: {  	_ =	swait.ge [sflag:s29], $0x4000  }
0x99: {  	[sflag:s29] =	ssyncset.done $0x0  }
0x9a: {  	[sflag:s29] =	ssyncadd.s32 $0xFFFFC000  }
0x9b: {  	_ =	swait.ge [sflag:s10], $0x4000  }
0x9c: {  	[sflag:s10] =	ssyncset.done $0x0  }
0x9d: {  	[sflag:s10] =	ssyncadd.s32 $0xFFFFC000  }
0x9e: {  	[spmem:s3] =	stream.indirect.scatter.add.f32 [tilespmem:s0], [sflag:$0x3], $0x80, s13, s31, $0xb8;
	[tilespmem:$0x1FC00] =	vst v63  }
0x9f: {  	_ =	swait.ge [sflag:s29], $0x4000  }
0xa0: {  	[sflag:s29] =	ssyncset.done $0x0  }
0xa1: {  	s15 =	simm.s32 $0x0;
	[sflag:s29] =	ssyncadd.s32 $0xFFFFC000  }
0xa2: {  	[tilespmem:s15], [sflag:$0x3] =	stream.linear.gather [hbm4b:s7+s15], $0x1400, $0x38;
	[tilespmem:$0x1FC00] =	vst v63  }
0xa3: {  	_ =	swait.ge [sflag:s29], $0x1400  }
0xa4: {  	[sflag:s29] =	ssyncset.done $0x0  }
0xa5: {  	[sflag:s29] =	ssyncadd.s32 $0xFFFFEC00  }
0xa6: {  	[tilespmem:s30], [sflag:$0x3] =	stream.linear.gather [hbm4b:s8+s15], $0x1400, $0x38;
	[tilespmem:$0x1FC00] =	vst v63  }
0xa7: {  	_ =	swait.ge [sflag:s29], $0x1400  }
0xa8: {  	[sflag:s29] =	ssyncset.done $0x0  }
0xa9: {  	[sflag:s29] =	ssyncadd.s32 $0xFFFFEC00  }
0xaa: {  	[tilespmem:s2], [sflag:$0x1] =	stream.indirect.gather [hbm4b:s1+s31], $0x80, s15, s31, $0xb8;
	[tilespmem:$0x1FC00] =	vst v63  }
0xab: {  	_ = 	snop  }
0xac: {  	[tilespmem:s0], [sflag:$0x2] =	stream.indirect.gather [hbm4b:s1+s31], $0x80, s31, s31, $0xb8;
	[tilespmem:$0x1FC00] =	vst v63  }
0xad: {  	_ =	swait.ge [sflag:s4], $0x4000  }
0xae: {  	[sflag:s4] =	ssyncset.done $0x0  }
0xaf: {  	s16 =	simm.s32 $0x1400;
	[sflag:s4] =	ssyncadd.s32 $0xFFFFC000  }
0xb0: {  	[spmem:s3] =	stream.indirect.scatter.add.f32 [tilespmem:s2], [sflag:$0x3], $0x80, s16, s31, $0xb8;
	[tilespmem:$0x1FC00] =	vst v63  }
0xb1: {  	_ =	swait.ge [sflag:s29], $0x4000  }
0xb2: {  	[sflag:s29] =	ssyncset.done $0x0  }
0xb3: {  	s18 =	simm.s32 $0x100;
	[sflag:s29] =	ssyncadd.s32 $0xFFFFC000  }
0xb4: {  	[tilespmem:s2], [sflag:$0x1] =	stream.indirect.gather [hbm4b:s1+s31], $0x80, s18, s31, $0xb8;
	[tilespmem:$0x1FC00] =	vst v63  }
0xb5: {  	_ =	swait.ge [sflag:s10], $0x4000  }
0xb6: {  	[sflag:s10] =	ssyncset.done $0x0  }
0xb7: {  	s19 =	simm.s32 $0x1480;
	[sflag:s10] =	ssyncadd.s32 $0xFFFFC000  }
0xb8: {  	[spmem:s3] =	stream.indirect.scatter.add.f32 [tilespmem:s0], [sflag:$0x3], $0x80, s19, s31, $0xb8;
	[tilespmem:$0x1FC00] =	vst v63  }
0xb9: {  	_ =	swait.ge [sflag:s29], $0x4000  }
0xba: {  	[sflag:s29] =	ssyncset.done $0x0  }
0xbb: {  	s11 =	simm.s32 $0x180;
	s15 =	simm.s32 $0x400;
	[sflag:s29] =	ssyncadd.s32 $0xFFFFC000  }
.LBB2_6:
0xbc: {  	[tilespmem:s0], [sflag:$0x2] =	stream.indirect.gather [hbm4b:s1+s31], $0x80, s11, s31, $0xb8;
	[tilespmem:$0x1FC00] =	vst v63  }
0xbd: {  	s11 =	smov.u32 s15  }
0xbe: {  	p0 =	sne.s32 s15, $0x4800;
	s15 =	sadd.s32 $0x400, s15;
	_ =	swait.ge [sflag:s4], $0x4000  }
0xbf: {  	s11 =	sshra.s32 s11, $0x2;
	[sflag:s4] =	ssyncset.done $0x0  }
0xc0: {  	s16 =	sadd.s32 $0x1400, s11;
	[sflag:s4] =	ssyncadd.s32 $0xFFFFC000  }
0xc1: {  	[spmem:s3] =	stream.indirect.scatter.add.f32 [tilespmem:s2], [sflag:$0x3], $0x80, s16, s31, $0xb8;
	[tilespmem:$0x1FC00] =	vst v63  }
0xc2: {  	_ =	swait.ge [sflag:s29], $0x4000  }
0xc3: {  	[sflag:s29] =	ssyncset.done $0x0  }
0xc4: {  	s16 =	sadd.s32 $0x100, s11;
	[sflag:s29] =	ssyncadd.s32 $0xFFFFC000  }
0xc5: {  	[tilespmem:s2], [sflag:$0x1] =	stream.indirect.gather [hbm4b:s1+s31], $0x80, s16, s31, $0xb8;
	[tilespmem:$0x1FC00] =	vst v63  }
0xc6: {  	_ =	swait.ge [sflag:s10], $0x4000  }
0xc7: {  	[sflag:s10] =	ssyncset.done $0x0  }
.Ltmp2:
0xc8: {  	s16 =	sadd.s32 $0x1480, s11;
	[sflag:s10] =	ssyncadd.s32 $0xFFFFC000;
	(pc) =	sbr.rel @p0 .LBB2_6-.Ltmp2, $4  }
0xc9: {  	[spmem:s3] =	stream.indirect.scatter.add.f32 [tilespmem:s0], [sflag:$0x3], $0x80, s16, s31, $0xb8;
	[tilespmem:$0x1FC00] =	vst v63  }
0xca: {  	_ =	swait.ge [sflag:s29], $0x4000  }
0xcb: {  	[sflag:s29] =	ssyncset.done $0x0  }
0xcc: {  	s11 =	sadd.s32 $0x180, s11;
	[sflag:s29] =	ssyncadd.s32 $0xFFFFC000  }
0xcd: {  	[tilespmem:s0], [sflag:$0x2] =	stream.indirect.gather [hbm4b:s1+s31], $0x80, s11, s31, $0xb8;
	[tilespmem:$0x1FC00] =	vst v63  }
0xce: {  	_ =	swait.ge [sflag:s4], $0x4000  }
0xcf: {  	[sflag:s4] =	ssyncset.done $0x0  }
0xd0: {  	[sflag:s4] =	ssyncadd.s32 $0xFFFFC000  }
0xd1: {  	[spmem:s3] =	stream.indirect.scatter.add.f32 [tilespmem:s2], [sflag:$0x3], $0x80, s12, s31, $0xb8;
	[tilespmem:$0x1FC00] =	vst v63  }
0xd2: {  	_ =	swait.ge [sflag:s29], $0x4000  }
0xd3: {  	[sflag:s29] =	ssyncset.done $0x0  }
0xd4: {  	[sflag:s29] =	ssyncadd.s32 $0xFFFFC000  }
0xd5: {  	_ =	swait.ge [sflag:s10], $0x4000  }
0xd6: {  	[sflag:s10] =	ssyncset.done $0x0  }
0xd7: {  	[sflag:s10] =	ssyncadd.s32 $0xFFFFC000  }
0xd8: {  	[spmem:s3] =	stream.indirect.scatter.add.f32 [tilespmem:s0], [sflag:$0x3], $0x80, s13, s31, $0xb8;
	[tilespmem:$0x1FC00] =	vst v63  }
0xd9: {  	_ =	swait.ge [sflag:s29], $0x4000  }
0xda: {  	s18 =	stileid.u32;
	[sflag:s29] =	ssyncset.done $0x0  }
0xdb: {  	s16 =	sadd.s32 $0x0, s25;
	s11 =	sshll.u32 s18, $0x6;
	[sflag:s29] =	ssyncadd.s32 $0xFFFFC000  }
0xdc: {  	s19 =	sshrl.u32 s9, $0x3;
	s15 =	sor.u32 $0x1C03, s11;
	[bflag:$0x0] =	sbarrier.arrive $0xFFFF  }
0xdd: {  	[hbm:s16], [sflag:s15] =	dma.local [spmem:s19], $0x280  }
0xde: {  	s11 =	smov.u32 s17;
	s16 =	simm.s32 $0x280;
	_ =	swait.ge [sflag:s29], $0x280  }
.LBB2_8:
0xdf: {  	s18 =	sadd.s32 s16, s25;
	[sflag:s29] =	ssyncset.done $0x0;
	p0 =	sne.s32 s16, $0x2580  }
.Ltmp3:
0xe0: {  	s19 =	sshrl.u32 s11, $0x3;
	[sflag:s29] =	ssyncadd.s32 $0xFFFFFD80;
	(pc) =	sbr.rel @p0 .LBB2_8-.Ltmp3, $3  }
0xe1: {  	[hbm:s18], [sflag:s15] =	dma.local [spmem:s19], $0x280  }
0xe2: {  	s16 =	sadd.s32 $0x280, s16;
	_ =	sdelay $0x1  }
0xe3: {  	s11 =	sadd.s32 $0x1400, s11;
	_ =	swait.ge [sflag:s29], $0x280  }
0xe4: {  	s14 =	sadd.s32 $0x1, s14;
	s11 =	rddreg [dreg:$0x4]  }
0xe5: {  	p0 =	sne.s32 s14, s11  }
.Ltmp4:
0xe6: {  	_ = 	snop;
	(pc) =	sbr.rel @p0 .LBB2_1-.Ltmp4, $3  }
0xe7: {  	_ =	sdelay $0x1  }
0xe8: {  	[sflag:s29] =	ssyncset.done $0x0  }
0xe9: {  	[sflag:s29] =	ssyncadd.s32 $0xFFFFFD80  }
0xea: {  	_ =	sfence.sel $0x180000  }
0xeb: {  	[bflag:$0x0] =	sbarrier.arrive $0xFFFF  }
0xec: {  	_ =	strace $0x9000004D  }
0xed: {  	s0 =	stileid.u32;
	[bflag:$0x2] =	sbarrier.arrive $0xFFFF  }
0xee: {  	p0 =	sne.s32 s0, $0x0;
	s0 =	rddreg [dreg:$0x3]  }
0xef: {  	s0 =	sadd.s32 @!p0 $0x100000, s0  }
0xf0: {  	[sflag:s0] =	ssyncadd.tile.s32 @!p0 $0x1;
	_ =	shalt  }
.Lfunc_end2:
_tile_overlayer_lowered:
.L_overlay_start_2:
0xf1: {  	(tag) =	ssettag $0x2  }
0xf2: {  	s0 =	rddreg [dreg:$0x0];
	s2 =	stileid.u32  }
0xf3: {  	s1 =	rddreg [dreg:$0x1];
	p0 =	sne.s32 s2, $0x0  }
0xf4: {  	s3 =	rddreg [dreg:$0x2];
	[bflag:$0x3] =	sbarrier.arrive $0xFFFF;
	s2 =	simm.s32 @!p0 $0x1C03  }
0xf5: {  	[timem:s3], [sflag:s2] =	dma.local @!p0 [hbm:s0], s1  }
0xf6: {  	s0 =	simm.s32 @!p0 $0x3  }
0xf7: {  	_ =	swait.ge @!p0 [sflag:s0], s1  }
0xf8: {  	s1 =	ssub.s32 @!p0 $0x0, s1;
	[sflag:s0] =	ssyncset.done @!p0 $0x0  }
0xf9: {  	[sflag:s0] =	ssyncadd.s32 @!p0 s1  }
0xfa: {  	[bflag:$0x3] =	sbarrier.arrive $0xFFFF  }
0xfb: {  	_ =	shalt  }

// kernel: kernel.8.cloned.1.call-start
scs
__scs_entry_jumppad:
0x0: {  	(pc) =	sbr.rel $0x88, $3  }
0x1: {  	(tag) =	ssettag $0x0;
	lr =	simm.s32 $0x1  }
0x2: {  	[smem:$0x3F9E] =	sst lr;
	_ =	strace $0xD0000000  }
0x3: {  	_ = 	snop  }
0x4: {  	_ = 	snop  }
0x5: {  	_ = 	snop  }
0x6: {  	_ = 	snop  }
0x7: {  	_ = 	snop  }
__scs_overlays_trampoline_lowered:
0x8: {  	[smem:$0x3FAD] =	sst s0  }
0x9: {  	[smem:$0x3FAE] =	sst s1  }
0xa: {  	[smem:$0x3FAF] =	sst s2  }
0xb: {  	[smem:$0x3FB0] =	sst s3  }
0xc: {  	[smem:$0x3FB1] =	sst s4  }
0xd: {  	[smem:$0x3FB2] =	sst s5  }
0xe: {  	[smem:$0x3FB3] =	sst s6  }
0xf: {  	[smem:$0x3FB4] =	sst s7  }
0x10: {  	[smem:$0x3FB5] =	sst s8  }
0x11: {  	[smem:$0x3FB6] =	sst s9;
	s0 =	simm.s32 @!p0 $0x0  }
0x12: {  	s1 =	sld [smem:$0x3F9C];
	s0 =	simm.s32 @p0 $0x1  }
0x13: {  	[smem:$0x3FB7] =	sst s0;
	s0 =	simm.s32 @!p1 $0x0  }
0x14: {  	s2 =	sld [smem:$0x3F9B];
	s0 =	simm.s32 @p1 $0x1  }
0x15: {  	[smem:$0x3FB8] =	sst s0;
	s0 =	simm.s32 @!p2 $0x0  }
0x16: {  	s3 =	sld [smem:$0x3FDB];
	s0 =	simm.s32 @p2 $0x1  }
0x17: {  	s4 =	simm.s32 $0x1BF5;
	[smem:$0x3FBA] =	sst s0  }
0x18: {  	s0 =	sld [smem:$0x3F9D];
	_ =	swait.ge [sflag:s4], $0x0  }
0x19: {  	s7 =	sld [smem:$0x3F9E]  }
0x1a: {  	s8 =	sadd.s32 $0xFFFFE003, lr  }
0x1b: {  	s9 =	sadd.s32 $0xFFFFFEF7, lr;
	s5 =	simm.s32 $0xFFFFFFFF;
	p2 =	slt.u32 s8, $0xFFFFF086  }
0x1c: {  	p1 =	slt.u32 s9, $0xF7A;
	s5 =	simm.s32 @!p2 $0x0  }
0x1d: {  	s5 =	simm.s32 @p1 $0x1;
	p0 =	seq.s32 s7, s2  }
0x1e: {  	s7 =	smul.u32 @!p0 $0xF7A, s2;
	p2 =	seq.s32 @!p0 s5, $0x0  }
0x1f: {  	s9 =	smul.u32 $0xF7A, s1;
	s8 =	simm.s32 @!p0 $0x1BF5;
	p2 =	por !p2, p0  }
0x20: {  	[sflag:s8] =	ssyncset.s32 @!p0 $0xFFFFF086;
	s6 =	sadd.s32 @!p0 s3, s7;
	s7 =	simm.s32 @!p0 $0x108  }
0x21: {  	s3 =	sadd.s32 s3, s9;
	s6 =	sadd.s32 @!p0 $0x88, s6;
	s7 =	simm.s32 @p2 $0x1082  }
0x22: {  	[simem:s7], [sflag:s8] =	dma.local @!p0 [hbm:s6], $0xF7A  }
0x23: {  	s9 =	sor.u32 $0xD0000000, s2;
	s6 =	simm.s32 $0x108;
	_ =	swait.ge @!p0 [sflag:s8], $0x0  }
0x24: {  	s3 =	sadd.s32 $0x88, s3;
	s6 =	simm.s32 @!p1 $0x1082;
	[sflag:s4] =	ssyncset.s32 $0xFFFFF086  }
0x25: {  	[simem:s6], [sflag:s4] =	dma.local [hbm:s3], $0xF7A  }
0x26: {  	[smem:$0x3F9E] =	sst s1;
	(tag) =	ssettag s2;
	_ =	strace s9  }
0x27: {  	s1 =	sld [smem:$0x3FAE]  }
0x28: {  	s2 =	sld [smem:$0x3FAF]  }
0x29: {  	s4 =	sld [smem:$0x3FB1]  }
0x2a: {  	p0 =	seq.s32 s5, $0x0;
	s5 =	sld [smem:$0x3FB2]  }
0x2b: {  	s6 =	sld [smem:$0x3FB3]  }
0x2c: {  	s7 =	sld [smem:$0x3FB4]  }
0x2d: {  	s3 =	simm.s32 $0x108;
	s8 =	sld [smem:$0x3FB5]  }
0x2e: {  	s3 =	simm.s32 @!p0 $0x1082;
	s9 =	sld [smem:$0x3FB6]  }
0x2f: {  	lr =	sadd.s32 s0, s3;
	s0 =	sld [smem:$0x3FAD]  }
0x30: {  	s3 =	sld [smem:$0x3FB0]  }
0x31: {  	[smem:$0x3FB9] =	sst s10  }
0x32: {  	s10 =	sld [smem:$0x3FB7];
	_ =	sdelay $0x3  }
0x33: {  	p0 =	seq.s32 s10, $0x1;
	s10 =	sld [smem:$0x3FB9];
	_ =	sdelay $0x3  }
0x34: {  	[smem:$0x3FB9] =	sst s10  }
0x35: {  	s10 =	sld [smem:$0x3FB8];
	_ =	sdelay $0x3  }
0x36: {  	p1 =	seq.s32 s10, $0x1;
	s10 =	sld [smem:$0x3FB9];
	_ =	sdelay $0x3  }
0x37: {  	[smem:$0x3FB9] =	sst s10  }
0x38: {  	s10 =	sld [smem:$0x3FBA]  }
0x39: {  	_ = 	snop;
	(pc) =	sbr.ind lr, $3  }
0x3a: {  	_ = 	snop  }
0x3b: {  	_ = 	snop  }
0x3c: {  	p2 =	seq.s32 s10, $0x1;
	s10 =	sld [smem:$0x3FB9]  }
0x3d: {  	_ =	shalt  }
0x3e: {  	_ =	shalt  }
0x3f: {  	_ =	shalt  }
0x40: {  	_ =	shalt  }
0x41: {  	_ =	shalt  }
0x42: {  	_ =	shalt  }
0x43: {  	_ =	shalt  }
0x44: {  	_ =	shalt  }
0x45: {  	_ =	shalt  }
0x46: {  	_ =	shalt  }
0x47: {  	_ =	shalt  }
0x48: {  	_ =	shalt  }
0x49: {  	_ =	shalt  }
0x4a: {  	_ =	shalt  }
0x4b: {  	_ =	shalt  }
0x4c: {  	_ =	shalt  }
0x4d: {  	_ =	shalt  }
0x4e: {  	_ =	shalt  }
0x4f: {  	_ =	shalt  }
0x50: {  	_ =	shalt  }
0x51: {  	_ =	shalt  }
0x52: {  	_ =	shalt  }
0x53: {  	_ =	shalt  }
0x54: {  	_ =	shalt  }
0x55: {  	_ =	shalt  }
0x56: {  	_ =	shalt  }
0x57: {  	_ =	shalt  }
0x58: {  	_ =	shalt  }
0x59: {  	_ =	shalt  }
0x5a: {  	_ =	shalt  }
0x5b: {  	_ =	shalt  }
0x5c: {  	_ =	shalt  }
0x5d: {  	_ =	shalt  }
0x5e: {  	_ =	shalt  }
0x5f: {  	_ =	shalt  }
0x60: {  	_ =	shalt  }
0x61: {  	_ =	shalt  }
0x62: {  	_ =	shalt  }
0x63: {  	_ =	shalt  }
0x64: {  	_ =	shalt  }
0x65: {  	_ =	shalt  }
0x66: {  	_ =	shalt  }
0x67: {  	_ =	shalt  }
0x68: {  	_ =	shalt  }
0x69: {  	_ =	shalt  }
0x6a: {  	_ =	shalt  }
0x6b: {  	_ =	shalt  }
0x6c: {  	_ =	shalt  }
0x6d: {  	_ =	shalt  }
0x6e: {  	_ =	shalt  }
0x6f: {  	_ =	shalt  }
0x70: {  	_ =	shalt  }
0x71: {  	_ =	shalt  }
0x72: {  	_ =	shalt  }
0x73: {  	_ =	shalt  }
0x74: {  	_ =	shalt  }
0x75: {  	_ =	shalt  }
0x76: {  	_ =	shalt  }
0x77: {  	_ =	shalt  }
0x78: {  	_ =	shalt  }
0x79: {  	_ =	shalt  }
0x7a: {  	_ =	shalt  }
0x7b: {  	_ =	shalt  }
0x7c: {  	_ =	shalt  }
0x7d: {  	_ =	shalt  }
0x7e: {  	_ =	shalt  }
0x7f: {  	_ =	shalt  }
0x80: {  	_ =	shalt  }
0x81: {  	_ =	shalt  }
0x82: {  	_ =	shalt  }
0x83: {  	_ =	shalt  }
0x84: {  	_ =	shalt  }
0x85: {  	_ =	shalt  }
0x86: {  	_ =	shalt  }
0x87: {  	_ =	shalt  }
.Lfunc_end0:
.L_simem_size_0:
called_computation_lowered:
.L_overlay_start_0:
0x88: {  	s2 =	sld [smem:$0x3FD9]  }
0x89: {  	s3 =	sld [smem:$0x3FFE];
	_ =	sdelay $0x1  }
0x8a: {  	s1 =	srdreg.scid  }
0x8b: {  	s0 =	sand.u32 $0x1, s1  }
0x8c: {  	s17 =	sshll.u32 s0, $0xA;
	s2 =	sadd.s32 s3, s2  }
0x8d: {  	s2 =	sadd.s32 s2, s17  }
0x8e: {  	[smem:$0x3FC5] =	sst s2  }
0x8f: {  	_ = 	snop  }
0x90: {  	s2 =	sld [smem:$0x3FD0];
	(tm) =	ssettm $0x1  }
0x91: {  	s18 =	sld [smem:$0x3FFB];
	_ =	sdelay $0x3  }
0x92: {  	_ =	strace s18  }
0x93: {  	s3 =	sld [smem:$0x3FFC];
	_ =	sdelay $0x3  }
0x94: {  	_ =	strace s3  }
0x95: {  	s3 =	sld [smem:$0x3FFD];
	_ =	sdelay $0x3  }
0x96: {  	_ =	strace s3  }
0x97: {  	_ =	strace $0x8FFFFFFF  }
0x98: {  	s19 =	sld [smem:$0x3FDB];
	_ =	sdelay $0x1  }
0x99: {  	s4 =	simm.s32 $_scs_section_size  }
0x9a: {  	s5 =	simm.s32 $_size__tile_overlayer_lowered;
	s6 =	simm.s32 $_tile_overlayer_lowered  }
0x9b: {  	s22 =	simm.s32 $0x1BFF;
	s21 =	sshll.u32 s6, $0x1;
	s3 =	sadd.s32 s4, s19  }
0x9c: {  	s7 =	simm.s32 $0x0;
	s20 =	sshll.u32 s5, $0x1;
	s5 =	sadd.s32 s21, s3  }
0x9d: {  	[timem:s7], [sflag:s22] =	dma.local [hbm:s5], s20  }
0x9e: {  	_ =	swait.ge [sflag:s22], s20  }
0x9f: {  	s4 =	ssub.s32 $0x0, s20;
	[sflag:s22] =	ssyncset.done $0x0  }
0xa0: {  	[sflag:s22] =	ssyncadd.s32 s4;
	_ =	sdelay $0x1  }
0xa1: {  	s23 =	simm.s32 $0x1B8B  }
0xa2: {  	_ =	swait.ge [sflag:s23], $0x1  }
0xa3: {  	[sflag:s23] =	ssyncset.done $0x0  }
0xa4: {  	s25 =	simm.s32 $0x1B8E;
	s24 =	sld [smem:$0x3FFE];
	[sflag:s23] =	ssyncadd.s32 $0xFFFFFFFF  }
0xa5: {  	s26 =	simm.s32 $execute0_lowered;
	[smem:$0x3FD2] =	sst s25  }
0xa6: {  	s5 =	sshll.u32 s26, $0x1;
	_ =	strace $0x80000046;
	[dreg:$0x1] =	wrdreg $0xFFFFFFFF  }
0xa7: {  	s28 =	simm.s32 $_size_execute0_lowered;
	s3 =	sadd.s32 s3, s5;
	[dreg:$0x0] =	wrdreg $0x0  }
0xa8: {  	s5 =	sshll.u32 s28, $0x1;
	[dreg:$0x2] =	wrdreg s3  }
0xa9: {  	[dreg:$0x3] =	wrdreg s5  }
0xaa: {  	[dreg:$0x4] =	wrdreg $0xC0  }
0xab: {  	_ =	task [dreg:s7], $0x5FFFF  }
0xac: {  	[dreg:$0x1] =	wrdreg $0xFFFFFFFF  }
0xad: {  	[dreg:$0x0] =	wrdreg $0x60  }
0xae: {  	[dreg:$0x2] =	wrdreg s24  }
0xaf: {  	[dreg:$0x3] =	wrdreg s2  }
0xb0: {  	[dreg:$0x4] =	wrdreg $0x2B000  }
0xb1: {  	[dreg:$0x5] =	wrdreg $0x9  }
0xb2: {  	_ =	task.clear_ibuf [dreg:s7], $0x6FFFF;
	_ =	strace $0x90000046  }
0xb3: {  	s29 =	simm.s32 $0x9;
	_ =	strace $0x80000048  }
0xb4: {  	_ =	swait.ge [sflag:s29], $0x1  }
0xb5: {  	[sflag:s29] =	ssyncadd.s32 $0xFFFFFFFF  }
0xb6: {  	_ =	strace $0x90000048  }
0xb7: {  	_ =	sfence  }
0xb8: {  	s30 =	sld [smem:$0x0];
	_ =	sdelay $0x2  }
0xb9: {  	s31 =	sshll.u32 s1, $0xD;
	s1 =	sshrl.u32 s1, $0x2  }
0xba: {  	s3 =	sand.u32 $0x4000, s31;
	s1 =	sadd.s32 s1, s30  }
0xbb: {  	s0 =	sor.u32 s3, s0;
	s1 =	sshll.u32 s1, $0x11  }
0xbc: {  	s0 =	sor.u32 s1, s0  }
0xbd: {  	s0 =	sadd.s32 $0x8F2B, s0  }
0xbe: {  	[sflag:s0] =	ssyncadd.remote.s32 $0x1  }
0xbf: {  	_ =	sfence.sel $0xFFFF  }
0xc0: {  	[dreg:$0x0] =	wrdreg $0xFFFFFFFF;
	(pc) =	sbr.abs _section_cstart, $3  }
0xc1: {  	[dreg:$0x1] =	wrdreg $0xFFFFFFFF  }
0xc2: {  	_ =	task.clear_ibuf [dreg:s7], $0x2FFFF;
	_ =	strace $0x9FFFFFFF  }
0xc3: {  	(tm) =	ssettm $0x7FFFFFFF  }
tec
execute0_lowered:
.L_overlay_start_1:
0x0: {  	(tag) =	ssettag $0x1  }
0x1: {  	s5 =	rddreg [dreg:$0x0]  }
0x2: {  	s6 =	rddreg [dreg:$0x1]  }
0x3: {  	s2 =	rddreg [dreg:$0x2]  }
0x4: {  	s3 =	srdreg.scid;
	s1 =	stileid.u32  }
0x5: {  	s0 =	rddreg [dreg:$0x3];
	s14 =	simm.s32 $0x20;
	s15 =	simm.s32 $0x10  }
0x6: {  	s16 =	simm.s32 $0x0;
	s4 =	sand.u32 $0x1, s3;
	s29 =	smul.u32 $0x500, s1  }
0x7: {  	s7 =	sshll.u32 s1, $0x1;
	s3 =	simm.s32 $0x0;
	s11 =	smul.u32 $0xA00, s1  }
0x8: {  	s12 =	sshll.u32 s1, $0x6;
	s8 =	ssub.s32 $0x2, s4;
	s7 =	sor.u32 s4, s7  }
0x9: {  	[smem:$0x7FF] =	sst s3;
	s4 =	sshll.u32 s4, $0x7;
	s12 =	sor.u32 $0x1C01, s12  }
0xa: {  	s9 =	sshrl.u32 s8, $0x1;
	s10 =	smul.u32 $0x2800, s7;
	_ =	strace $0x80000047  }
0xb: {  	p0 =	seq.s32 s7, $0x1F;
	s31 =	sshrl.u32 s11, $0x2;
	s11 =	simm.s32 $0x2800  }
0xc: {  	s8 =	ssub.s32 s8, s9;
	s9 =	sor.u32 s4, s29;
	s10 =	sshrl.u32 s10, $0x3  }
0xd: {  	s9 =	sshrl.u32 s9, $0x3;
	s7 =	smax.u32 s8, $0x1;
	s8 =	simm.s32 $0x1  }
0xe: {  	s30 =	sadd.s32 s5, s10;
	s10 =	sadd.s32 $0x16100, s5;
	s5 =	sadd.s32 s31, s2  }
0xf: {  	s6 =	sadd.s32 s6, s9;
	s9 =	simm.s32 $0x2880;
	s4 =	sadd.s32 $0xBE80, s30  }
0x10: {  	v0 =	vimm.f32 $1.000000000e+00;
	v1 =	vimm.f32 $0.0e+00;
	s13 =	sshrl.u32 s5, $0x3;
	s4 =	smov.u32 @p0 s10;
	s10 =	simm.s32 $0x80  }
.LBB2_1:
0x11: {  	[tilespmem:$0x2800] =	vst v0  }
0x12: {  	[tilespmem:$0x2810] =	vst v0  }
0x13: {  	[tilespmem:$0x2820] =	vst v0  }
0x14: {  	[tilespmem:$0x2830] =	vst v0  }
0x15: {  	[tilespmem:$0x2840] =	vst v0  }
0x16: {  	[tilespmem:$0x2850] =	vst v0  }
0x17: {  	[tilespmem:$0x2860] =	vst v0  }
0x18: {  	[tilespmem:$0x2870] =	vst v0  }
0x19: {  	[tilespmem:$0x2880] =	vst v1  }
0x1a: {  	[tilespmem:$0x2890] =	vst v1  }
0x1b: {  	[tilespmem:$0x28A0] =	vst v1  }
0x1c: {  	[tilespmem:$0x28B0] =	vst v1  }
0x1d: {  	[tilespmem:$0x28C0] =	vst v1  }
0x1e: {  	[tilespmem:$0x28D0] =	vst v1  }
0x1f: {  	[tilespmem:$0x28E0] =	vst v1  }
0x20: {  	[tilespmem:$0x28F0] =	vst v1  }
0x21: {  	[tilespmem:$0x2900] =	vst v1  }
0x22: {  	[tilespmem:$0x2910] =	vst v1  }
0x23: {  	[tilespmem:$0x2920] =	vst v1  }
0x24: {  	[tilespmem:$0x2930] =	vst v1  }
0x25: {  	[tilespmem:$0x2940] =	vst v1  }
0x26: {  	[tilespmem:$0x2950] =	vst v1  }
0x27: {  	[tilespmem:$0x2960] =	vst v1  }
0x28: {  	[tilespmem:$0x2970] =	vst v1  }
0x29: {  	[tilespmem:$0x2980] =	vst v1  }
0x2a: {  	[tilespmem:$0x2990] =	vst v1  }
0x2b: {  	[tilespmem:$0x29A0] =	vst v1  }
0x2c: {  	[tilespmem:$0x29B0] =	vst v1  }
0x2d: {  	[tilespmem:$0x29C0] =	vst v1  }
0x2e: {  	[tilespmem:$0x29D0] =	vst v1  }
0x2f: {  	[tilespmem:$0x29E0] =	vst v1  }
0x30: {  	[tilespmem:$0x29F0] =	vst v1  }
0x31: {  	[tilespmem:$0x2A00] =	vst v1  }
0x32: {  	[tilespmem:$0x2A10] =	vst v1  }
0x33: {  	[tilespmem:$0x2A20] =	vst v1  }
0x34: {  	[tilespmem:$0x2A30] =	vst v1  }
0x35: {  	[tilespmem:$0x2A40] =	vst v1  }
0x36: {  	[tilespmem:$0x2A50] =	vst v1  }
0x37: {  	[tilespmem:$0x2A60] =	vst v1  }
0x38: {  	[tilespmem:$0x2A70] =	vst v1  }
0x39: {  	[tilespmem:$0x2A80] =	vst v1  }
0x3a: {  	[tilespmem:$0x2A90] =	vst v1  }
0x3b: {  	[tilespmem:$0x2AA0] =	vst v1  }
0x3c: {  	[tilespmem:$0x2AB0] =	vst v1  }
0x3d: {  	[tilespmem:$0x2AC0] =	vst v1  }
0x3e: {  	[tilespmem:$0x2AD0] =	vst v1  }
0x3f: {  	[tilespmem:$0x2AE0] =	vst v1  }
0x40: {  	[tilespmem:$0x2AF0] =	vst v1  }
0x41: {  	[tilespmem:s3], [sflag:$0x1] =	stream.linear.gather [hbm4b:s4+s3], $0x2800, $0x38;
	[tilespmem:$0x2D80] =	vst v63  }
0x42: {  	_ =	swait.ge [sflag:s8], $0x2800  }
0x43: {  	[sflag:s8] =	ssyncset.done $0x0  }
0x44: {  	[sflag:s8] =	ssyncadd.s32 $0xFFFFD800  }
0x45: {  	[spmem:s5] =	stream.linear.scatter [tilespmem:s9], [sflag:$0x1], $0x280, $0x38;
	[tilespmem:$0x2D80] =	vst v63  }
0x46: {  	_ =	swait.ge [sflag:s8], $0x280  }
0x47: {  	[sflag:s8] =	ssyncset.done $0x0  }
0x48: {  	[sflag:s8] =	ssyncadd.s32 $0xFFFFFD80  }
0x49: {  	s17 =	simm.s32 $0x0;
	[bflag:$0x0] =	sbarrier.arrive $0xFFFF  }
0x4a: {  	[spmem:s2] =	stream.indirect.scatter.add.f32 [tilespmem:s11], [sflag:$0x1], $0x1, s17, s10, $0xb8;
	[tilespmem:$0x2D80] =	vst v63  }
0x4b: {  	_ =	swait.ge [sflag:s8], $0x80  }
0x4c: {  	s17 =	simm.s32 $0x200;
	[sflag:s8] =	ssyncset.done $0x0  }
.LBB2_2:
0x4d: {  	s18 =	sshra.s32 s17, $0x2;
	[sflag:s8] =	ssyncadd.s32 $0xFFFFFF80;
	p0 =	sne.s32 s17, $0x9E00  }
0x4e: {  	[spmem:s2] =	stream.indirect.scatter.add.f32 [tilespmem:s11], [sflag:$0x1], $0x1, s18, s10, $0xb8;
	[tilespmem:$0x2D80] =	vst v63  }
.Ltmp0:
0x4f: {  	_ = 	snop;
	(pc) =	sbr.rel @p0 .LBB2_2-.Ltmp0, $4  }
0x50: {  	_ = 	snop  }
0x51: {  	s17 =	sadd.s32 $0x200, s17  }
0x52: {  	_ =	swait.ge [sflag:s8], $0x80  }
0x53: {  	[sflag:s8] =	ssyncset.done $0x0  }
0x54: {  	s16 =	sadd.s32 $0x1, s16  }
0x55: {  	[sflag:s8] =	ssyncadd.s32 $0xFFFFFF80;
	p0 =	sne.s32 s16, s7  }
.Ltmp1:
0x56: {  	[bflag:$0x0] =	sbarrier.arrive $0xFFFF;
	(pc) =	sbr.rel @p0 .LBB2_1-.Ltmp1, $4  }
0x57: {  	[hbm:s6@s14], [sflag:s12] =	dma.strided [spmem:s13@s15], $0x50, s8, $0x10   }
0x58: {  	_ =	swait.ge [sflag:s8], $0x50  }
0x59: {  	[sflag:s8] =	ssyncset.done $0x0  }
0x5a: {  	[sflag:s8] =	ssyncadd.s32 $0xFFFFFFB0  }
0x5b: {  	_ =	sfence.sel $0x180000  }
0x5c: {  	[bflag:$0x0] =	sbarrier.arrive $0xFFFF  }
0x5d: {  	p0 =	sne.s32 s1, $0x0;
	_ =	strace $0x90000047  }
0x5e: {  	s0 =	sadd.s32 @!p0 $0x100000, s0;
	[bflag:$0x2] =	sbarrier.arrive $0xFFFF  }
0x5f: {  	[sflag:s0] =	ssyncadd.tile.s32 @!p0 $0x1;
	_ =	shalt  }
.Lfunc_end2:
_tile_overlayer_lowered:
.L_overlay_start_2:
0x60: {  	(tag) =	ssettag $0x2  }
0x61: {  	s0 =	rddreg [dreg:$0x0];
	s2 =	stileid.u32  }
0x62: {  	s1 =	rddreg [dreg:$0x1];
	p0 =	sne.s32 s2, $0x0  }
0x63: {  	s3 =	rddreg [dreg:$0x2];
	[bflag:$0x3] =	sbarrier.arrive $0xFFFF;
	s2 =	simm.s32 @!p0 $0x1C01  }
0x64: {  	[timem:s3], [sflag:s2] =	dma.local @!p0 [hbm:s0], s1  }
0x65: {  	s0 =	simm.s32 @!p0 $0x1  }
0x66: {  	_ =	swait.ge @!p0 [sflag:s0], s1  }
0x67: {  	s1 =	ssub.s32 @!p0 $0x0, s1;
	[sflag:s0] =	ssyncset.done @!p0 $0x0  }
0x68: {  	[sflag:s0] =	ssyncadd.s32 @!p0 s1  }
0x69: {  	[bflag:$0x3] =	sbarrier.arrive $0xFFFF  }
0x6a: {  	_ =	shalt  }

</sc_bundles>
